<compile_context>
chip_gen: v7x
topology: tpu7x:2x2x1
jax: 0.10.2.dev20260603
libtpu: 0.0.44.dev20260713+nightly
codegen_flags: <defaults>
</compile_context>

<pallas_src>
import functools

import jax
import jax.numpy as jnp
from jax import lax
from jax.experimental import pallas as pl
from jax.experimental.pallas import tpu as pltpu
from jax.experimental.pallas import tpu_sc as plsc

_N = 100000
_E = 3200000
_B = 10
_NC = 2
_NS = 16
_NW = _NC * _NS
_NP = 100096
_R = _NP // 128
_EPT = _E // _NW
_K = 4000
_NWIN = _EPT // _K
_SL = _NP // _NS

def _mesh():
    return plsc.VectorSubcoreMesh(
        core_axis_name="c", subcore_axis_name="s",
        num_cores=_NC, num_subcores=_NS)


def _lk(y):
    return jnp.where(y > 0, y, 0.01 * y)



def _k_mm_leaky(a_ref, b_ref, o_ref):
    o_ref[...] = _lk(jnp.dot(a_ref[...], b_ref[...],
                             preferred_element_type=jnp.float32))


def _k_mm_bias_leaky(a_ref, b_ref, c_ref, o_ref):
    o_ref[...] = _lk(jnp.dot(a_ref[...], b_ref[...],
                             preferred_element_type=jnp.float32) + c_ref[...])


def _k_maxlead(t_ref, o_ref):
    o_ref[...] = jnp.max(t_ref[...], axis=0)


def _k_head(t_ref, w_ref, b_ref, o_ref):
    m = jnp.max(t_ref[...], axis=0)
    o_ref[...] = jax.nn.sigmoid(
        jnp.dot(m, w_ref[...], preferred_element_type=jnp.float32) + b_ref[...])


def _k_norm1(d0, d1, x0, x1, r0, r1, indeg_o, dis1_o, p0_o, p1_o, p2_o, p3_o):
    indeg = d0[...] + d1[...]
    dis1 = lax.rsqrt(indeg + 1.0)
    indeg_o[...] = indeg
    dis1_o[...] = dis1
    p0_o[...] = dis1 * x0[...]
    p1_o[...] = dis1 * x1[...]
    p2_o[...] = dis1 * r0[...]
    p3_o[...] = dis1 * r1[...]


def _k_mid(sa0, sa1, sa2, sa3, sb0, sb1, sb2, sb3, x0, x1, r0, r1,
           indeg_r, dis1_r, w1_r, b1_r, w2_r, q_o, dis2_o):
    indeg = indeg_r[...]
    dis1 = dis1_r[...]
    cnt = indeg + 1.0
    h = (x0[...], x1[...], r0[...], r1[...])
    s = (sa0[...] + sb0[...], sa1[...] + sb1[...],
         sa2[...] + sb2[...], sa3[...] + sb3[...])
    agg = [dis1 * s[k] + dis1 * dis1 * h[k] for k in range(4)]
    h1w = jnp.zeros_like(indeg)
    for j in range(8):
        oj = (agg[0] * w1_r[0, j] + agg[1] * w1_r[1, j]
              + agg[2] * w1_r[2, j] + agg[3] * w1_r[3, j]) / cnt + b1_r[0, j]
        h1w = h1w + _lk(oj) * w2_r[j, 0]
    dis2 = lax.rsqrt(indeg + 2.0)
    q_o[...] = dis2 * h1w
    dis2_o[...] = dis2


def _k_fin(mall, qq, dd, b2_r, o_ref):
    z = dd[...] * jnp.maximum(jnp.max(mall[...], axis=0),
                              2.0 * qq[...]) + b2_r[0, 0]
    z = z - jnp.max(z, axis=1, keepdims=True)
    e = jnp.exp(z)
    o_ref[...] = e / jnp.sum(e, axis=1, keepdims=True)


def _tc(fn, out_shapes, *args, smem_args=0):
    n = len(args)
    in_specs = [pl.BlockSpec(memory_space=pltpu.VMEM)] * (n - smem_args) + \
               [pl.BlockSpec(memory_space=pltpu.SMEM)] * smem_args
    return pl.pallas_call(fn, out_shape=out_shapes, in_specs=in_specs)(*args)



def _wid_base():
    cid = lax.axis_index("c")
    sid = lax.axis_index("s")
    wid = sid * _NC + cid
    return cid, sid, wid * _EPT


def _deg_body(col_h, z_h, ones_h, out_h, idx_v, ones_v, obuf, acc, sem):
    cid, sid, base = _wid_base()
    o = sid * _SL
    pltpu.sync_copy(z_h.at[pl.ds(o, _SL)], obuf)
    pltpu.sync_copy(obuf, acc.at[pl.ds(o, _SL)])
    pltpu.sync_copy(ones_h, ones_v)
    plsc.subcore_barrier()

    def wb(w, carry):
        pltpu.sync_copy(col_h.at[pl.ds(base + w * _K, _K)], idx_v)
        pltpu.sync_copy(ones_v, acc.at[idx_v], add=True)
        return carry

    lax.fori_loop(0, _NWIN, wb, 0)
    plsc.subcore_barrier()
    pltpu.sync_copy(acc.at[pl.ds(o, _SL)], obuf)
    pltpu.sync_copy(obuf, out_h.at[pl.ds(cid * _NP + o, _SL)])


def _run_deg(col, zeros_np, ones_k):
    f = functools.partial(
        pl.kernel, _deg_body,
        out_type=jax.ShapeDtypeStruct((_NC * _NP,), jnp.float32),
        mesh=_mesh(),
        scratch_types=[
            pltpu.VMEM((_K,), jnp.int32),
            pltpu.VMEM((_K,), jnp.float32),
            pltpu.VMEM((_SL,), jnp.float32),
            pltpu.VMEM_SHARED((_NP,), jnp.float32),
            pltpu.SemaphoreType.DMA,
        ],
    )()
    return f(col, zeros_np, ones_k)


def _sum_body(row_h, col_h, p0_h, p1_h, p2_h, p3_h, z_h,
              o0_h, o1_h, o2_h, o3_h,
              idxr, idxc, vv0, vv1, vv2, vv3, obuf, sp0, sp1, sp2, sp3,
              ac0, ac1, ac2, ac3, sem):
    cid, sid, base = _wid_base()
    o = sid * _SL
    sl = pl.ds(o, _SL)
    for p_h, sp in ((p0_h, sp0), (p1_h, sp1), (p2_h, sp2), (p3_h, sp3)):
        pltpu.sync_copy(p_h.at[sl], obuf)
        pltpu.sync_copy(obuf, sp.at[sl])
    pltpu.sync_copy(z_h.at[sl], obuf)
    for ac in (ac0, ac1, ac2, ac3):
        pltpu.sync_copy(obuf, ac.at[sl])
    plsc.subcore_barrier()

    def wb(w, carry):
        off = base + w * _K
        pltpu.sync_copy(row_h.at[pl.ds(off, _K)], idxr)
        pltpu.sync_copy(col_h.at[pl.ds(off, _K)], idxc)
        vvs = (vv0, vv1, vv2, vv3)
        g = [pltpu.async_copy(sp.at[idxr], v, sem)
             for sp, v in zip((sp0, sp1, sp2, sp3), vvs)]
        for d in g:
            d.wait()
        s = [pltpu.async_copy(v, ac.at[idxc], sem, add=True)
             for ac, v in zip((ac0, ac1, ac2, ac3), vvs)]
        for d in s:
            d.wait()
        return carry

    lax.fori_loop(0, _NWIN, wb, 0)
    plsc.subcore_barrier()
    out_sl = pl.ds(cid * _NP + o, _SL)
    for ac, o_h in ((ac0, o0_h), (ac1, o1_h), (ac2, o2_h), (ac3, o3_h)):
        pltpu.sync_copy(ac.at[sl], obuf)
        pltpu.sync_copy(obuf, o_h.at[out_sl])


def _run_sum(row, col, p0, p1, p2, p3, zeros_np):
    st = jax.ShapeDtypeStruct((_NC * _NP,), jnp.float32)
    f = functools.partial(
        pl.kernel, _sum_body,
        out_type=(st, st, st, st),
        mesh=_mesh(),
        scratch_types=[
            pltpu.VMEM((_K,), jnp.int32),
            pltpu.VMEM((_K,), jnp.int32),
            pltpu.VMEM((_K,), jnp.float32),
            pltpu.VMEM((_K,), jnp.float32),
            pltpu.VMEM((_K,), jnp.float32),
            pltpu.VMEM((_K,), jnp.float32),
            pltpu.VMEM((_SL,), jnp.float32),
            pltpu.VMEM_SHARED((_NP,), jnp.float32),
            pltpu.VMEM_SHARED((_NP,), jnp.float32),
            pltpu.VMEM_SHARED((_NP,), jnp.float32),
            pltpu.VMEM_SHARED((_NP,), jnp.float32),
            pltpu.VMEM_SHARED((_NP,), jnp.float32),
            pltpu.VMEM_SHARED((_NP,), jnp.float32),
            pltpu.VMEM_SHARED((_NP,), jnp.float32),
            pltpu.VMEM_SHARED((_NP,), jnp.float32),
            pltpu.SemaphoreType.DMA,
        ],
    )()
    return f(row, col, p0, p1, p2, p3, zeros_np)


_SL2 = _SL // 2
_TMP = 8192


def _max_body(row_h, col_h, q_h, out_h, idxr, idxc, qv, kbuf, vbuf, tmp,
              hist, sq, abuf, sem):
    cid, sid, base = _wid_base()
    neg = jnp.float32(-3.4e38)
    o = sid * _SL
    for half in range(2):
        o2 = pl.ds(o + half * _SL2, _SL2)
        pltpu.sync_copy(q_h.at[o2], abuf)
        pltpu.sync_copy(abuf, sq.at[o2])
    plsc.subcore_barrier()

    def ib(j, carry):
        hist[pl.ds(j * 16, 16)] = jnp.full((16,), neg, jnp.float32)
        return carry

    lax.fori_loop(0, _NP // 16, ib, 0)

    def wb(w, carry):
        off = base + w * _K
        pltpu.sync_copy(row_h.at[pl.ds(off, _K)], idxr)
        pltpu.sync_copy(col_h.at[pl.ds(off, _K)], idxc)
        pltpu.async_copy(sq.at[idxr], qv, sem).wait()

        lane = lax.iota(jnp.int32, 16)

        def vb(j, c2):
            ck = idxc[pl.ds(j * 16, 16)]
            vv = qv[pl.ds(j * 16, 16)]
            hk = lax.bitwise_and(ck, _TMP - 1)
            lane_f = lane.astype(jnp.float32)
            plsc.store_scatter(tmp, [hk], lane_f)
            w = plsc.load_gather(tmp, [hk])
            dup = jnp.any(w != lane_f)

            @pl.when(jnp.logical_not(dup))
            def _():
                cur = plsc.load_gather(hist, [ck])
                plsc.store_scatter(hist, [ck], jnp.maximum(cur, vv))

            @pl.when(dup)
            def _():
                ck_f = ck.astype(jnp.float32)
                kbuf[...] = ck_f
                vbuf[...] = vv
                acc = vv
                for r in range(1, 16):
                    ir = lax.bitwise_and(lane + r, 15)
                    kr = plsc.load_gather(kbuf, [ir])
                    vr = plsc.load_gather(vbuf, [ir])
                    acc = jnp.where(kr == ck_f, jnp.maximum(acc, vr), acc)
                cur = plsc.load_gather(hist, [ck])
                plsc.store_scatter(hist, [ck], jnp.maximum(cur, acc))

            return c2

        lax.fori_loop(0, _K // 16, vb, 0)
        return carry

    lax.fori_loop(0, _NWIN, wb, 0)
    wid = sid * _NC + cid
    pltpu.sync_copy(hist, out_h.at[pl.ds(wid * _NP, _NP)])


def _run_max(row, col, qtab):
    f = functools.partial(
        pl.kernel, _max_body,
        out_type=jax.ShapeDtypeStruct((_NW * _NP,), jnp.float32),
        mesh=_mesh(),
        compiler_params=pltpu.CompilerParams(needs_layout_passes=False),
        scratch_types=[
            pltpu.VMEM((_K,), jnp.int32),
            pltpu.VMEM((_K,), jnp.int32),
            pltpu.VMEM((_K,), jnp.float32),
            pltpu.VMEM((16,), jnp.float32),
            pltpu.VMEM((16,), jnp.float32),
            pltpu.VMEM((_TMP,), jnp.float32),
            pltpu.VMEM((_NP,), jnp.float32),
            pltpu.VMEM_SHARED((_NP,), jnp.float32),
            pltpu.VMEM((_SL2,), jnp.float32),
            pltpu.SemaphoreType.DMA,
        ],
    )()
    return f(row, col, qtab)



def kernel(im, x, edge_index, num_nodes_per_graph, conv1_w, conv2_w, conv2_b,
           lin_w, lin_b, g1_W, g1_b, g2_W, g2_b):
    f32 = jnp.float32

    im_p = jnp.pad(im, ((0, 0), (0, 0), (2, 2), (2, 2)))
    t1 = [im_p[:, :, ky:ky + 57:4, kx:kx + 57:4]
          for ky in range(11) for kx in range(11)]
    pat1 = jnp.stack(t1, 0).transpose(1, 3, 4, 2, 0).reshape(_B * 225, 363)
    c1 = _tc(_k_mm_leaky, jax.ShapeDtypeStruct((_B * 225, 10), f32),
             pat1, conv1_w.reshape(10, 363).T)
    c1r = c1.reshape(_B, 15, 15, 10)
    t2 = [c1r[:, dy:dy + 13:2, dx:dx + 13:2, :]
          for dy in range(3) for dx in range(3)]
    p1 = _tc(_k_maxlead, jax.ShapeDtypeStruct((_B * 49, 10), f32),
             jnp.stack(t2, 0).reshape(9, _B * 49, 10))
    p1p = jnp.pad(p1.reshape(_B, 7, 7, 10).transpose(0, 3, 1, 2),
                  ((0, 0), (0, 0), (2, 2), (2, 2)))
    t3 = [p1p[:, :, ky:ky + 7:2, kx:kx + 7:2]
          for ky in range(5) for kx in range(5)]
    pat2 = jnp.stack(t3, 0).transpose(1, 3, 4, 2, 0).reshape(_B * 16, 250)
    c2 = _tc(_k_mm_bias_leaky, jax.ShapeDtypeStruct((_B * 16, 16), f32),
             pat2, conv2_w.reshape(16, 250).T, conv2_b.reshape(1, 16))
    c2r = c2.reshape(_B, 4, 4, 16)
    t4 = [c2r[:, dy:dy + 3:2, dx:dx + 3:2, :].transpose(0, 3, 1, 2).reshape(_B, 64)
          for dy in range(2) for dx in range(2)]
    imf = _tc(_k_head, jax.ShapeDtypeStruct((_B, 2), f32),
              jnp.stack(t4, 0), lin_w.T, lin_b.reshape(1, 2))

    row = edge_index[0]
    col = edge_index[1]
    rep = jnp.repeat(imf, num_nodes_per_graph, axis=0, total_repeat_length=_N)
    pad = _NP - _N

    def nshape(v):
        return jnp.pad(v, (0, pad)).reshape(_R, 128)

    x0, x1 = nshape(x[:, 0]), nshape(x[:, 1])
    r0, r1 = nshape(rep[:, 0]), nshape(rep[:, 1])

    zeros_np = jnp.zeros((_NP,), f32)
    ones_k = jnp.ones((_K,), f32)

    degp = _run_deg(col, zeros_np, ones_k).reshape(_NC, _NP)

    sh = jax.ShapeDtypeStruct((_R, 128), f32)
    indeg, dis1, p0, p1_, p2, p3 = _tc(
        _k_norm1, (sh,) * 6,
        degp[0].reshape(_R, 128), degp[1].reshape(_R, 128), x0, x1, r0, r1)

    sp = _run_sum(row, col, p0.reshape(_NP), p1_.reshape(_NP),
                  p2.reshape(_NP), p3.reshape(_NP), zeros_np)
    spr = [s.reshape(_NC, _NP) for s in sp]

    sa = [s[0].reshape(_R, 128) for s in spr]
    sb = [s[1].reshape(_R, 128) for s in spr]
    q, dis2 = _tc(
        _k_mid, (sh, sh),
        sa[0], sa[1], sa[2], sa[3], sb[0], sb[1], sb[2], sb[3],
        x0, x1, r0, r1, indeg, dis1,
        g1_W, g1_b.reshape(1, 8), g2_W, smem_args=3)

    mxp = _run_max(row, col, q.reshape(_NP)).reshape(_NW, _NP)

    def g10k(v):
        return v.reshape(_NP)[:_N].reshape(_B, _N // _B)

    mall = mxp[:, :_N].reshape(_NW, _B, _N // _B)
    sm = _tc(_k_fin, jax.ShapeDtypeStruct((_B, _N // _B), f32),
             mall, g10k(q), g10k(dis2),
             g2_b.reshape(1, 1), smem_args=1)
    return (sm, imf)

# --- scband reference (transcript-rebuilt; emitter-appended) ---
"""Pipeline reference for scband-gcnnet-39986145526488 (READ-ONLY COPY).

The authoritative reference and input builder live on the scoring server;
editing this copy changes nothing except your own understanding.
"""

import jax, jax.numpy as jnp
import numpy as np

N = 100000
E = 3200000
B = 10


def _leaky(x):
    return jnp.where(x > 0, x, 0.01 * x)


def _conv2d(x, w, stride, pad):
    return jax.lax.conv_general_dilated(x, w, (stride, stride), [(pad, pad), (pad, pad)], dimension_numbers=('NCHW', 'OIHW', 'NCHW'))


def _maxpool(x, k, s):
    return jax.lax.reduce_window(x, -jnp.inf, jax.lax.max, (1, 1, k, k), (1, 1, s, s), 'VALID')


def _global_features(im, conv1_w, conv2_w, conv2_b, lin_w, lin_b):
    h = _leaky(_conv2d(im, conv1_w, 4, 2))
    h = _maxpool(h, 3, 2)
    h = _leaky(_conv2d(h, conv2_w, 2, 2) + conv2_b[None, :, None, None])
    h = _maxpool(h, 2, 2)
    h = h.reshape(h.shape[0], -1)
    h = h @ lin_w.T + lin_b
    return jax.nn.sigmoid(h)


def _gcn_conv(x, edge_index, W, b, improved, aggr):
    n = x.shape[0]
    loop = jnp.arange(n, dtype=edge_index.dtype)
    row = jnp.concatenate([edge_index[0], loop])
    col = jnp.concatenate([edge_index[1], loop])
    fill = 2.0 if improved else 1.0
    ew = jnp.concatenate([jnp.ones((edge_index.shape[1],), jnp.float32), jnp.full((n,), fill, jnp.float32)])
    deg = jax.ops.segment_sum(ew, col, num_segments=n)
    dis = jnp.where(deg > 0, deg ** -0.5, 0.0)
    norm = dis[row] * ew * dis[col]
    xl = x @ W
    m = norm[:, None] * xl[row]
    if aggr == 'mean':
        s = jax.ops.segment_sum(m, col, num_segments=n)
        cnt = jax.ops.segment_sum(jnp.ones_like(norm), col, num_segments=n)
        out = s / jnp.maximum(cnt, 1.0)[:, None]
    else:
        out = jax.ops.segment_max(m, col, num_segments=n)
        out = jnp.where(jnp.isfinite(out), out, 0.0)
    return out + b


def setup_inputs(seed: int = 0):
    key = jax.random.key(seed)
    ks = jax.random.split(key, 10)
    inp = {}
    inp['im'] = jax.random.normal(ks[0], (B, 3, 64, 64), jnp.float32)
    inp['x'] = jax.random.normal(ks[1], (N, 2), jnp.float32)
    inp['edge_index'] = jax.random.randint(ks[2], (2, E), 0, N, dtype=jnp.int32)
    inp['num_nodes_per_graph'] = jnp.full((B,), N // B, dtype=jnp.int32)
    inp['conv1_w'] = jax.random.normal(ks[3], (10, 3, 11, 11), jnp.float32) * 0.05
    inp['conv2_w'] = jax.random.normal(ks[4], (16, 10, 5, 5), jnp.float32) * 0.05
    inp['conv2_b'] = jnp.zeros((16,), jnp.float32)
    inp['lin_w'] = jax.random.normal(ks[5], (2, 64), jnp.float32) * 0.1
    inp['lin_b'] = jnp.zeros((2,), jnp.float32)
    inp['g1_W'] = jax.random.normal(ks[6], (4, 8), jnp.float32) * 0.3
    inp['g1_b'] = jnp.zeros((8,), jnp.float32)
    inp['g2_W'] = jax.random.normal(ks[7], (8, 1), jnp.float32) * 0.3
    inp['g2_b'] = jnp.zeros((1,), jnp.float32)
    return inp


def reference(im, x, edge_index, num_nodes_per_graph, conv1_w, conv2_w, conv2_b, lin_w, lin_b, g1_W, g1_b, g2_W, g2_b):
    image_features = _global_features(im, conv1_w, conv2_w, conv2_b, lin_w, lin_b)
    rep = jnp.repeat(image_features, num_nodes_per_graph, axis=0, total_repeat_length=N)
    h = jnp.concatenate([x, rep], axis=1)
    h1 = _leaky(_gcn_conv(h, edge_index, g1_W, g1_b, False, 'mean'))
    h2 = _gcn_conv(h1, edge_index, g2_W, g2_b, True, 'max')
    out = h2.reshape(B, -1)
    return (jax.nn.softmax(out, axis=1), image_features)

if __name__ == "__main__":
    import jax
    _d = setup_inputs()
    print(jax.jit(kernel)(*tuple(_d.values())))

</pallas_src>

<mosaic_0001>
#map = affine_map<(d0, d1) -> (0)>
module attributes {stable_mosaic.version = 14 : i64} {
  func.func @_sum_body(%arg0: i32, %arg1: i32, %arg2: memref<3200000xi32, #tpu.memory_space<hbm>>, %arg3: memref<3200000xi32, #tpu.memory_space<hbm>>, %arg4: memref<100096xf32, #tpu.memory_space<hbm>>, %arg5: memref<100096xf32, #tpu.memory_space<hbm>>, %arg6: memref<100096xf32, #tpu.memory_space<hbm>>, %arg7: memref<100096xf32, #tpu.memory_space<hbm>>, %arg8: memref<100096xf32, #tpu.memory_space<hbm>>, %arg9: memref<200192xf32, #tpu.memory_space<hbm>>, %arg10: memref<200192xf32, #tpu.memory_space<hbm>>, %arg11: memref<200192xf32, #tpu.memory_space<hbm>>, %arg12: memref<200192xf32, #tpu.memory_space<hbm>>, %arg13: memref<4000xi32, #tpu.memory_space<vmem>>, %arg14: memref<4000xi32, #tpu.memory_space<vmem>>, %arg15: memref<4000xf32, #tpu.memory_space<vmem>>, %arg16: memref<4000xf32, #tpu.memory_space<vmem>>, %arg17: memref<4000xf32, #tpu.memory_space<vmem>>, %arg18: memref<4000xf32, #tpu.memory_space<vmem>>, %arg19: memref<6256xf32, #tpu.memory_space<vmem>>, %arg20: memref<100096xf32, #tpu.memory_space<vmem_shared>>, %arg21: memref<100096xf32, #tpu.memory_space<vmem_shared>>, %arg22: memref<100096xf32, #tpu.memory_space<vmem_shared>>, %arg23: memref<100096xf32, #tpu.memory_space<vmem_shared>>, %arg24: memref<100096xf32, #tpu.memory_space<vmem_shared>>, %arg25: memref<100096xf32, #tpu.memory_space<vmem_shared>>, %arg26: memref<100096xf32, #tpu.memory_space<vmem_shared>>, %arg27: memref<100096xf32, #tpu.memory_space<vmem_shared>>, %arg28: memref<!tpu.dma_semaphore, #tpu.memory_space<semaphore_mem>>) attributes {dimension_semantics = [#tpu.dimension_semantics<core_parallel>, #tpu.dimension_semantics<subcore_parallel>], iteration_bounds = array<i64: 2, 16>, scalar_prefetch = 0 : i64, scratch_operands = 16 : i64, tpu.core_type = #tpu.core_type<sc_vector_subcore>, window_params = [{transform_indices = #map}, {transform_indices = #map}, {transform_indices = #map}, {transform_indices = #map}, {transform_indices = #map}, {transform_indices = #map}, {transform_indices = #map}, {transform_indices = #map}, {transform_indices = #map}, {transform_indices = #map}, {transform_indices = #map}]} {
    %mul3A = arith.constant 2 : i32
    %mul3A_0 = arith.muli %arg1, %mul3A : i32
    %add3A = arith.addi %mul3A_0, %arg0 : i32
    %mul3A_1 = arith.constant 100000 : i32
    %mul3A_2 = arith.muli %add3A, %mul3A_1 : i32
    %mul3A_3 = arith.constant 6256 : i32
    %mul3A_4 = arith.muli %arg1, %mul3A_3 : i32
    "tpu.region"() ({
      %run_scoped3A = tpu.sem_alloc : memref<!tpu.dma_semaphore, #tpu.memory_space<semaphore_mem>>
      %dma_start3A = tpu.memref_slice %arg4[%mul3A_4] : memref<100096xf32, #tpu.memory_space<hbm>> -> memref<6256xf32, #tpu.memory_space<hbm>>
      %dma_start3A_14 = tpu.memref_slice %arg4[%mul3A_4] : memref<100096xf32, #tpu.memory_space<hbm>> -> memref<6256xf32, #tpu.memory_space<hbm>>
      tpu.enqueue_dma source(%dma_start3A_14 : memref<6256xf32, #tpu.memory_space<hbm>>) target(%arg19 : memref<6256xf32, #tpu.memory_space<vmem>>) target_semaphore(%run_scoped3A : memref<!tpu.dma_semaphore, #tpu.memory_space<semaphore_mem>>)
      %dma_wait3A = tpu.memref_slice %arg4[%mul3A_4] : memref<100096xf32, #tpu.memory_space<hbm>> -> memref<6256xf32, #tpu.memory_space<hbm>>
      %dma_wait3A_15 = tpu.memref_slice %arg4[%mul3A_4] : memref<100096xf32, #tpu.memory_space<hbm>> -> memref<6256xf32, #tpu.memory_space<hbm>>
      tpu.wait_dma2 semaphore(%run_scoped3A : memref<!tpu.dma_semaphore, #tpu.memory_space<semaphore_mem>>) src(%dma_wait3A_15 : memref<6256xf32, #tpu.memory_space<hbm>>) dst(%arg19 : memref<6256xf32, #tpu.memory_space<vmem>>)
      tpu.yield
    }) : () -> ()
    "tpu.region"() ({
      %run_scoped3A = tpu.sem_alloc : memref<!tpu.dma_semaphore, #tpu.memory_space<semaphore_mem>>
      %dma_start3A = tpu.memref_slice %arg20[%mul3A_4] : memref<100096xf32, #tpu.memory_space<vmem_shared>> -> memref<6256xf32, #tpu.memory_space<vmem_shared>>
      %dma_start3A_14 = tpu.memref_slice %arg20[%mul3A_4] : memref<100096xf32, #tpu.memory_space<vmem_shared>> -> memref<6256xf32, #tpu.memory_space<vmem_shared>>
      tpu.enqueue_dma source(%arg19 : memref<6256xf32, #tpu.memory_space<vmem>>) target(%dma_start3A_14 : memref<6256xf32, #tpu.memory_space<vmem_shared>>) target_semaphore(%run_scoped3A : memref<!tpu.dma_semaphore, #tpu.memory_space<semaphore_mem>>)
      %dma_wait3A = tpu.memref_slice %arg20[%mul3A_4] : memref<100096xf32, #tpu.memory_space<vmem_shared>> -> memref<6256xf32, #tpu.memory_space<vmem_shared>>
      %dma_wait3A_15 = tpu.memref_slice %arg20[%mul3A_4] : memref<100096xf32, #tpu.memory_space<vmem_shared>> -> memref<6256xf32, #tpu.memory_space<vmem_shared>>
      tpu.wait_dma2 semaphore(%run_scoped3A : memref<!tpu.dma_semaphore, #tpu.memory_space<semaphore_mem>>) src(%arg19 : memref<6256xf32, #tpu.memory_space<vmem>>) dst(%dma_wait3A_15 : memref<6256xf32, #tpu.memory_space<vmem_shared>>)
      tpu.yield
    }) : () -> ()
    "tpu.region"() ({
      %run_scoped3A = tpu.sem_alloc : memref<!tpu.dma_semaphore, #tpu.memory_space<semaphore_mem>>
      %dma_start3A = tpu.memref_slice %arg5[%mul3A_4] : memref<100096xf32, #tpu.memory_space<hbm>> -> memref<6256xf32, #tpu.memory_space<hbm>>
      %dma_start3A_14 = tpu.memref_slice %arg5[%mul3A_4] : memref<100096xf32, #tpu.memory_space<hbm>> -> memref<6256xf32, #tpu.memory_space<hbm>>
      tpu.enqueue_dma source(%dma_start3A_14 : memref<6256xf32, #tpu.memory_space<hbm>>) target(%arg19 : memref<6256xf32, #tpu.memory_space<vmem>>) target_semaphore(%run_scoped3A : memref<!tpu.dma_semaphore, #tpu.memory_space<semaphore_mem>>)
      %dma_wait3A = tpu.memref_slice %arg5[%mul3A_4] : memref<100096xf32, #tpu.memory_space<hbm>> -> memref<6256xf32, #tpu.memory_space<hbm>>
      %dma_wait3A_15 = tpu.memref_slice %arg5[%mul3A_4] : memref<100096xf32, #tpu.memory_space<hbm>> -> memref<6256xf32, #tpu.memory_space<hbm>>
      tpu.wait_dma2 semaphore(%run_scoped3A : memref<!tpu.dma_semaphore, #tpu.memory_space<semaphore_mem>>) src(%dma_wait3A_15 : memref<6256xf32, #tpu.memory_space<hbm>>) dst(%arg19 : memref<6256xf32, #tpu.memory_space<vmem>>)
      tpu.yield
    }) : () -> ()
    "tpu.region"() ({
      %run_scoped3A = tpu.sem_alloc : memref<!tpu.dma_semaphore, #tpu.memory_space<semaphore_mem>>
      %dma_start3A = tpu.memref_slice %arg21[%mul3A_4] : memref<100096xf32, #tpu.memory_space<vmem_shared>> -> memref<6256xf32, #tpu.memory_space<vmem_shared>>
      %dma_start3A_14 = tpu.memref_slice %arg21[%mul3A_4] : memref<100096xf32, #tpu.memory_space<vmem_shared>> -> memref<6256xf32, #tpu.memory_space<vmem_shared>>
      tpu.enqueue_dma source(%arg19 : memref<6256xf32, #tpu.memory_space<vmem>>) target(%dma_start3A_14 : memref<6256xf32, #tpu.memory_space<vmem_shared>>) target_semaphore(%run_scoped3A : memref<!tpu.dma_semaphore, #tpu.memory_space<semaphore_mem>>)
      %dma_wait3A = tpu.memref_slice %arg21[%mul3A_4] : memref<100096xf32, #tpu.memory_space<vmem_shared>> -> memref<6256xf32, #tpu.memory_space<vmem_shared>>
      %dma_wait3A_15 = tpu.memref_slice %arg21[%mul3A_4] : memref<100096xf32, #tpu.memory_space<vmem_shared>> -> memref<6256xf32, #tpu.memory_space<vmem_shared>>
      tpu.wait_dma2 semaphore(%run_scoped3A : memref<!tpu.dma_semaphore, #tpu.memory_space<semaphore_mem>>) src(%arg19 : memref<6256xf32, #tpu.memory_space<vmem>>) dst(%dma_wait3A_15 : memref<6256xf32, #tpu.memory_space<vmem_shared>>)
      tpu.yield
    }) : () -> ()
    "tpu.region"() ({
      %run_scoped3A = tpu.sem_alloc : memref<!tpu.dma_semaphore, #tpu.memory_space<semaphore_mem>>
      %dma_start3A = tpu.memref_slice %arg6[%mul3A_4] : memref<100096xf32, #tpu.memory_space<hbm>> -> memref<6256xf32, #tpu.memory_space<hbm>>
      %dma_start3A_14 = tpu.memref_slice %arg6[%mul3A_4] : memref<100096xf32, #tpu.memory_space<hbm>> -> memref<6256xf32, #tpu.memory_space<hbm>>
      tpu.enqueue_dma source(%dma_start3A_14 : memref<6256xf32, #tpu.memory_space<hbm>>) target(%arg19 : memref<6256xf32, #tpu.memory_space<vmem>>) target_semaphore(%run_scoped3A : memref<!tpu.dma_semaphore, #tpu.memory_space<semaphore_mem>>)
      %dma_wait3A = tpu.memref_slice %arg6[%mul3A_4] : memref<100096xf32, #tpu.memory_space<hbm>> -> memref<6256xf32, #tpu.memory_space<hbm>>
      %dma_wait3A_15 = tpu.memref_slice %arg6[%mul3A_4] : memref<100096xf32, #tpu.memory_space<hbm>> -> memref<6256xf32, #tpu.memory_space<hbm>>
      tpu.wait_dma2 semaphore(%run_scoped3A : memref<!tpu.dma_semaphore, #tpu.memory_space<semaphore_mem>>) src(%dma_wait3A_15 : memref<6256xf32, #tpu.memory_space<hbm>>) dst(%arg19 : memref<6256xf32, #tpu.memory_space<vmem>>)
      tpu.yield
    }) : () -> ()
    "tpu.region"() ({
      %run_scoped3A = tpu.sem_alloc : memref<!tpu.dma_semaphore, #tpu.memory_space<semaphore_mem>>
      %dma_start3A = tpu.memref_slice %arg22[%mul3A_4] : memref<100096xf32, #tpu.memory_space<vmem_shared>> -> memref<6256xf32, #tpu.memory_space<vmem_shared>>
      %dma_start3A_14 = tpu.memref_slice %arg22[%mul3A_4] : memref<100096xf32, #tpu.memory_space<vmem_shared>> -> memref<6256xf32, #tpu.memory_space<vmem_shared>>
      tpu.enqueue_dma source(%arg19 : memref<6256xf32, #tpu.memory_space<vmem>>) target(%dma_start3A_14 : memref<6256xf32, #tpu.memory_space<vmem_shared>>) target_semaphore(%run_scoped3A : memref<!tpu.dma_semaphore, #tpu.memory_space<semaphore_mem>>)
      %dma_wait3A = tpu.memref_slice %arg22[%mul3A_4] : memref<100096xf32, #tpu.memory_space<vmem_shared>> -> memref<6256xf32, #tpu.memory_space<vmem_shared>>
      %dma_wait3A_15 = tpu.memref_slice %arg22[%mul3A_4] : memref<100096xf32, #tpu.memory_space<vmem_shared>> -> memref<6256xf32, #tpu.memory_space<vmem_shared>>
      tpu.wait_dma2 semaphore(%run_scoped3A : memref<!tpu.dma_semaphore, #tpu.memory_space<semaphore_mem>>) src(%arg19 : memref<6256xf32, #tpu.memory_space<vmem>>) dst(%dma_wait3A_15 : memref<6256xf32, #tpu.memory_space<vmem_shared>>)
      tpu.yield
    }) : () -> ()
    "tpu.region"() ({
      %run_scoped3A = tpu.sem_alloc : memref<!tpu.dma_semaphore, #tpu.memory_space<semaphore_mem>>
      %dma_start3A = tpu.memref_slice %arg7[%mul3A_4] : memref<100096xf32, #tpu.memory_space<hbm>> -> memref<6256xf32, #tpu.memory_space<hbm>>
      %dma_start3A_14 = tpu.memref_slice %arg7[%mul3A_4] : memref<100096xf32, #tpu.memory_space<hbm>> -> memref<6256xf32, #tpu.memory_space<hbm>>
      tpu.enqueue_dma source(%dma_start3A_14 : memref<6256xf32, #tpu.memory_space<hbm>>) target(%arg19 : memref<6256xf32, #tpu.memory_space<vmem>>) target_semaphore(%run_scoped3A : memref<!tpu.dma_semaphore, #tpu.memory_space<semaphore_mem>>)
      %dma_wait3A = tpu.memref_slice %arg7[%mul3A_4] : memref<100096xf32, #tpu.memory_space<hbm>> -> memref<6256xf32, #tpu.memory_space<hbm>>
      %dma_wait3A_15 = tpu.memref_slice %arg7[%mul3A_4] : memref<100096xf32, #tpu.memory_space<hbm>> -> memref<6256xf32, #tpu.memory_space<hbm>>
      tpu.wait_dma2 semaphore(%run_scoped3A : memref<!tpu.dma_semaphore, #tpu.memory_space<semaphore_mem>>) src(%dma_wait3A_15 : memref<6256xf32, #tpu.memory_space<hbm>>) dst(%arg19 : memref<6256xf32, #tpu.memory_space<vmem>>)
      tpu.yield
    }) : () -> ()
    "tpu.region"() ({
      %run_scoped3A = tpu.sem_alloc : memref<!tpu.dma_semaphore, #tpu.memory_space<semaphore_mem>>
      %dma_start3A = tpu.memref_slice %arg23[%mul3A_4] : memref<100096xf32, #tpu.memory_space<vmem_shared>> -> memref<6256xf32, #tpu.memory_space<vmem_shared>>
      %dma_start3A_14 = tpu.memref_slice %arg23[%mul3A_4] : memref<100096xf32, #tpu.memory_space<vmem_shared>> -> memref<6256xf32, #tpu.memory_space<vmem_shared>>
      tpu.enqueue_dma source(%arg19 : memref<6256xf32, #tpu.memory_space<vmem>>) target(%dma_start3A_14 : memref<6256xf32, #tpu.memory_space<vmem_shared>>) target_semaphore(%run_scoped3A : memref<!tpu.dma_semaphore, #tpu.memory_space<semaphore_mem>>)
      %dma_wait3A = tpu.memref_slice %arg23[%mul3A_4] : memref<100096xf32, #tpu.memory_space<vmem_shared>> -> memref<6256xf32, #tpu.memory_space<vmem_shared>>
      %dma_wait3A_15 = tpu.memref_slice %arg23[%mul3A_4] : memref<100096xf32, #tpu.memory_space<vmem_shared>> -> memref<6256xf32, #tpu.memory_space<vmem_shared>>
      tpu.wait_dma2 semaphore(%run_scoped3A : memref<!tpu.dma_semaphore, #tpu.memory_space<semaphore_mem>>) src(%arg19 : memref<6256xf32, #tpu.memory_space<vmem>>) dst(%dma_wait3A_15 : memref<6256xf32, #tpu.memory_space<vmem_shared>>)
      tpu.yield
    }) : () -> ()
    "tpu.region"() ({
      %run_scoped3A = tpu.sem_alloc : memref<!tpu.dma_semaphore, #tpu.memory_space<semaphore_mem>>
      %dma_start3A = tpu.memref_slice %arg8[%mul3A_4] : memref<100096xf32, #tpu.memory_space<hbm>> -> memref<6256xf32, #tpu.memory_space<hbm>>
      %dma_start3A_14 = tpu.memref_slice %arg8[%mul3A_4] : memref<100096xf32, #tpu.memory_space<hbm>> -> memref<6256xf32, #tpu.memory_space<hbm>>
      tpu.enqueue_dma source(%dma_start3A_14 : memref<6256xf32, #tpu.memory_space<hbm>>) target(%arg19 : memref<6256xf32, #tpu.memory_space<vmem>>) target_semaphore(%run_scoped3A : memref<!tpu.dma_semaphore, #tpu.memory_space<semaphore_mem>>)
      %dma_wait3A = tpu.memref_slice %arg8[%mul3A_4] : memref<100096xf32, #tpu.memory_space<hbm>> -> memref<6256xf32, #tpu.memory_space<hbm>>
      %dma_wait3A_15 = tpu.memref_slice %arg8[%mul3A_4] : memref<100096xf32, #tpu.memory_space<hbm>> -> memref<6256xf32, #tpu.memory_space<hbm>>
      tpu.wait_dma2 semaphore(%run_scoped3A : memref<!tpu.dma_semaphore, #tpu.memory_space<semaphore_mem>>) src(%dma_wait3A_15 : memref<6256xf32, #tpu.memory_space<hbm>>) dst(%arg19 : memref<6256xf32, #tpu.memory_space<vmem>>)
      tpu.yield
    }) : () -> ()
    "tpu.region"() ({
      %run_scoped3A = tpu.sem_alloc : memref<!tpu.dma_semaphore, #tpu.memory_space<semaphore_mem>>
      %dma_start3A = tpu.memref_slice %arg24[%mul3A_4] : memref<100096xf32, #tpu.memory_space<vmem_shared>> -> memref<6256xf32, #tpu.memory_space<vmem_shared>>
      %dma_start3A_14 = tpu.memref_slice %arg24[%mul3A_4] : memref<100096xf32, #tpu.memory_space<vmem_shared>> -> memref<6256xf32, #tpu.memory_space<vmem_shared>>
      tpu.enqueue_dma source(%arg19 : memref<6256xf32, #tpu.memory_space<vmem>>) target(%dma_start3A_14 : memref<6256xf32, #tpu.memory_space<vmem_shared>>) target_semaphore(%run_scoped3A : memref<!tpu.dma_semaphore, #tpu.memory_space<semaphore_mem>>)
      %dma_wait3A = tpu.memref_slice %arg24[%mul3A_4] : memref<100096xf32, #tpu.memory_space<vmem_shared>> -> memref<6256xf32, #tpu.memory_space<vmem_shared>>
      %dma_wait3A_15 = tpu.memref_slice %arg24[%mul3A_4] : memref<100096xf32, #tpu.memory_space<vmem_shared>> -> memref<6256xf32, #tpu.memory_space<vmem_shared>>
      tpu.wait_dma2 semaphore(%run_scoped3A : memref<!tpu.dma_semaphore, #tpu.memory_space<semaphore_mem>>) src(%arg19 : memref<6256xf32, #tpu.memory_space<vmem>>) dst(%dma_wait3A_15 : memref<6256xf32, #tpu.memory_space<vmem_shared>>)
      tpu.yield
    }) : () -> ()
    "tpu.region"() ({
      %run_scoped3A = tpu.sem_alloc : memref<!tpu.dma_semaphore, #tpu.memory_space<semaphore_mem>>
      %dma_start3A = tpu.memref_slice %arg25[%mul3A_4] : memref<100096xf32, #tpu.memory_space<vmem_shared>> -> memref<6256xf32, #tpu.memory_space<vmem_shared>>
      %dma_start3A_14 = tpu.memref_slice %arg25[%mul3A_4] : memref<100096xf32, #tpu.memory_space<vmem_shared>> -> memref<6256xf32, #tpu.memory_space<vmem_shared>>
      tpu.enqueue_dma source(%arg19 : memref<6256xf32, #tpu.memory_space<vmem>>) target(%dma_start3A_14 : memref<6256xf32, #tpu.memory_space<vmem_shared>>) target_semaphore(%run_scoped3A : memref<!tpu.dma_semaphore, #tpu.memory_space<semaphore_mem>>)
      %dma_wait3A = tpu.memref_slice %arg25[%mul3A_4] : memref<100096xf32, #tpu.memory_space<vmem_shared>> -> memref<6256xf32, #tpu.memory_space<vmem_shared>>
      %dma_wait3A_15 = tpu.memref_slice %arg25[%mul3A_4] : memref<100096xf32, #tpu.memory_space<vmem_shared>> -> memref<6256xf32, #tpu.memory_space<vmem_shared>>
      tpu.wait_dma2 semaphore(%run_scoped3A : memref<!tpu.dma_semaphore, #tpu.memory_space<semaphore_mem>>) src(%arg19 : memref<6256xf32, #tpu.memory_space<vmem>>) dst(%dma_wait3A_15 : memref<6256xf32, #tpu.memory_space<vmem_shared>>)
      tpu.yield
    }) : () -> ()
    "tpu.region"() ({
      %run_scoped3A = tpu.sem_alloc : memref<!tpu.dma_semaphore, #tpu.memory_space<semaphore_mem>>
      %dma_start3A = tpu.memref_slice %arg26[%mul3A_4] : memref<100096xf32, #tpu.memory_space<vmem_shared>> -> memref<6256xf32, #tpu.memory_space<vmem_shared>>
      %dma_start3A_14 = tpu.memref_slice %arg26[%mul3A_4] : memref<100096xf32, #tpu.memory_space<vmem_shared>> -> memref<6256xf32, #tpu.memory_space<vmem_shared>>
      tpu.enqueue_dma source(%arg19 : memref<6256xf32, #tpu.memory_space<vmem>>) target(%dma_start3A_14 : memref<6256xf32, #tpu.memory_space<vmem_shared>>) target_semaphore(%run_scoped3A : memref<!tpu.dma_semaphore, #tpu.memory_space<semaphore_mem>>)
      %dma_wait3A = tpu.memref_slice %arg26[%mul3A_4] : memref<100096xf32, #tpu.memory_space<vmem_shared>> -> memref<6256xf32, #tpu.memory_space<vmem_shared>>
      %dma_wait3A_15 = tpu.memref_slice %arg26[%mul3A_4] : memref<100096xf32, #tpu.memory_space<vmem_shared>> -> memref<6256xf32, #tpu.memory_space<vmem_shared>>
      tpu.wait_dma2 semaphore(%run_scoped3A : memref<!tpu.dma_semaphore, #tpu.memory_space<semaphore_mem>>) src(%arg19 : memref<6256xf32, #tpu.memory_space<vmem>>) dst(%dma_wait3A_15 : memref<6256xf32, #tpu.memory_space<vmem_shared>>)
      tpu.yield
    }) : () -> ()
    "tpu.region"() ({
      %run_scoped3A = tpu.sem_alloc : memref<!tpu.dma_semaphore, #tpu.memory_space<semaphore_mem>>
      %dma_start3A = tpu.memref_slice %arg27[%mul3A_4] : memref<100096xf32, #tpu.memory_space<vmem_shared>> -> memref<6256xf32, #tpu.memory_space<vmem_shared>>
      %dma_start3A_14 = tpu.memref_slice %arg27[%mul3A_4] : memref<100096xf32, #tpu.memory_space<vmem_shared>> -> memref<6256xf32, #tpu.memory_space<vmem_shared>>
      tpu.enqueue_dma source(%arg19 : memref<6256xf32, #tpu.memory_space<vmem>>) target(%dma_start3A_14 : memref<6256xf32, #tpu.memory_space<vmem_shared>>) target_semaphore(%run_scoped3A : memref<!tpu.dma_semaphore, #tpu.memory_space<semaphore_mem>>)
      %dma_wait3A = tpu.memref_slice %arg27[%mul3A_4] : memref<100096xf32, #tpu.memory_space<vmem_shared>> -> memref<6256xf32, #tpu.memory_space<vmem_shared>>
      %dma_wait3A_15 = tpu.memref_slice %arg27[%mul3A_4] : memref<100096xf32, #tpu.memory_space<vmem_shared>> -> memref<6256xf32, #tpu.memory_space<vmem_shared>>
      tpu.wait_dma2 semaphore(%run_scoped3A : memref<!tpu.dma_semaphore, #tpu.memory_space<semaphore_mem>>) src(%arg19 : memref<6256xf32, #tpu.memory_space<vmem>>) dst(%dma_wait3A_15 : memref<6256xf32, #tpu.memory_space<vmem_shared>>)
      tpu.yield
    }) : () -> ()
    %barrier3A = arith.constant 0 : index
    tpu.barrier barrier_id(%barrier3A)
    %scan3A = arith.constant 0 : i32
    %scan3A_5 = arith.constant 0 : i32
    %scan3A_6 = arith.constant 25 : i32
    %scan3A_7 = arith.addi %scan3A_5, %scan3A_6 : i32
    %scan3A_8 = arith.constant 1 : i32
    scf.for %scan3A_14 = %scan3A_5 to %scan3A_7 step %scan3A_8  : i32 {
      %mul3A_15 = arith.constant 4000 : i32
      %mul3A_16 = arith.muli %scan3A_14, %mul3A_15 : i32
      %add3A_17 = arith.addi %mul3A_2, %mul3A_16 : i32
      "tpu.region"() ({
        %run_scoped3A = tpu.sem_alloc : memref<!tpu.dma_semaphore, #tpu.memory_space<semaphore_mem>>
        %dma_start3A_48 = tpu.memref_slice %arg2[%add3A_17] : memref<3200000xi32, #tpu.memory_space<hbm>> -> memref<4000xi32, #tpu.memory_space<hbm>>
        %dma_start3A_49 = tpu.memref_slice %arg2[%add3A_17] : memref<3200000xi32, #tpu.memory_space<hbm>> -> memref<4000xi32, #tpu.memory_space<hbm>>
        tpu.enqueue_dma source(%dma_start3A_49 : memref<4000xi32, #tpu.memory_space<hbm>>) target(%arg13 : memref<4000xi32, #tpu.memory_space<vmem>>) target_semaphore(%run_scoped3A : memref<!tpu.dma_semaphore, #tpu.memory_space<semaphore_mem>>)
        %dma_wait3A_50 = tpu.memref_slice %arg2[%add3A_17] : memref<3200000xi32, #tpu.memory_space<hbm>> -> memref<4000xi32, #tpu.memory_space<hbm>>
        %dma_wait3A_51 = tpu.memref_slice %arg2[%add3A_17] : memref<3200000xi32, #tpu.memory_space<hbm>> -> memref<4000xi32, #tpu.memory_space<hbm>>
        tpu.wait_dma2 semaphore(%run_scoped3A : memref<!tpu.dma_semaphore, #tpu.memory_space<semaphore_mem>>) src(%dma_wait3A_51 : memref<4000xi32, #tpu.memory_space<hbm>>) dst(%arg13 : memref<4000xi32, #tpu.memory_space<vmem>>)
        tpu.yield
      }) : () -> ()
      "tpu.region"() ({
        %run_scoped3A = tpu.sem_alloc : memref<!tpu.dma_semaphore, #tpu.memory_space<semaphore_mem>>
        %dma_start3A_48 = tpu.memref_slice %arg3[%add3A_17] : memref<3200000xi32, #tpu.memory_space<hbm>> -> memref<4000xi32, #tpu.memory_space<hbm>>
        %dma_start3A_49 = tpu.memref_slice %arg3[%add3A_17] : memref<3200000xi32, #tpu.memory_space<hbm>> -> memref<4000xi32, #tpu.memory_space<hbm>>
        tpu.enqueue_dma source(%dma_start3A_49 : memref<4000xi32, #tpu.memory_space<hbm>>) target(%arg14 : memref<4000xi32, #tpu.memory_space<vmem>>) target_semaphore(%run_scoped3A : memref<!tpu.dma_semaphore, #tpu.memory_space<semaphore_mem>>)
        %dma_wait3A_50 = tpu.memref_slice %arg3[%add3A_17] : memref<3200000xi32, #tpu.memory_space<hbm>> -> memref<4000xi32, #tpu.memory_space<hbm>>
        %dma_wait3A_51 = tpu.memref_slice %arg3[%add3A_17] : memref<3200000xi32, #tpu.memory_space<hbm>> -> memref<4000xi32, #tpu.memory_space<hbm>>
        tpu.wait_dma2 semaphore(%run_scoped3A : memref<!tpu.dma_semaphore, #tpu.memory_space<semaphore_mem>>) src(%dma_wait3A_51 : memref<4000xi32, #tpu.memory_space<hbm>>) dst(%arg14 : memref<4000xi32, #tpu.memory_space<vmem>>)
        tpu.yield
      }) : () -> ()
      %dma_start3A = arith.constant 0 : i32
      %dma_start3A_18 = tpu.memref_slice %arg20[%dma_start3A] : memref<100096xf32, #tpu.memory_space<vmem_shared>> -> memref<100096xf32, #tpu.memory_space<vmem_shared>>
      tpu.enqueue_indirect_dma source(%dma_start3A_18 : memref<100096xf32, #tpu.memory_space<vmem_shared>>) target(%arg15 : memref<4000xf32, #tpu.memory_space<vmem>>) offsets(%arg13 : memref<4000xi32, #tpu.memory_space<vmem>>) semaphore(%arg28 : memref<!tpu.dma_semaphore, #tpu.memory_space<semaphore_mem>>)
      %dma_start3A_19 = arith.constant 0 : i32
      %dma_start3A_20 = tpu.memref_slice %arg21[%dma_start3A_19] : memref<100096xf32, #tpu.memory_space<vmem_shared>> -> memref<100096xf32, #tpu.memory_space<vmem_shared>>
      tpu.enqueue_indirect_dma source(%dma_start3A_20 : memref<100096xf32, #tpu.memory_space<vmem_shared>>) target(%arg16 : memref<4000xf32, #tpu.memory_space<vmem>>) offsets(%arg13 : memref<4000xi32, #tpu.memory_space<vmem>>) semaphore(%arg28 : memref<!tpu.dma_semaphore, #tpu.memory_space<semaphore_mem>>)
      %dma_start3A_21 = arith.constant 0 : i32
      %dma_start3A_22 = tpu.memref_slice %arg22[%dma_start3A_21] : memref<100096xf32, #tpu.memory_space<vmem_shared>> -> memref<100096xf32, #tpu.memory_space<vmem_shared>>
      tpu.enqueue_indirect_dma source(%dma_start3A_22 : memref<100096xf32, #tpu.memory_space<vmem_shared>>) target(%arg17 : memref<4000xf32, #tpu.memory_space<vmem>>) offsets(%arg13 : memref<4000xi32, #tpu.memory_space<vmem>>) semaphore(%arg28 : memref<!tpu.dma_semaphore, #tpu.memory_space<semaphore_mem>>)
      %dma_start3A_23 = arith.constant 0 : i32
      %dma_start3A_24 = tpu.memref_slice %arg23[%dma_start3A_23] : memref<100096xf32, #tpu.memory_space<vmem_shared>> -> memref<100096xf32, #tpu.memory_space<vmem_shared>>
      tpu.enqueue_indirect_dma source(%dma_start3A_24 : memref<100096xf32, #tpu.memory_space<vmem_shared>>) target(%arg18 : memref<4000xf32, #tpu.memory_space<vmem>>) offsets(%arg13 : memref<4000xi32, #tpu.memory_space<vmem>>) semaphore(%arg28 : memref<!tpu.dma_semaphore, #tpu.memory_space<semaphore_mem>>)
      %dma_wait3A = arith.constant 0 : i32
      %dma_wait3A_25 = tpu.memref_slice %arg20[%dma_wait3A] : memref<100096xf32, #tpu.memory_space<vmem_shared>> -> memref<100096xf32, #tpu.memory_space<vmem_shared>>
      tpu.wait_indirect_dma semaphore(%arg28 : memref<!tpu.dma_semaphore, #tpu.memory_space<semaphore_mem>>) src(%dma_wait3A_25 : memref<100096xf32, #tpu.memory_space<vmem_shared>>) dst(%arg15 : memref<4000xf32, #tpu.memory_space<vmem>>)
      %dma_wait3A_26 = arith.constant 0 : i32
      %dma_wait3A_27 = tpu.memref_slice %arg21[%dma_wait3A_26] : memref<100096xf32, #tpu.memory_space<vmem_shared>> -> memref<100096xf32, #tpu.memory_space<vmem_shared>>
      tpu.wait_indirect_dma semaphore(%arg28 : memref<!tpu.dma_semaphore, #tpu.memory_space<semaphore_mem>>) src(%dma_wait3A_27 : memref<100096xf32, #tpu.memory_space<vmem_shared>>) dst(%arg16 : memref<4000xf32, #tpu.memory_space<vmem>>)
      %dma_wait3A_28 = arith.constant 0 : i32
      %dma_wait3A_29 = tpu.memref_slice %arg22[%dma_wait3A_28] : memref<100096xf32, #tpu.memory_space<vmem_shared>> -> memref<100096xf32, #tpu.memory_space<vmem_shared>>
      tpu.wait_indirect_dma semaphore(%arg28 : memref<!tpu.dma_semaphore, #tpu.memory_space<semaphore_mem>>) src(%dma_wait3A_29 : memref<100096xf32, #tpu.memory_space<vmem_shared>>) dst(%arg17 : memref<4000xf32, #tpu.memory_space<vmem>>)
      %dma_wait3A_30 = arith.constant 0 : i32
      %dma_wait3A_31 = tpu.memref_slice %arg23[%dma_wait3A_30] : memref<100096xf32, #tpu.memory_space<vmem_shared>> -> memref<100096xf32, #tpu.memory_space<vmem_shared>>
      tpu.wait_indirect_dma semaphore(%arg28 : memref<!tpu.dma_semaphore, #tpu.memory_space<semaphore_mem>>) src(%dma_wait3A_31 : memref<100096xf32, #tpu.memory_space<vmem_shared>>) dst(%arg18 : memref<4000xf32, #tpu.memory_space<vmem>>)
      %dma_start3A_32 = arith.constant 0 : i32
      %dma_start3A_33 = tpu.memref_slice %arg24[%dma_start3A_32] : memref<100096xf32, #tpu.memory_space<vmem_shared>> -> memref<100096xf32, #tpu.memory_space<vmem_shared>>
      tpu.enqueue_indirect_dma source(%arg15 : memref<4000xf32, #tpu.memory_space<vmem>>) target(%dma_start3A_33 : memref<100096xf32, #tpu.memory_space<vmem_shared>>) offsets(%arg14 : memref<4000xi32, #tpu.memory_space<vmem>>) semaphore(%arg28 : memref<!tpu.dma_semaphore, #tpu.memory_space<semaphore_mem>>) {add = true}
      %dma_start3A_34 = arith.constant 0 : i32
      %dma_start3A_35 = tpu.memref_slice %arg25[%dma_start3A_34] : memref<100096xf32, #tpu.memory_space<vmem_shared>> -> memref<100096xf32, #tpu.memory_space<vmem_shared>>
      tpu.enqueue_indirect_dma source(%arg16 : memref<4000xf32, #tpu.memory_space<vmem>>) target(%dma_start3A_35 : memref<100096xf32, #tpu.memory_space<vmem_shared>>) offsets(%arg14 : memref<4000xi32, #tpu.memory_space<vmem>>) semaphore(%arg28 : memref<!tpu.dma_semaphore, #tpu.memory_space<semaphore_mem>>) {add = true}
      %dma_start3A_36 = arith.constant 0 : i32
      %dma_start3A_37 = tpu.memref_slice %arg26[%dma_start3A_36] : memref<100096xf32, #tpu.memory_space<vmem_shared>> -> memref<100096xf32, #tpu.memory_space<vmem_shared>>
      tpu.enqueue_indirect_dma source(%arg17 : memref<4000xf32, #tpu.memory_space<vmem>>) target(%dma_start3A_37 : memref<100096xf32, #tpu.memory_space<vmem_shared>>) offsets(%arg14 : memref<4000xi32, #tpu.memory_space<vmem>>) semaphore(%arg28 : memref<!tpu.dma_semaphore, #tpu.memory_space<semaphore_mem>>) {add = true}
      %dma_start3A_38 = arith.constant 0 : i32
      %dma_start3A_39 = tpu.memref_slice %arg27[%dma_start3A_38] : memref<100096xf32, #tpu.memory_space<vmem_shared>> -> memref<100096xf32, #tpu.memory_space<vmem_shared>>
      tpu.enqueue_indirect_dma source(%arg18 : memref<4000xf32, #tpu.memory_space<vmem>>) target(%dma_start3A_39 : memref<100096xf32, #tpu.memory_space<vmem_shared>>) offsets(%arg14 : memref<4000xi32, #tpu.memory_space<vmem>>) semaphore(%arg28 : memref<!tpu.dma_semaphore, #tpu.memory_space<semaphore_mem>>) {add = true}
      %dma_wait3A_40 = arith.constant 0 : i32
      %dma_wait3A_41 = tpu.memref_slice %arg24[%dma_wait3A_40] : memref<100096xf32, #tpu.memory_space<vmem_shared>> -> memref<100096xf32, #tpu.memory_space<vmem_shared>>
      tpu.wait_indirect_dma semaphore(%arg28 : memref<!tpu.dma_semaphore, #tpu.memory_space<semaphore_mem>>) src(%arg15 : memref<4000xf32, #tpu.memory_space<vmem>>) dst(%dma_wait3A_41 : memref<100096xf32, #tpu.memory_space<vmem_shared>>)
      %dma_wait3A_42 = arith.constant 0 : i32
      %dma_wait3A_43 = tpu.memref_slice %arg25[%dma_wait3A_42] : memref<100096xf32, #tpu.memory_space<vmem_shared>> -> memref<100096xf32, #tpu.memory_space<vmem_shared>>
      tpu.wait_indirect_dma semaphore(%arg28 : memref<!tpu.dma_semaphore, #tpu.memory_space<semaphore_mem>>) src(%arg16 : memref<4000xf32, #tpu.memory_space<vmem>>) dst(%dma_wait3A_43 : memref<100096xf32, #tpu.memory_space<vmem_shared>>)
      %dma_wait3A_44 = arith.constant 0 : i32
      %dma_wait3A_45 = tpu.memref_slice %arg26[%dma_wait3A_44] : memref<100096xf32, #tpu.memory_space<vmem_shared>> -> memref<100096xf32, #tpu.memory_space<vmem_shared>>
      tpu.wait_indirect_dma semaphore(%arg28 : memref<!tpu.dma_semaphore, #tpu.memory_space<semaphore_mem>>) src(%arg17 : memref<4000xf32, #tpu.memory_space<vmem>>) dst(%dma_wait3A_45 : memref<100096xf32, #tpu.memory_space<vmem_shared>>)
      %dma_wait3A_46 = arith.constant 0 : i32
      %dma_wait3A_47 = tpu.memref_slice %arg27[%dma_wait3A_46] : memref<100096xf32, #tpu.memory_space<vmem_shared>> -> memref<100096xf32, #tpu.memory_space<vmem_shared>>
      tpu.wait_indirect_dma semaphore(%arg28 : memref<!tpu.dma_semaphore, #tpu.memory_space<semaphore_mem>>) src(%arg18 : memref<4000xf32, #tpu.memory_space<vmem>>) dst(%dma_wait3A_47 : memref<100096xf32, #tpu.memory_space<vmem_shared>>)
    }
    %scan3A_9 = arith.constant 25 : i32
    %barrier3A_10 = arith.constant 0 : index
    tpu.barrier barrier_id(%barrier3A_10)
    %mul3A_11 = arith.constant 100096 : i32
    %mul3A_12 = arith.muli %arg0, %mul3A_11 : i32
    %add3A_13 = arith.addi %mul3A_12, %mul3A_4 : i32
    "tpu.region"() ({
      %run_scoped3A = tpu.sem_alloc : memref<!tpu.dma_semaphore, #tpu.memory_space<semaphore_mem>>
      %dma_start3A = tpu.memref_slice %arg24[%mul3A_4] : memref<100096xf32, #tpu.memory_space<vmem_shared>> -> memref<6256xf32, #tpu.memory_space<vmem_shared>>
      %dma_start3A_14 = tpu.memref_slice %arg24[%mul3A_4] : memref<100096xf32, #tpu.memory_space<vmem_shared>> -> memref<6256xf32, #tpu.memory_space<vmem_shared>>
      tpu.enqueue_dma source(%dma_start3A_14 : memref<6256xf32, #tpu.memory_space<vmem_shared>>) target(%arg19 : memref<6256xf32, #tpu.memory_space<vmem>>) target_semaphore(%run_scoped3A : memref<!tpu.dma_semaphore, #tpu.memory_space<semaphore_mem>>)
      %dma_wait3A = tpu.memref_slice %arg24[%mul3A_4] : memref<100096xf32, #tpu.memory_space<vmem_shared>> -> memref<6256xf32, #tpu.memory_space<vmem_shared>>
      %dma_wait3A_15 = tpu.memref_slice %arg24[%mul3A_4] : memref<100096xf32, #tpu.memory_space<vmem_shared>> -> memref<6256xf32, #tpu.memory_space<vmem_shared>>
      tpu.wait_dma2 semaphore(%run_scoped3A : memref<!tpu.dma_semaphore, #tpu.memory_space<semaphore_mem>>) src(%dma_wait3A_15 : memref<6256xf32, #tpu.memory_space<vmem_shared>>) dst(%arg19 : memref<6256xf32, #tpu.memory_space<vmem>>)
      tpu.yield
    }) : () -> ()
    "tpu.region"() ({
      %run_scoped3A = tpu.sem_alloc : memref<!tpu.dma_semaphore, #tpu.memory_space<semaphore_mem>>
      %dma_start3A = tpu.memref_slice %arg9[%add3A_13] : memref<200192xf32, #tpu.memory_space<hbm>> -> memref<6256xf32, #tpu.memory_space<hbm>>
      %dma_start3A_14 = tpu.memref_slice %arg9[%add3A_13] : memref<200192xf32, #tpu.memory_space<hbm>> -> memref<6256xf32, #tpu.memory_space<hbm>>
      tpu.enqueue_dma source(%arg19 : memref<6256xf32, #tpu.memory_space<vmem>>) target(%dma_start3A_14 : memref<6256xf32, #tpu.memory_space<hbm>>) target_semaphore(%run_scoped3A : memref<!tpu.dma_semaphore, #tpu.memory_space<semaphore_mem>>)
      %dma_wait3A = tpu.memref_slice %arg9[%add3A_13] : memref<200192xf32, #tpu.memory_space<hbm>> -> memref<6256xf32, #tpu.memory_space<hbm>>
      %dma_wait3A_15 = tpu.memref_slice %arg9[%add3A_13] : memref<200192xf32, #tpu.memory_space<hbm>> -> memref<6256xf32, #tpu.memory_space<hbm>>
      tpu.wait_dma2 semaphore(%run_scoped3A : memref<!tpu.dma_semaphore, #tpu.memory_space<semaphore_mem>>) src(%arg19 : memref<6256xf32, #tpu.memory_space<vmem>>) dst(%dma_wait3A_15 : memref<6256xf32, #tpu.memory_space<hbm>>)
      tpu.yield
    }) : () -> ()
    "tpu.region"() ({
      %run_scoped3A = tpu.sem_alloc : memref<!tpu.dma_semaphore, #tpu.memory_space<semaphore_mem>>
      %dma_start3A = tpu.memref_slice %arg25[%mul3A_4] : memref<100096xf32, #tpu.memory_space<vmem_shared>> -> memref<6256xf32, #tpu.memory_space<vmem_shared>>
      %dma_start3A_14 = tpu.memref_slice %arg25[%mul3A_4] : memref<100096xf32, #tpu.memory_space<vmem_shared>> -> memref<6256xf32, #tpu.memory_space<vmem_shared>>
      tpu.enqueue_dma source(%dma_start3A_14 : memref<6256xf32, #tpu.memory_space<vmem_shared>>) target(%arg19 : memref<6256xf32, #tpu.memory_space<vmem>>) target_semaphore(%run_scoped3A : memref<!tpu.dma_semaphore, #tpu.memory_space<semaphore_mem>>)
      %dma_wait3A = tpu.memref_slice %arg25[%mul3A_4] : memref<100096xf32, #tpu.memory_space<vmem_shared>> -> memref<6256xf32, #tpu.memory_space<vmem_shared>>
      %dma_wait3A_15 = tpu.memref_slice %arg25[%mul3A_4] : memref<100096xf32, #tpu.memory_space<vmem_shared>> -> memref<6256xf32, #tpu.memory_space<vmem_shared>>
      tpu.wait_dma2 semaphore(%run_scoped3A : memref<!tpu.dma_semaphore, #tpu.memory_space<semaphore_mem>>) src(%dma_wait3A_15 : memref<6256xf32, #tpu.memory_space<vmem_shared>>) dst(%arg19 : memref<6256xf32, #tpu.memory_space<vmem>>)
      tpu.yield
    }) : () -> ()
    "tpu.region"() ({
      %run_scoped3A = tpu.sem_alloc : memref<!tpu.dma_semaphore, #tpu.memory_space<semaphore_mem>>
      %dma_start3A = tpu.memref_slice %arg10[%add3A_13] : memref<200192xf32, #tpu.memory_space<hbm>> -> memref<6256xf32, #tpu.memory_space<hbm>>
      %dma_start3A_14 = tpu.memref_slice %arg10[%add3A_13] : memref<200192xf32, #tpu.memory_space<hbm>> -> memref<6256xf32, #tpu.memory_space<hbm>>
      tpu.enqueue_dma source(%arg19 : memref<6256xf32, #tpu.memory_space<vmem>>) target(%dma_start3A_14 : memref<6256xf32, #tpu.memory_space<hbm>>) target_semaphore(%run_scoped3A : memref<!tpu.dma_semaphore, #tpu.memory_space<semaphore_mem>>)
      %dma_wait3A = tpu.memref_slice %arg10[%add3A_13] : memref<200192xf32, #tpu.memory_space<hbm>> -> memref<6256xf32, #tpu.memory_space<hbm>>
      %dma_wait3A_15 = tpu.memref_slice %arg10[%add3A_13] : memref<200192xf32, #tpu.memory_space<hbm>> -> memref<6256xf32, #tpu.memory_space<hbm>>
      tpu.wait_dma2 semaphore(%run_scoped3A : memref<!tpu.dma_semaphore, #tpu.memory_space<semaphore_mem>>) src(%arg19 : memref<6256xf32, #tpu.memory_space<vmem>>) dst(%dma_wait3A_15 : memref<6256xf32, #tpu.memory_space<hbm>>)
      tpu.yield
    }) : () -> ()
    "tpu.region"() ({
      %run_scoped3A = tpu.sem_alloc : memref<!tpu.dma_semaphore, #tpu.memory_space<semaphore_mem>>
      %dma_start3A = tpu.memref_slice %arg26[%mul3A_4] : memref<100096xf32, #tpu.memory_space<vmem_shared>> -> memref<6256xf32, #tpu.memory_space<vmem_shared>>
      %dma_start3A_14 = tpu.memref_slice %arg26[%mul3A_4] : memref<100096xf32, #tpu.memory_space<vmem_shared>> -> memref<6256xf32, #tpu.memory_space<vmem_shared>>
      tpu.enqueue_dma source(%dma_start3A_14 : memref<6256xf32, #tpu.memory_space<vmem_shared>>) target(%arg19 : memref<6256xf32, #tpu.memory_space<vmem>>) target_semaphore(%run_scoped3A : memref<!tpu.dma_semaphore, #tpu.memory_space<semaphore_mem>>)
      %dma_wait3A = tpu.memref_slice %arg26[%mul3A_4] : memref<100096xf32, #tpu.memory_space<vmem_shared>> -> memref<6256xf32, #tpu.memory_space<vmem_shared>>
      %dma_wait3A_15 = tpu.memref_slice %arg26[%mul3A_4] : memref<100096xf32, #tpu.memory_space<vmem_shared>> -> memref<6256xf32, #tpu.memory_space<vmem_shared>>
      tpu.wait_dma2 semaphore(%run_scoped3A : memref<!tpu.dma_semaphore, #tpu.memory_space<semaphore_mem>>) src(%dma_wait3A_15 : memref<6256xf32, #tpu.memory_space<vmem_shared>>) dst(%arg19 : memref<6256xf32, #tpu.memory_space<vmem>>)
      tpu.yield
    }) : () -> ()
    "tpu.region"() ({
      %run_scoped3A = tpu.sem_alloc : memref<!tpu.dma_semaphore, #tpu.memory_space<semaphore_mem>>
      %dma_start3A = tpu.memref_slice %arg11[%add3A_13] : memref<200192xf32, #tpu.memory_space<hbm>> -> memref<6256xf32, #tpu.memory_space<hbm>>
      %dma_start3A_14 = tpu.memref_slice %arg11[%add3A_13] : memref<200192xf32, #tpu.memory_space<hbm>> -> memref<6256xf32, #tpu.memory_space<hbm>>
      tpu.enqueue_dma source(%arg19 : memref<6256xf32, #tpu.memory_space<vmem>>) target(%dma_start3A_14 : memref<6256xf32, #tpu.memory_space<hbm>>) target_semaphore(%run_scoped3A : memref<!tpu.dma_semaphore, #tpu.memory_space<semaphore_mem>>)
      %dma_wait3A = tpu.memref_slice %arg11[%add3A_13] : memref<200192xf32, #tpu.memory_space<hbm>> -> memref<6256xf32, #tpu.memory_space<hbm>>
      %dma_wait3A_15 = tpu.memref_slice %arg11[%add3A_13] : memref<200192xf32, #tpu.memory_space<hbm>> -> memref<6256xf32, #tpu.memory_space<hbm>>
      tpu.wait_dma2 semaphore(%run_scoped3A : memref<!tpu.dma_semaphore, #tpu.memory_space<semaphore_mem>>) src(%arg19 : memref<6256xf32, #tpu.memory_space<vmem>>) dst(%dma_wait3A_15 : memref<6256xf32, #tpu.memory_space<hbm>>)
      tpu.yield
    }) : () -> ()
    "tpu.region"() ({
      %run_scoped3A = tpu.sem_alloc : memref<!tpu.dma_semaphore, #tpu.memory_space<semaphore_mem>>
      %dma_start3A = tpu.memref_slice %arg27[%mul3A_4] : memref<100096xf32, #tpu.memory_space<vmem_shared>> -> memref<6256xf32, #tpu.memory_space<vmem_shared>>
      %dma_start3A_14 = tpu.memref_slice %arg27[%mul3A_4] : memref<100096xf32, #tpu.memory_space<vmem_shared>> -> memref<6256xf32, #tpu.memory_space<vmem_shared>>
      tpu.enqueue_dma source(%dma_start3A_14 : memref<6256xf32, #tpu.memory_space<vmem_shared>>) target(%arg19 : memref<6256xf32, #tpu.memory_space<vmem>>) target_semaphore(%run_scoped3A : memref<!tpu.dma_semaphore, #tpu.memory_space<semaphore_mem>>)
      %dma_wait3A = tpu.memref_slice %arg27[%mul3A_4] : memref<100096xf32, #tpu.memory_space<vmem_shared>> -> memref<6256xf32, #tpu.memory_space<vmem_shared>>
      %dma_wait3A_15 = tpu.memref_slice %arg27[%mul3A_4] : memref<100096xf32, #tpu.memory_space<vmem_shared>> -> memref<6256xf32, #tpu.memory_space<vmem_shared>>
      tpu.wait_dma2 semaphore(%run_scoped3A : memref<!tpu.dma_semaphore, #tpu.memory_space<semaphore_mem>>) src(%dma_wait3A_15 : memref<6256xf32, #tpu.memory_space<vmem_shared>>) dst(%arg19 : memref<6256xf32, #tpu.memory_space<vmem>>)
      tpu.yield
    }) : () -> ()
    "tpu.region"() ({
      %run_scoped3A = tpu.sem_alloc : memref<!tpu.dma_semaphore, #tpu.memory_space<semaphore_mem>>
      %dma_start3A = tpu.memref_slice %arg12[%add3A_13] : memref<200192xf32, #tpu.memory_space<hbm>> -> memref<6256xf32, #tpu.memory_space<hbm>>
      %dma_start3A_14 = tpu.memref_slice %arg12[%add3A_13] : memref<200192xf32, #tpu.memory_space<hbm>> -> memref<6256xf32, #tpu.memory_space<hbm>>
      tpu.enqueue_dma source(%arg19 : memref<6256xf32, #tpu.memory_space<vmem>>) target(%dma_start3A_14 : memref<6256xf32, #tpu.memory_space<hbm>>) target_semaphore(%run_scoped3A : memref<!tpu.dma_semaphore, #tpu.memory_space<semaphore_mem>>)
      %dma_wait3A = tpu.memref_slice %arg12[%add3A_13] : memref<200192xf32, #tpu.memory_space<hbm>> -> memref<6256xf32, #tpu.memory_space<hbm>>
      %dma_wait3A_15 = tpu.memref_slice %arg12[%add3A_13] : memref<200192xf32, #tpu.memory_space<hbm>> -> memref<6256xf32, #tpu.memory_space<hbm>>
      tpu.wait_dma2 semaphore(%run_scoped3A : memref<!tpu.dma_semaphore, #tpu.memory_space<semaphore_mem>>) src(%arg19 : memref<6256xf32, #tpu.memory_space<vmem>>) dst(%dma_wait3A_15 : memref<6256xf32, #tpu.memory_space<hbm>>)
      tpu.yield
    }) : () -> ()
    return
  }
}

#map = affine_map<(d0, d1) -> (0)>
module attributes {stable_mosaic.version = 14 : i64} {
  func.func @_deg_body(%arg0: i32, %arg1: i32, %arg2: memref<3200000xi32, #tpu.memory_space<hbm>>, %arg3: memref<100096xf32, #tpu.memory_space<hbm>>, %arg4: memref<4000xf32, #tpu.memory_space<hbm>>, %arg5: memref<200192xf32, #tpu.memory_space<hbm>>, %arg6: memref<4000xi32, #tpu.memory_space<vmem>>, %arg7: memref<4000xf32, #tpu.memory_space<vmem>>, %arg8: memref<6256xf32, #tpu.memory_space<vmem>>, %arg9: memref<100096xf32, #tpu.memory_space<vmem_shared>>, %arg10: memref<!tpu.dma_semaphore, #tpu.memory_space<semaphore_mem>>) attributes {dimension_semantics = [#tpu.dimension_semantics<core_parallel>, #tpu.dimension_semantics<subcore_parallel>], iteration_bounds = array<i64: 2, 16>, scalar_prefetch = 0 : i64, scratch_operands = 5 : i64, tpu.core_type = #tpu.core_type<sc_vector_subcore>, window_params = [{transform_indices = #map}, {transform_indices = #map}, {transform_indices = #map}, {transform_indices = #map}]} {
    %mul3A = arith.constant 2 : i32
    %mul3A_0 = arith.muli %arg1, %mul3A : i32
    %add3A = arith.addi %mul3A_0, %arg0 : i32
    %mul3A_1 = arith.constant 100000 : i32
    %mul3A_2 = arith.muli %add3A, %mul3A_1 : i32
    %mul3A_3 = arith.constant 6256 : i32
    %mul3A_4 = arith.muli %arg1, %mul3A_3 : i32
    "tpu.region"() ({
      %run_scoped3A = tpu.sem_alloc : memref<!tpu.dma_semaphore, #tpu.memory_space<semaphore_mem>>
      %dma_start3A = tpu.memref_slice %arg3[%mul3A_4] : memref<100096xf32, #tpu.memory_space<hbm>> -> memref<6256xf32, #tpu.memory_space<hbm>>
      %dma_start3A_14 = tpu.memref_slice %arg3[%mul3A_4] : memref<100096xf32, #tpu.memory_space<hbm>> -> memref<6256xf32, #tpu.memory_space<hbm>>
      tpu.enqueue_dma source(%dma_start3A_14 : memref<6256xf32, #tpu.memory_space<hbm>>) target(%arg8 : memref<6256xf32, #tpu.memory_space<vmem>>) target_semaphore(%run_scoped3A : memref<!tpu.dma_semaphore, #tpu.memory_space<semaphore_mem>>)
      %dma_wait3A = tpu.memref_slice %arg3[%mul3A_4] : memref<100096xf32, #tpu.memory_space<hbm>> -> memref<6256xf32, #tpu.memory_space<hbm>>
      %dma_wait3A_15 = tpu.memref_slice %arg3[%mul3A_4] : memref<100096xf32, #tpu.memory_space<hbm>> -> memref<6256xf32, #tpu.memory_space<hbm>>
      tpu.wait_dma2 semaphore(%run_scoped3A : memref<!tpu.dma_semaphore, #tpu.memory_space<semaphore_mem>>) src(%dma_wait3A_15 : memref<6256xf32, #tpu.memory_space<hbm>>) dst(%arg8 : memref<6256xf32, #tpu.memory_space<vmem>>)
      tpu.yield
    }) : () -> ()
    "tpu.region"() ({
      %run_scoped3A = tpu.sem_alloc : memref<!tpu.dma_semaphore, #tpu.memory_space<semaphore_mem>>
      %dma_start3A = tpu.memref_slice %arg9[%mul3A_4] : memref<100096xf32, #tpu.memory_space<vmem_shared>> -> memref<6256xf32, #tpu.memory_space<vmem_shared>>
      %dma_start3A_14 = tpu.memref_slice %arg9[%mul3A_4] : memref<100096xf32, #tpu.memory_space<vmem_shared>> -> memref<6256xf32, #tpu.memory_space<vmem_shared>>
      tpu.enqueue_dma source(%arg8 : memref<6256xf32, #tpu.memory_space<vmem>>) target(%dma_start3A_14 : memref<6256xf32, #tpu.memory_space<vmem_shared>>) target_semaphore(%run_scoped3A : memref<!tpu.dma_semaphore, #tpu.memory_space<semaphore_mem>>)
      %dma_wait3A = tpu.memref_slice %arg9[%mul3A_4] : memref<100096xf32, #tpu.memory_space<vmem_shared>> -> memref<6256xf32, #tpu.memory_space<vmem_shared>>
      %dma_wait3A_15 = tpu.memref_slice %arg9[%mul3A_4] : memref<100096xf32, #tpu.memory_space<vmem_shared>> -> memref<6256xf32, #tpu.memory_space<vmem_shared>>
      tpu.wait_dma2 semaphore(%run_scoped3A : memref<!tpu.dma_semaphore, #tpu.memory_space<semaphore_mem>>) src(%arg8 : memref<6256xf32, #tpu.memory_space<vmem>>) dst(%dma_wait3A_15 : memref<6256xf32, #tpu.memory_space<vmem_shared>>)
      tpu.yield
    }) : () -> ()
    "tpu.region"() ({
      %run_scoped3A = tpu.sem_alloc : memref<!tpu.dma_semaphore, #tpu.memory_space<semaphore_mem>>
      tpu.enqueue_dma source(%arg4 : memref<4000xf32, #tpu.memory_space<hbm>>) target(%arg7 : memref<4000xf32, #tpu.memory_space<vmem>>) target_semaphore(%run_scoped3A : memref<!tpu.dma_semaphore, #tpu.memory_space<semaphore_mem>>)
      tpu.wait_dma2 semaphore(%run_scoped3A : memref<!tpu.dma_semaphore, #tpu.memory_space<semaphore_mem>>) src(%arg4 : memref<4000xf32, #tpu.memory_space<hbm>>) dst(%arg7 : memref<4000xf32, #tpu.memory_space<vmem>>)
      tpu.yield
    }) : () -> ()
    %barrier3A = arith.constant 0 : index
    tpu.barrier barrier_id(%barrier3A)
    %scan3A = arith.constant 0 : i32
    %scan3A_5 = arith.constant 0 : i32
    %scan3A_6 = arith.constant 25 : i32
    %scan3A_7 = arith.addi %scan3A_5, %scan3A_6 : i32
    %scan3A_8 = arith.constant 1 : i32
    scf.for %scan3A_14 = %scan3A_5 to %scan3A_7 step %scan3A_8  : i32 {
      %mul3A_15 = arith.constant 4000 : i32
      %mul3A_16 = arith.muli %scan3A_14, %mul3A_15 : i32
      %add3A_17 = arith.addi %mul3A_2, %mul3A_16 : i32
      "tpu.region"() ({
        %run_scoped3A = tpu.sem_alloc : memref<!tpu.dma_semaphore, #tpu.memory_space<semaphore_mem>>
        %dma_start3A = tpu.memref_slice %arg2[%add3A_17] : memref<3200000xi32, #tpu.memory_space<hbm>> -> memref<4000xi32, #tpu.memory_space<hbm>>
        %dma_start3A_18 = tpu.memref_slice %arg2[%add3A_17] : memref<3200000xi32, #tpu.memory_space<hbm>> -> memref<4000xi32, #tpu.memory_space<hbm>>
        tpu.enqueue_dma source(%dma_start3A_18 : memref<4000xi32, #tpu.memory_space<hbm>>) target(%arg6 : memref<4000xi32, #tpu.memory_space<vmem>>) target_semaphore(%run_scoped3A : memref<!tpu.dma_semaphore, #tpu.memory_space<semaphore_mem>>)
        %dma_wait3A = tpu.memref_slice %arg2[%add3A_17] : memref<3200000xi32, #tpu.memory_space<hbm>> -> memref<4000xi32, #tpu.memory_space<hbm>>
        %dma_wait3A_19 = tpu.memref_slice %arg2[%add3A_17] : memref<3200000xi32, #tpu.memory_space<hbm>> -> memref<4000xi32, #tpu.memory_space<hbm>>
        tpu.wait_dma2 semaphore(%run_scoped3A : memref<!tpu.dma_semaphore, #tpu.memory_space<semaphore_mem>>) src(%dma_wait3A_19 : memref<4000xi32, #tpu.memory_space<hbm>>) dst(%arg6 : memref<4000xi32, #tpu.memory_space<vmem>>)
        tpu.yield
      }) : () -> ()
      "tpu.region"() ({
        %run_scoped3A = tpu.sem_alloc : memref<!tpu.dma_semaphore, #tpu.memory_space<semaphore_mem>>
        %dma_start3A = arith.constant 0 : i32
        %dma_start3A_18 = tpu.memref_slice %arg9[%dma_start3A] : memref<100096xf32, #tpu.memory_space<vmem_shared>> -> memref<100096xf32, #tpu.memory_space<vmem_shared>>
        tpu.enqueue_indirect_dma source(%arg7 : memref<4000xf32, #tpu.memory_space<vmem>>) target(%dma_start3A_18 : memref<100096xf32, #tpu.memory_space<vmem_shared>>) offsets(%arg6 : memref<4000xi32, #tpu.memory_space<vmem>>) semaphore(%run_scoped3A : memref<!tpu.dma_semaphore, #tpu.memory_space<semaphore_mem>>) {add = true}
        %dma_wait3A = arith.constant 0 : i32
        %dma_wait3A_19 = tpu.memref_slice %arg9[%dma_wait3A] : memref<100096xf32, #tpu.memory_space<vmem_shared>> -> memref<100096xf32, #tpu.memory_space<vmem_shared>>
        tpu.wait_indirect_dma semaphore(%run_scoped3A : memref<!tpu.dma_semaphore, #tpu.memory_space<semaphore_mem>>) src(%arg7 : memref<4000xf32, #tpu.memory_space<vmem>>) dst(%dma_wait3A_19 : memref<100096xf32, #tpu.memory_space<vmem_shared>>)
        tpu.yield
      }) : () -> ()
    }
    %scan3A_9 = arith.constant 25 : i32
    %barrier3A_10 = arith.constant 0 : index
    tpu.barrier barrier_id(%barrier3A_10)
    "tpu.region"() ({
      %run_scoped3A = tpu.sem_alloc : memref<!tpu.dma_semaphore, #tpu.memory_space<semaphore_mem>>
      %dma_start3A = tpu.memref_slice %arg9[%mul3A_4] : memref<100096xf32, #tpu.memory_space<vmem_shared>> -> memref<6256xf32, #tpu.memory_space<vmem_shared>>
      %dma_start3A_14 = tpu.memref_slice %arg9[%mul3A_4] : memref<100096xf32, #tpu.memory_space<vmem_shared>> -> memref<6256xf32, #tpu.memory_space<vmem_shared>>
      tpu.enqueue_dma source(%dma_start3A_14 : memref<6256xf32, #tpu.memory_space<vmem_shared>>) target(%arg8 : memref<6256xf32, #tpu.memory_space<vmem>>) target_semaphore(%run_scoped3A : memref<!tpu.dma_semaphore, #tpu.memory_space<semaphore_mem>>)
      %dma_wait3A = tpu.memref_slice %arg9[%mul3A_4] : memref<100096xf32, #tpu.memory_space<vmem_shared>> -> memref<6256xf32, #tpu.memory_space<vmem_shared>>
      %dma_wait3A_15 = tpu.memref_slice %arg9[%mul3A_4] : memref<100096xf32, #tpu.memory_space<vmem_shared>> -> memref<6256xf32, #tpu.memory_space<vmem_shared>>
      tpu.wait_dma2 semaphore(%run_scoped3A : memref<!tpu.dma_semaphore, #tpu.memory_space<semaphore_mem>>) src(%dma_wait3A_15 : memref<6256xf32, #tpu.memory_space<vmem_shared>>) dst(%arg8 : memref<6256xf32, #tpu.memory_space<vmem>>)
      tpu.yield
    }) : () -> ()
    %mul3A_11 = arith.constant 100096 : i32
    %mul3A_12 = arith.muli %arg0, %mul3A_11 : i32
    %add3A_13 = arith.addi %mul3A_12, %mul3A_4 : i32
    "tpu.region"() ({
      %run_scoped3A = tpu.sem_alloc : memref<!tpu.dma_semaphore, #tpu.memory_space<semaphore_mem>>
      %dma_start3A = tpu.memref_slice %arg5[%add3A_13] : memref<200192xf32, #tpu.memory_space<hbm>> -> memref<6256xf32, #tpu.memory_space<hbm>>
      %dma_start3A_14 = tpu.memref_slice %arg5[%add3A_13] : memref<200192xf32, #tpu.memory_space<hbm>> -> memref<6256xf32, #tpu.memory_space<hbm>>
      tpu.enqueue_dma source(%arg8 : memref<6256xf32, #tpu.memory_space<vmem>>) target(%dma_start3A_14 : memref<6256xf32, #tpu.memory_space<hbm>>) target_semaphore(%run_scoped3A : memref<!tpu.dma_semaphore, #tpu.memory_space<semaphore_mem>>)
      %dma_wait3A = tpu.memref_slice %arg5[%add3A_13] : memref<200192xf32, #tpu.memory_space<hbm>> -> memref<6256xf32, #tpu.memory_space<hbm>>
      %dma_wait3A_15 = tpu.memref_slice %arg5[%add3A_13] : memref<200192xf32, #tpu.memory_space<hbm>> -> memref<6256xf32, #tpu.memory_space<hbm>>
      tpu.wait_dma2 semaphore(%run_scoped3A : memref<!tpu.dma_semaphore, #tpu.memory_space<semaphore_mem>>) src(%arg8 : memref<6256xf32, #tpu.memory_space<vmem>>) dst(%dma_wait3A_15 : memref<6256xf32, #tpu.memory_space<hbm>>)
      tpu.yield
    }) : () -> ()
    return
  }
}

#map = affine_map<(d0, d1) -> (0)>
module attributes {stable_mosaic.version = 14 : i64} {
  func.func @_max_body(%arg0: i32, %arg1: i32, %arg2: memref<3200000xi32, #tpu.memory_space<hbm>>, %arg3: memref<3200000xi32, #tpu.memory_space<hbm>>, %arg4: memref<100096xf32, #tpu.memory_space<hbm>>, %arg5: memref<3203072xf32, #tpu.memory_space<hbm>>, %arg6: memref<4000xi32, #tpu.memory_space<vmem>>, %arg7: memref<4000xi32, #tpu.memory_space<vmem>>, %arg8: memref<4000xf32, #tpu.memory_space<vmem>>, %arg9: memref<16xf32, #tpu.memory_space<vmem>>, %arg10: memref<16xf32, #tpu.memory_space<vmem>>, %arg11: memref<8192xf32, #tpu.memory_space<vmem>>, %arg12: memref<100096xf32, #tpu.memory_space<vmem>>, %arg13: memref<100096xf32, #tpu.memory_space<vmem_shared>>, %arg14: memref<3128xf32, #tpu.memory_space<vmem>>, %arg15: memref<!tpu.dma_semaphore, #tpu.memory_space<semaphore_mem>>) attributes {dimension_semantics = [#tpu.dimension_semantics<core_parallel>, #tpu.dimension_semantics<subcore_parallel>], iteration_bounds = array<i64: 2, 16>, scalar_prefetch = 0 : i64, scratch_operands = 10 : i64, tpu.core_type = #tpu.core_type<sc_vector_subcore>, window_params = [{transform_indices = #map}, {transform_indices = #map}, {transform_indices = #map}, {transform_indices = #map}]} {
    %mul3A = arith.constant 2 : i32
    %mul3A_0 = arith.muli %arg1, %mul3A : i32
    %add3A = arith.addi %mul3A_0, %arg0 : i32
    %mul3A_1 = arith.constant 100000 : i32
    %mul3A_2 = arith.muli %add3A, %mul3A_1 : i32
    %mul3A_3 = arith.constant 6256 : i32
    %mul3A_4 = arith.muli %arg1, %mul3A_3 : i32
    %add3A_5 = arith.constant 0 : i32
    %add3A_6 = arith.addi %mul3A_4, %add3A_5 : i32
    "tpu.region"() ({
      %run_scoped3A = tpu.sem_alloc : memref<!tpu.dma_semaphore, #tpu.memory_space<semaphore_mem>>
      %dma_start3A = tpu.memref_slice %arg4[%add3A_6] : memref<100096xf32, #tpu.memory_space<hbm>> -> memref<3128xf32, #tpu.memory_space<hbm>>
      %dma_start3A_26 = tpu.memref_slice %arg4[%add3A_6] : memref<100096xf32, #tpu.memory_space<hbm>> -> memref<3128xf32, #tpu.memory_space<hbm>>
      tpu.enqueue_dma source(%dma_start3A_26 : memref<3128xf32, #tpu.memory_space<hbm>>) target(%arg14 : memref<3128xf32, #tpu.memory_space<vmem>>) target_semaphore(%run_scoped3A : memref<!tpu.dma_semaphore, #tpu.memory_space<semaphore_mem>>)
      %dma_wait3A = tpu.memref_slice %arg4[%add3A_6] : memref<100096xf32, #tpu.memory_space<hbm>> -> memref<3128xf32, #tpu.memory_space<hbm>>
      %dma_wait3A_27 = tpu.memref_slice %arg4[%add3A_6] : memref<100096xf32, #tpu.memory_space<hbm>> -> memref<3128xf32, #tpu.memory_space<hbm>>
      tpu.wait_dma2 semaphore(%run_scoped3A : memref<!tpu.dma_semaphore, #tpu.memory_space<semaphore_mem>>) src(%dma_wait3A_27 : memref<3128xf32, #tpu.memory_space<hbm>>) dst(%arg14 : memref<3128xf32, #tpu.memory_space<vmem>>)
      tpu.yield
    }) : () -> ()
    "tpu.region"() ({
      %run_scoped3A = tpu.sem_alloc : memref<!tpu.dma_semaphore, #tpu.memory_space<semaphore_mem>>
      %dma_start3A = tpu.memref_slice %arg13[%add3A_6] : memref<100096xf32, #tpu.memory_space<vmem_shared>> -> memref<3128xf32, #tpu.memory_space<vmem_shared>>
      %dma_start3A_26 = tpu.memref_slice %arg13[%add3A_6] : memref<100096xf32, #tpu.memory_space<vmem_shared>> -> memref<3128xf32, #tpu.memory_space<vmem_shared>>
      tpu.enqueue_dma source(%arg14 : memref<3128xf32, #tpu.memory_space<vmem>>) target(%dma_start3A_26 : memref<3128xf32, #tpu.memory_space<vmem_shared>>) target_semaphore(%run_scoped3A : memref<!tpu.dma_semaphore, #tpu.memory_space<semaphore_mem>>)
      %dma_wait3A = tpu.memref_slice %arg13[%add3A_6] : memref<100096xf32, #tpu.memory_space<vmem_shared>> -> memref<3128xf32, #tpu.memory_space<vmem_shared>>
      %dma_wait3A_27 = tpu.memref_slice %arg13[%add3A_6] : memref<100096xf32, #tpu.memory_space<vmem_shared>> -> memref<3128xf32, #tpu.memory_space<vmem_shared>>
      tpu.wait_dma2 semaphore(%run_scoped3A : memref<!tpu.dma_semaphore, #tpu.memory_space<semaphore_mem>>) src(%arg14 : memref<3128xf32, #tpu.memory_space<vmem>>) dst(%dma_wait3A_27 : memref<3128xf32, #tpu.memory_space<vmem_shared>>)
      tpu.yield
    }) : () -> ()
    %add3A_7 = arith.constant 3128 : i32
    %add3A_8 = arith.addi %mul3A_4, %add3A_7 : i32
    "tpu.region"() ({
      %run_scoped3A = tpu.sem_alloc : memref<!tpu.dma_semaphore, #tpu.memory_space<semaphore_mem>>
      %dma_start3A = tpu.memref_slice %arg4[%add3A_8] : memref<100096xf32, #tpu.memory_space<hbm>> -> memref<3128xf32, #tpu.memory_space<hbm>>
      %dma_start3A_26 = tpu.memref_slice %arg4[%add3A_8] : memref<100096xf32, #tpu.memory_space<hbm>> -> memref<3128xf32, #tpu.memory_space<hbm>>
      tpu.enqueue_dma source(%dma_start3A_26 : memref<3128xf32, #tpu.memory_space<hbm>>) target(%arg14 : memref<3128xf32, #tpu.memory_space<vmem>>) target_semaphore(%run_scoped3A : memref<!tpu.dma_semaphore, #tpu.memory_space<semaphore_mem>>)
      %dma_wait3A = tpu.memref_slice %arg4[%add3A_8] : memref<100096xf32, #tpu.memory_space<hbm>> -> memref<3128xf32, #tpu.memory_space<hbm>>
      %dma_wait3A_27 = tpu.memref_slice %arg4[%add3A_8] : memref<100096xf32, #tpu.memory_space<hbm>> -> memref<3128xf32, #tpu.memory_space<hbm>>
      tpu.wait_dma2 semaphore(%run_scoped3A : memref<!tpu.dma_semaphore, #tpu.memory_space<semaphore_mem>>) src(%dma_wait3A_27 : memref<3128xf32, #tpu.memory_space<hbm>>) dst(%arg14 : memref<3128xf32, #tpu.memory_space<vmem>>)
      tpu.yield
    }) : () -> ()
    "tpu.region"() ({
      %run_scoped3A = tpu.sem_alloc : memref<!tpu.dma_semaphore, #tpu.memory_space<semaphore_mem>>
      %dma_start3A = tpu.memref_slice %arg13[%add3A_8] : memref<100096xf32, #tpu.memory_space<vmem_shared>> -> memref<3128xf32, #tpu.memory_space<vmem_shared>>
      %dma_start3A_26 = tpu.memref_slice %arg13[%add3A_8] : memref<100096xf32, #tpu.memory_space<vmem_shared>> -> memref<3128xf32, #tpu.memory_space<vmem_shared>>
      tpu.enqueue_dma source(%arg14 : memref<3128xf32, #tpu.memory_space<vmem>>) target(%dma_start3A_26 : memref<3128xf32, #tpu.memory_space<vmem_shared>>) target_semaphore(%run_scoped3A : memref<!tpu.dma_semaphore, #tpu.memory_space<semaphore_mem>>)
      %dma_wait3A = tpu.memref_slice %arg13[%add3A_8] : memref<100096xf32, #tpu.memory_space<vmem_shared>> -> memref<3128xf32, #tpu.memory_space<vmem_shared>>
      %dma_wait3A_27 = tpu.memref_slice %arg13[%add3A_8] : memref<100096xf32, #tpu.memory_space<vmem_shared>> -> memref<3128xf32, #tpu.memory_space<vmem_shared>>
      tpu.wait_dma2 semaphore(%run_scoped3A : memref<!tpu.dma_semaphore, #tpu.memory_space<semaphore_mem>>) src(%arg14 : memref<3128xf32, #tpu.memory_space<vmem>>) dst(%dma_wait3A_27 : memref<3128xf32, #tpu.memory_space<vmem_shared>>)
      tpu.yield
    }) : () -> ()
    %barrier3A = arith.constant 0 : index
    tpu.barrier barrier_id(%barrier3A)
    %scan3A = arith.constant 0 : i32
    %scan3A_9 = arith.constant -3.400000e+38 : f32
    %scan3A_10 = arith.constant 0 : i32
    %scan3A_11 = arith.constant 6256 : i32
    %scan3A_12 = arith.addi %scan3A_10, %scan3A_11 : i32
    %scan3A_13 = arith.constant 1 : i32
    scf.for %scan3A_26 = %scan3A_10 to %scan3A_12 step %scan3A_13  : i32 {
      %broadcast_in_dim3A = vector.broadcast %scan3A_9 : f32 to vector<16xf32>
      %mul3A_27 = arith.constant 16 : i32
      %mul3A_28 = arith.muli %scan3A_26, %mul3A_27 : i32
      %swap3A = arith.index_cast %mul3A_28 : i32 to index
      %swap3A_29 = tpu.vector_load %arg12[%swap3A] {strides = array<i32>} : memref<100096xf32, #tpu.memory_space<vmem>>, vector<16xf32>,
      tpu.vector_store %arg12[%swap3A], %broadcast_in_dim3A {strides = array<i32>} : memref<100096xf32, #tpu.memory_space<vmem>>, vector<16xf32>,
    }
    %scan3A_14 = arith.constant 6256 : i32
    %scan3A_15 = arith.constant 0 : i32
    %scan3A_16 = arith.constant 0 : i32
    %scan3A_17 = arith.constant 25 : i32
    %scan3A_18 = arith.addi %scan3A_16, %scan3A_17 : i32
    %scan3A_19 = arith.constant 1 : i32
    scf.for %scan3A_26 = %scan3A_16 to %scan3A_18 step %scan3A_19  : i32 {
      %mul3A_27 = arith.constant 4000 : i32
      %mul3A_28 = arith.muli %scan3A_26, %mul3A_27 : i32
      %add3A_29 = arith.addi %mul3A_2, %mul3A_28 : i32
      "tpu.region"() ({
        %run_scoped3A = tpu.sem_alloc : memref<!tpu.dma_semaphore, #tpu.memory_space<semaphore_mem>>
        %dma_start3A_38 = tpu.memref_slice %arg2[%add3A_29] : memref<3200000xi32, #tpu.memory_space<hbm>> -> memref<4000xi32, #tpu.memory_space<hbm>>
        %dma_start3A_39 = tpu.memref_slice %arg2[%add3A_29] : memref<3200000xi32, #tpu.memory_space<hbm>> -> memref<4000xi32, #tpu.memory_space<hbm>>
        tpu.enqueue_dma source(%dma_start3A_39 : memref<4000xi32, #tpu.memory_space<hbm>>) target(%arg6 : memref<4000xi32, #tpu.memory_space<vmem>>) target_semaphore(%run_scoped3A : memref<!tpu.dma_semaphore, #tpu.memory_space<semaphore_mem>>)
        %dma_wait3A_40 = tpu.memref_slice %arg2[%add3A_29] : memref<3200000xi32, #tpu.memory_space<hbm>> -> memref<4000xi32, #tpu.memory_space<hbm>>
        %dma_wait3A_41 = tpu.memref_slice %arg2[%add3A_29] : memref<3200000xi32, #tpu.memory_space<hbm>> -> memref<4000xi32, #tpu.memory_space<hbm>>
        tpu.wait_dma2 semaphore(%run_scoped3A : memref<!tpu.dma_semaphore, #tpu.memory_space<semaphore_mem>>) src(%dma_wait3A_41 : memref<4000xi32, #tpu.memory_space<hbm>>) dst(%arg6 : memref<4000xi32, #tpu.memory_space<vmem>>)
        tpu.yield
      }) : () -> ()
      "tpu.region"() ({
        %run_scoped3A = tpu.sem_alloc : memref<!tpu.dma_semaphore, #tpu.memory_space<semaphore_mem>>
        %dma_start3A_38 = tpu.memref_slice %arg3[%add3A_29] : memref<3200000xi32, #tpu.memory_space<hbm>> -> memref<4000xi32, #tpu.memory_space<hbm>>
        %dma_start3A_39 = tpu.memref_slice %arg3[%add3A_29] : memref<3200000xi32, #tpu.memory_space<hbm>> -> memref<4000xi32, #tpu.memory_space<hbm>>
        tpu.enqueue_dma source(%dma_start3A_39 : memref<4000xi32, #tpu.memory_space<hbm>>) target(%arg7 : memref<4000xi32, #tpu.memory_space<vmem>>) target_semaphore(%run_scoped3A : memref<!tpu.dma_semaphore, #tpu.memory_space<semaphore_mem>>)
        %dma_wait3A_40 = tpu.memref_slice %arg3[%add3A_29] : memref<3200000xi32, #tpu.memory_space<hbm>> -> memref<4000xi32, #tpu.memory_space<hbm>>
        %dma_wait3A_41 = tpu.memref_slice %arg3[%add3A_29] : memref<3200000xi32, #tpu.memory_space<hbm>> -> memref<4000xi32, #tpu.memory_space<hbm>>
        tpu.wait_dma2 semaphore(%run_scoped3A : memref<!tpu.dma_semaphore, #tpu.memory_space<semaphore_mem>>) src(%dma_wait3A_41 : memref<4000xi32, #tpu.memory_space<hbm>>) dst(%arg7 : memref<4000xi32, #tpu.memory_space<vmem>>)
        tpu.yield
      }) : () -> ()
      %dma_start3A = arith.constant 0 : i32
      %dma_start3A_30 = tpu.memref_slice %arg13[%dma_start3A] : memref<100096xf32, #tpu.memory_space<vmem_shared>> -> memref<100096xf32, #tpu.memory_space<vmem_shared>>
      tpu.enqueue_indirect_dma source(%dma_start3A_30 : memref<100096xf32, #tpu.memory_space<vmem_shared>>) target(%arg8 : memref<4000xf32, #tpu.memory_space<vmem>>) offsets(%arg6 : memref<4000xi32, #tpu.memory_space<vmem>>) semaphore(%arg15 : memref<!tpu.dma_semaphore, #tpu.memory_space<semaphore_mem>>)
      %dma_wait3A = arith.constant 0 : i32
      %dma_wait3A_31 = tpu.memref_slice %arg13[%dma_wait3A] : memref<100096xf32, #tpu.memory_space<vmem_shared>> -> memref<100096xf32, #tpu.memory_space<vmem_shared>>
      tpu.wait_indirect_dma semaphore(%arg15 : memref<!tpu.dma_semaphore, #tpu.memory_space<semaphore_mem>>) src(%dma_wait3A_31 : memref<100096xf32, #tpu.memory_space<vmem_shared>>) dst(%arg8 : memref<4000xf32, #tpu.memory_space<vmem>>)
      %iota3A = tpu.iota {dimensions = array<i32: 0>} : vector<16xi32>
      %scan3A_32 = arith.constant 0 : i32
      %scan3A_33 = arith.constant 0 : i32
      %scan3A_34 = arith.constant 250 : i32
      %scan3A_35 = arith.addi %scan3A_33, %scan3A_34 : i32
      %scan3A_36 = arith.constant 1 : i32
      scf.for %scan3A_38 = %scan3A_33 to %scan3A_35 step %scan3A_36  : i32 {
        %mul3A_39 = arith.constant 16 : i32
        %mul3A_40 = arith.muli %scan3A_38, %mul3A_39 : i32
        %get3A = arith.index_cast %mul3A_40 : i32 to index
        %get3A_41 = tpu.vector_load %arg7[%get3A] {strides = array<i32>} : memref<4000xi32, #tpu.memory_space<vmem>>, vector<16xi32>,
        %mul3A_42 = arith.constant 16 : i32
        %mul3A_43 = arith.muli %scan3A_38, %mul3A_42 : i32
        %get3A_44 = arith.index_cast %mul3A_43 : i32 to index
        %get3A_45 = tpu.vector_load %arg8[%get3A_44] {strides = array<i32>} : memref<4000xf32, #tpu.memory_space<vmem>>, vector<16xf32>,
        %and3A = arith.constant 8191 : i32
        %and3A_46 = vector.broadcast %and3A : i32 to vector<16xi32>
        %and3A_47 = arith.andi %get3A_41, %and3A_46 : vector<16xi32>
        %convert_element_type3A = arith.sitofp %iota3A : vector<16xi32> to vector<16xf32>
        tpu.vector_store_idx %arg11[%and3A_47], %convert_element_type3A : memref<8192xf32, #tpu.memory_space<vmem>>[vector<16xi32>], vector<16xf32>,
        %gather3A = tpu.vector_load_idx %arg11[%and3A_47] : memref<8192xf32, #tpu.memory_space<vmem>>[vector<16xi32>], vector<16xf32>,
        %ne3A = arith.cmpf one, %gather3A, %convert_element_type3A : vector<16xf32>
        %reduce_or3A = arith.constant 1.000000e+00 : f32
        %reduce_or3A_48 = arith.constant 0.000000e+00 : f32
        %reduce_or3A_49 = vector.broadcast %reduce_or3A : f32 to vector<16xf32>
        %reduce_or3A_50 = vector.broadcast %reduce_or3A_48 : f32 to vector<16xf32>
        %reduce_or3A_51 = arith.select %ne3A, %reduce_or3A_49, %reduce_or3A_50 : vector<16xi1>, vector<16xf32>
        %reduce_or3A_52 = arith.constant true
        %reduce_or3A_53 = vector.broadcast %reduce_or3A_52 : i1 to vector<16xi1>
        %reduce_or3A_54 = tpu.scan <max>, %reduce_or3A_51 masked %reduce_or3A_53 : vector<16xf32>, vector<16xi1> -> vector<16xf32>
        %reduce_or3A_55 = vector.extract %reduce_or3A_54[15] : f32 from vector<16xf32>
        %reduce_or3A_56 = arith.constant 0.000000e+00 : f32
        %reduce_or3A_57 = arith.cmpf ogt, %reduce_or3A_55, %reduce_or3A_56 : f32
        %not3A = arith.constant true
        %not3A_58 = arith.xori %reduce_or3A_57, %not3A : i1
        %convert_element_type3A_59 = arith.extui %not3A_58 : i1 to i32
        %cond3A = arith.constant 0 : i32
        %cond3A_60 = arith.cmpi ne, %convert_element_type3A_59, %cond3A : i32
        scf.if %cond3A_60 {
          %gather3A_64 = tpu.vector_load_idx %arg12[%get3A_41] : memref<100096xf32, #tpu.memory_space<vmem>>[vector<16xi32>], vector<16xf32>,
          %max3A = arith.maximumf %gather3A_64, %get3A_45 : vector<16xf32>
          tpu.vector_store_idx %arg12[%get3A_41], %max3A : memref<100096xf32, #tpu.memory_space<vmem>>[vector<16xi32>], vector<16xf32>,
        } else {
        }
        %convert_element_type3A_61 = arith.extui %reduce_or3A_57 : i1 to i32
        %cond3A_62 = arith.constant 0 : i32
        %cond3A_63 = arith.cmpi ne, %convert_element_type3A_61, %cond3A_62 : i32
        scf.if %cond3A_63 {
          %convert_element_type3A_64 = arith.sitofp %get3A_41 : vector<16xi32> to vector<16xf32>
          %swap3A = arith.constant 0 : index
          %swap3A_65 = tpu.vector_load %arg9[%swap3A] {strides = array<i32>} : memref<16xf32, #tpu.memory_space<vmem>>, vector<16xf32>,
          tpu.vector_store %arg9[%swap3A], %convert_element_type3A_64 {strides = array<i32>} : memref<16xf32, #tpu.memory_space<vmem>>, vector<16xf32>,
          %swap3A_66 = arith.constant 0 : index
          %swap3A_67 = tpu.vector_load %arg10[%swap3A_66] {strides = array<i32>} : memref<16xf32, #tpu.memory_space<vmem>>, vector<16xf32>,
          tpu.vector_store %arg10[%swap3A_66], %get3A_45 {strides = array<i32>} : memref<16xf32, #tpu.memory_space<vmem>>, vector<16xf32>,
          %add3A_68 = arith.constant 1 : i32
          %add3A_69 = vector.broadcast %add3A_68 : i32 to vector<16xi32>
          %add3A_70 = arith.addi %iota3A, %add3A_69 : vector<16xi32>
          %and3A_71 = arith.constant 15 : i32
          %and3A_72 = vector.broadcast %and3A_71 : i32 to vector<16xi32>
          %and3A_73 = arith.andi %add3A_70, %and3A_72 : vector<16xi32>
          %gather3A_74 = tpu.vector_load_idx %arg9[%and3A_73] : memref<16xf32, #tpu.memory_space<vmem>>[vector<16xi32>], vector<16xf32>,
          %gather3A_75 = tpu.vector_load_idx %arg10[%and3A_73] : memref<16xf32, #tpu.memory_space<vmem>>[vector<16xi32>], vector<16xf32>,
          %eq3A = arith.cmpf oeq, %gather3A_74, %convert_element_type3A_64 : vector<16xf32>
          %max3A = arith.maximumf %get3A_45, %gather3A_75 : vector<16xf32>
          %select_n3A = arith.select %eq3A, %max3A, %get3A_45 : vector<16xi1>, vector<16xf32>
          %add3A_76 = arith.constant 2 : i32
          %add3A_77 = vector.broadcast %add3A_76 : i32 to vector<16xi32>
          %add3A_78 = arith.addi %iota3A, %add3A_77 : vector<16xi32>
          %and3A_79 = arith.constant 15 : i32
          %and3A_80 = vector.broadcast %and3A_79 : i32 to vector<16xi32>
          %and3A_81 = arith.andi %add3A_78, %and3A_80 : vector<16xi32>
          %gather3A_82 = tpu.vector_load_idx %arg9[%and3A_81] : memref<16xf32, #tpu.memory_space<vmem>>[vector<16xi32>], vector<16xf32>,
          %gather3A_83 = tpu.vector_load_idx %arg10[%and3A_81] : memref<16xf32, #tpu.memory_space<vmem>>[vector<16xi32>], vector<16xf32>,
          %eq3A_84 = arith.cmpf oeq, %gather3A_82, %convert_element_type3A_64 : vector<16xf32>
          %max3A_85 = arith.maximumf %select_n3A, %gather3A_83 : vector<16xf32>
          %select_n3A_86 = arith.select %eq3A_84, %max3A_85, %select_n3A : vector<16xi1>, vector<16xf32>
          %add3A_87 = arith.constant 3 : i32
          %add3A_88 = vector.broadcast %add3A_87 : i32 to vector<16xi32>
          %add3A_89 = arith.addi %iota3A, %add3A_88 : vector<16xi32>
          %and3A_90 = arith.constant 15 : i32
          %and3A_91 = vector.broadcast %and3A_90 : i32 to vector<16xi32>
          %and3A_92 = arith.andi %add3A_89, %and3A_91 : vector<16xi32>
          %gather3A_93 = tpu.vector_load_idx %arg9[%and3A_92] : memref<16xf32, #tpu.memory_space<vmem>>[vector<16xi32>], vector<16xf32>,
          %gather3A_94 = tpu.vector_load_idx %arg10[%and3A_92] : memref<16xf32, #tpu.memory_space<vmem>>[vector<16xi32>], vector<16xf32>,
          %eq3A_95 = arith.cmpf oeq, %gather3A_93, %convert_element_type3A_64 : vector<16xf32>
          %max3A_96 = arith.maximumf %select_n3A_86, %gather3A_94 : vector<16xf32>
          %select_n3A_97 = arith.select %eq3A_95, %max3A_96, %select_n3A_86 : vector<16xi1>, vector<16xf32>
          %add3A_98 = arith.constant 4 : i32
          %add3A_99 = vector.broadcast %add3A_98 : i32 to vector<16xi32>
          %add3A_100 = arith.addi %iota3A, %add3A_99 : vector<16xi32>
          %and3A_101 = arith.constant 15 : i32
          %and3A_102 = vector.broadcast %and3A_101 : i32 to vector<16xi32>
          %and3A_103 = arith.andi %add3A_100, %and3A_102 : vector<16xi32>
          %gather3A_104 = tpu.vector_load_idx %arg9[%and3A_103] : memref<16xf32, #tpu.memory_space<vmem>>[vector<16xi32>], vector<16xf32>,
          %gather3A_105 = tpu.vector_load_idx %arg10[%and3A_103] : memref<16xf32, #tpu.memory_space<vmem>>[vector<16xi32>], vector<16xf32>,
          %eq3A_106 = arith.cmpf oeq, %gather3A_104, %convert_element_type3A_64 : vector<16xf32>
          %max3A_107 = arith.maximumf %select_n3A_97, %gather3A_105 : vector<16xf32>
          %select_n3A_108 = arith.select %eq3A_106, %max3A_107, %select_n3A_97 : vector<16xi1>, vector<16xf32>
          %add3A_109 = arith.constant 5 : i32
          %add3A_110 = vector.broadcast %add3A_109 : i32 to vector<16xi32>
          %add3A_111 = arith.addi %iota3A, %add3A_110 : vector<16xi32>
          %and3A_112 = arith.constant 15 : i32
          %and3A_113 = vector.broadcast %and3A_112 : i32 to vector<16xi32>
          %and3A_114 = arith.andi %add3A_111, %and3A_113 : vector<16xi32>
          %gather3A_115 = tpu.vector_load_idx %arg9[%and3A_114] : memref<16xf32, #tpu.memory_space<vmem>>[vector<16xi32>], vector<16xf32>,
          %gather3A_116 = tpu.vector_load_idx %arg10[%and3A_114] : memref<16xf32, #tpu.memory_space<vmem>>[vector<16xi32>], vector<16xf32>,
          %eq3A_117 = arith.cmpf oeq, %gather3A_115, %convert_element_type3A_64 : vector<16xf32>
          %max3A_118 = arith.maximumf %select_n3A_108, %gather3A_116 : vector<16xf32>
          %select_n3A_119 = arith.select %eq3A_117, %max3A_118, %select_n3A_108 : vector<16xi1>, vector<16xf32>
          %add3A_120 = arith.constant 6 : i32
          %add3A_121 = vector.broadcast %add3A_120 : i32 to vector<16xi32>
          %add3A_122 = arith.addi %iota3A, %add3A_121 : vector<16xi32>
          %and3A_123 = arith.constant 15 : i32
          %and3A_124 = vector.broadcast %and3A_123 : i32 to vector<16xi32>
          %and3A_125 = arith.andi %add3A_122, %and3A_124 : vector<16xi32>
          %gather3A_126 = tpu.vector_load_idx %arg9[%and3A_125] : memref<16xf32, #tpu.memory_space<vmem>>[vector<16xi32>], vector<16xf32>,
          %gather3A_127 = tpu.vector_load_idx %arg10[%and3A_125] : memref<16xf32, #tpu.memory_space<vmem>>[vector<16xi32>], vector<16xf32>,
          %eq3A_128 = arith.cmpf oeq, %gather3A_126, %convert_element_type3A_64 : vector<16xf32>
          %max3A_129 = arith.maximumf %select_n3A_119, %gather3A_127 : vector<16xf32>
          %select_n3A_130 = arith.select %eq3A_128, %max3A_129, %select_n3A_119 : vector<16xi1>, vector<16xf32>
          %add3A_131 = arith.constant 7 : i32
          %add3A_132 = vector.broadcast %add3A_131 : i32 to vector<16xi32>
          %add3A_133 = arith.addi %iota3A, %add3A_132 : vector<16xi32>
          %and3A_134 = arith.constant 15 : i32
          %and3A_135 = vector.broadcast %and3A_134 : i32 to vector<16xi32>
          %and3A_136 = arith.andi %add3A_133, %and3A_135 : vector<16xi32>
          %gather3A_137 = tpu.vector_load_idx %arg9[%and3A_136] : memref<16xf32, #tpu.memory_space<vmem>>[vector<16xi32>], vector<16xf32>,
          %gather3A_138 = tpu.vector_load_idx %arg10[%and3A_136] : memref<16xf32, #tpu.memory_space<vmem>>[vector<16xi32>], vector<16xf32>,
          %eq3A_139 = arith.cmpf oeq, %gather3A_137, %convert_element_type3A_64 : vector<16xf32>
          %max3A_140 = arith.maximumf %select_n3A_130, %gather3A_138 : vector<16xf32>
          %select_n3A_141 = arith.select %eq3A_139, %max3A_140, %select_n3A_130 : vector<16xi1>, vector<16xf32>
          %add3A_142 = arith.constant 8 : i32
          %add3A_143 = vector.broadcast %add3A_142 : i32 to vector<16xi32>
          %add3A_144 = arith.addi %iota3A, %add3A_143 : vector<16xi32>
          %and3A_145 = arith.constant 15 : i32
          %and3A_146 = vector.broadcast %and3A_145 : i32 to vector<16xi32>
          %and3A_147 = arith.andi %add3A_144, %and3A_146 : vector<16xi32>
          %gather3A_148 = tpu.vector_load_idx %arg9[%and3A_147] : memref<16xf32, #tpu.memory_space<vmem>>[vector<16xi32>], vector<16xf32>,
          %gather3A_149 = tpu.vector_load_idx %arg10[%and3A_147] : memref<16xf32, #tpu.memory_space<vmem>>[vector<16xi32>], vector<16xf32>,
          %eq3A_150 = arith.cmpf oeq, %gather3A_148, %convert_element_type3A_64 : vector<16xf32>
          %max3A_151 = arith.maximumf %select_n3A_141, %gather3A_149 : vector<16xf32>
          %select_n3A_152 = arith.select %eq3A_150, %max3A_151, %select_n3A_141 : vector<16xi1>, vector<16xf32>
          %add3A_153 = arith.constant 9 : i32
          %add3A_154 = vector.broadcast %add3A_153 : i32 to vector<16xi32>
          %add3A_155 = arith.addi %iota3A, %add3A_154 : vector<16xi32>
          %and3A_156 = arith.constant 15 : i32
          %and3A_157 = vector.broadcast %and3A_156 : i32 to vector<16xi32>
          %and3A_158 = arith.andi %add3A_155, %and3A_157 : vector<16xi32>
          %gather3A_159 = tpu.vector_load_idx %arg9[%and3A_158] : memref<16xf32, #tpu.memory_space<vmem>>[vector<16xi32>], vector<16xf32>,
          %gather3A_160 = tpu.vector_load_idx %arg10[%and3A_158] : memref<16xf32, #tpu.memory_space<vmem>>[vector<16xi32>], vector<16xf32>,
          %eq3A_161 = arith.cmpf oeq, %gather3A_159, %convert_element_type3A_64 : vector<16xf32>
          %max3A_162 = arith.maximumf %select_n3A_152, %gather3A_160 : vector<16xf32>
          %select_n3A_163 = arith.select %eq3A_161, %max3A_162, %select_n3A_152 : vector<16xi1>, vector<16xf32>
          %add3A_164 = arith.constant 10 : i32
          %add3A_165 = vector.broadcast %add3A_164 : i32 to vector<16xi32>
          %add3A_166 = arith.addi %iota3A, %add3A_165 : vector<16xi32>
          %and3A_167 = arith.constant 15 : i32
          %and3A_168 = vector.broadcast %and3A_167 : i32 to vector<16xi32>
          %and3A_169 = arith.andi %add3A_166, %and3A_168 : vector<16xi32>
          %gather3A_170 = tpu.vector_load_idx %arg9[%and3A_169] : memref<16xf32, #tpu.memory_space<vmem>>[vector<16xi32>], vector<16xf32>,
          %gather3A_171 = tpu.vector_load_idx %arg10[%and3A_169] : memref<16xf32, #tpu.memory_space<vmem>>[vector<16xi32>], vector<16xf32>,
          %eq3A_172 = arith.cmpf oeq, %gather3A_170, %convert_element_type3A_64 : vector<16xf32>
          %max3A_173 = arith.maximumf %select_n3A_163, %gather3A_171 : vector<16xf32>
          %select_n3A_174 = arith.select %eq3A_172, %max3A_173, %select_n3A_163 : vector<16xi1>, vector<16xf32>
          %add3A_175 = arith.constant 11 : i32
          %add3A_176 = vector.broadcast %add3A_175 : i32 to vector<16xi32>
          %add3A_177 = arith.addi %iota3A, %add3A_176 : vector<16xi32>
          %and3A_178 = arith.constant 15 : i32
          %and3A_179 = vector.broadcast %and3A_178 : i32 to vector<16xi32>
          %and3A_180 = arith.andi %add3A_177, %and3A_179 : vector<16xi32>
          %gather3A_181 = tpu.vector_load_idx %arg9[%and3A_180] : memref<16xf32, #tpu.memory_space<vmem>>[vector<16xi32>], vector<16xf32>,
          %gather3A_182 = tpu.vector_load_idx %arg10[%and3A_180] : memref<16xf32, #tpu.memory_space<vmem>>[vector<16xi32>], vector<16xf32>,
          %eq3A_183 = arith.cmpf oeq, %gather3A_181, %convert_element_type3A_64 : vector<16xf32>
          %max3A_184 = arith.maximumf %select_n3A_174, %gather3A_182 : vector<16xf32>
          %select_n3A_185 = arith.select %eq3A_183, %max3A_184, %select_n3A_174 : vector<16xi1>, vector<16xf32>
          %add3A_186 = arith.constant 12 : i32
          %add3A_187 = vector.broadcast %add3A_186 : i32 to vector<16xi32>
          %add3A_188 = arith.addi %iota3A, %add3A_187 : vector<16xi32>
          %and3A_189 = arith.constant 15 : i32
          %and3A_190 = vector.broadcast %and3A_189 : i32 to vector<16xi32>
          %and3A_191 = arith.andi %add3A_188, %and3A_190 : vector<16xi32>
          %gather3A_192 = tpu.vector_load_idx %arg9[%and3A_191] : memref<16xf32, #tpu.memory_space<vmem>>[vector<16xi32>], vector<16xf32>,
          %gather3A_193 = tpu.vector_load_idx %arg10[%and3A_191] : memref<16xf32, #tpu.memory_space<vmem>>[vector<16xi32>], vector<16xf32>,
          %eq3A_194 = arith.cmpf oeq, %gather3A_192, %convert_element_type3A_64 : vector<16xf32>
          %max3A_195 = arith.maximumf %select_n3A_185, %gather3A_193 : vector<16xf32>
          %select_n3A_196 = arith.select %eq3A_194, %max3A_195, %select_n3A_185 : vector<16xi1>, vector<16xf32>
          %add3A_197 = arith.constant 13 : i32
          %add3A_198 = vector.broadcast %add3A_197 : i32 to vector<16xi32>
          %add3A_199 = arith.addi %iota3A, %add3A_198 : vector<16xi32>
          %and3A_200 = arith.constant 15 : i32
          %and3A_201 = vector.broadcast %and3A_200 : i32 to vector<16xi32>
          %and3A_202 = arith.andi %add3A_199, %and3A_201 : vector<16xi32>
          %gather3A_203 = tpu.vector_load_idx %arg9[%and3A_202] : memref<16xf32, #tpu.memory_space<vmem>>[vector<16xi32>], vector<16xf32>,
          %gather3A_204 = tpu.vector_load_idx %arg10[%and3A_202] : memref<16xf32, #tpu.memory_space<vmem>>[vector<16xi32>], vector<16xf32>,
          %eq3A_205 = arith.cmpf oeq, %gather3A_203, %convert_element_type3A_64 : vector<16xf32>
          %max3A_206 = arith.maximumf %select_n3A_196, %gather3A_204 : vector<16xf32>
          %select_n3A_207 = arith.select %eq3A_205, %max3A_206, %select_n3A_196 : vector<16xi1>, vector<16xf32>
          %add3A_208 = arith.constant 14 : i32
          %add3A_209 = vector.broadcast %add3A_208 : i32 to vector<16xi32>
          %add3A_210 = arith.addi %iota3A, %add3A_209 : vector<16xi32>
          %and3A_211 = arith.constant 15 : i32
          %and3A_212 = vector.broadcast %and3A_211 : i32 to vector<16xi32>
          %and3A_213 = arith.andi %add3A_210, %and3A_212 : vector<16xi32>
          %gather3A_214 = tpu.vector_load_idx %arg9[%and3A_213] : memref<16xf32, #tpu.memory_space<vmem>>[vector<16xi32>], vector<16xf32>,
          %gather3A_215 = tpu.vector_load_idx %arg10[%and3A_213] : memref<16xf32, #tpu.memory_space<vmem>>[vector<16xi32>], vector<16xf32>,
          %eq3A_216 = arith.cmpf oeq, %gather3A_214, %convert_element_type3A_64 : vector<16xf32>
          %max3A_217 = arith.maximumf %select_n3A_207, %gather3A_215 : vector<16xf32>
          %select_n3A_218 = arith.select %eq3A_216, %max3A_217, %select_n3A_207 : vector<16xi1>, vector<16xf32>
          %add3A_219 = arith.constant 15 : i32
          %add3A_220 = vector.broadcast %add3A_219 : i32 to vector<16xi32>
          %add3A_221 = arith.addi %iota3A, %add3A_220 : vector<16xi32>
          %and3A_222 = arith.constant 15 : i32
          %and3A_223 = vector.broadcast %and3A_222 : i32 to vector<16xi32>
          %and3A_224 = arith.andi %add3A_221, %and3A_223 : vector<16xi32>
          %gather3A_225 = tpu.vector_load_idx %arg9[%and3A_224] : memref<16xf32, #tpu.memory_space<vmem>>[vector<16xi32>], vector<16xf32>,
          %gather3A_226 = tpu.vector_load_idx %arg10[%and3A_224] : memref<16xf32, #tpu.memory_space<vmem>>[vector<16xi32>], vector<16xf32>,
          %eq3A_227 = arith.cmpf oeq, %gather3A_225, %convert_element_type3A_64 : vector<16xf32>
          %max3A_228 = arith.maximumf %select_n3A_218, %gather3A_226 : vector<16xf32>
          %select_n3A_229 = arith.select %eq3A_227, %max3A_228, %select_n3A_218 : vector<16xi1>, vector<16xf32>
          %gather3A_230 = tpu.vector_load_idx %arg12[%get3A_41] : memref<100096xf32, #tpu.memory_space<vmem>>[vector<16xi32>], vector<16xf32>,
          %max3A_231 = arith.maximumf %gather3A_230, %select_n3A_229 : vector<16xf32>
          tpu.vector_store_idx %arg12[%get3A_41], %max3A_231 : memref<100096xf32, #tpu.memory_space<vmem>>[vector<16xi32>], vector<16xf32>,
        } else {
        }
      }
      %scan3A_37 = arith.constant 250 : i32
    }
    %scan3A_20 = arith.constant 25 : i32
    %mul3A_21 = arith.constant 2 : i32
    %mul3A_22 = arith.muli %arg1, %mul3A_21 : i32
    %add3A_23 = arith.addi %mul3A_22, %arg0 : i32
    %mul3A_24 = arith.constant 100096 : i32
    %mul3A_25 = arith.muli %add3A_23, %mul3A_24 : i32
    "tpu.region"() ({
      %run_scoped3A = tpu.sem_alloc : memref<!tpu.dma_semaphore, #tpu.memory_space<semaphore_mem>>
      %dma_start3A = tpu.memref_slice %arg5[%mul3A_25] : memref<3203072xf32, #tpu.memory_space<hbm>> -> memref<100096xf32, #tpu.memory_space<hbm>>
      %dma_start3A_26 = tpu.memref_slice %arg5[%mul3A_25] : memref<3203072xf32, #tpu.memory_space<hbm>> -> memref<100096xf32, #tpu.memory_space<hbm>>
      tpu.enqueue_dma source(%arg12 : memref<100096xf32, #tpu.memory_space<vmem>>) target(%dma_start3A_26 : memref<100096xf32, #tpu.memory_space<hbm>>) target_semaphore(%run_scoped3A : memref<!tpu.dma_semaphore, #tpu.memory_space<semaphore_mem>>)
      %dma_wait3A = tpu.memref_slice %arg5[%mul3A_25] : memref<3203072xf32, #tpu.memory_space<hbm>> -> memref<100096xf32, #tpu.memory_space<hbm>>
      %dma_wait3A_27 = tpu.memref_slice %arg5[%mul3A_25] : memref<3203072xf32, #tpu.memory_space<hbm>> -> memref<100096xf32, #tpu.memory_space<hbm>>
      tpu.wait_dma2 semaphore(%run_scoped3A : memref<!tpu.dma_semaphore, #tpu.memory_space<semaphore_mem>>) src(%arg12 : memref<100096xf32, #tpu.memory_space<vmem>>) dst(%dma_wait3A_27 : memref<100096xf32, #tpu.memory_space<hbm>>)
      tpu.yield
    }) : () -> ()
    return
  }
}

module attributes {stable_mosaic.version = 14 : i64} {
  func.func @_k_mm_leaky(%arg0: memref<2250x363xf32, #tpu.memory_space<vmem>>, %arg1: memref<363x10xf32, #tpu.memory_space<vmem>>, %arg2: memref<2250x10xf32, #tpu.memory_space<vmem>>) attributes {dimension_semantics = [], scalar_prefetch = 0 : i64, scratch_operands = 0 : i64, tpu.core_type = #tpu.core_type<tc>} {
    %get3A = arith.constant 0 : index
    %get3A_0 = arith.constant 0 : index
    %get3A_1 = vector.load %arg0[%get3A, %get3A_0] : memref<2250x363xf32, #tpu.memory_space<vmem>>, vector<2250x363xf32>
    %get3A_2 = arith.constant 0 : index
    %get3A_3 = arith.constant 0 : index
    %get3A_4 = vector.load %arg1[%get3A_2, %get3A_3] : memref<363x10xf32, #tpu.memory_space<vmem>>, vector<363x10xf32>
    %dot_general3A = arith.constant dense<0.000000e+00> : vector<2250x10xf32>
    %dot_general3A_5 = tpu.matmul %get3A_1, %get3A_4, %dot_general3A {dimension_numbers = #tpu.dot_dimension_numbers<[1], [0], [0], [1], [0, 0, 1, 1], [], []>, transpose_lhs_hint = false} : vector<2250x363xf32>, vector<363x10xf32>, vector<2250x10xf32> -> vector<2250x10xf32>
    %gt3A = arith.constant 0.000000e+00 : f32
    %gt3A_6 = vector.broadcast %gt3A : f32 to vector<2250x10xf32>
    %gt3A_7 = arith.cmpf ogt, %dot_general3A_5, %gt3A_6 : vector<2250x10xf32>
    %mul3A = arith.constant 0.00999999977 : f32
    %mul3A_8 = vector.broadcast %mul3A : f32 to vector<2250x10xf32>
    %mul3A_9 = arith.mulf %mul3A_8, %dot_general3A_5 : vector<2250x10xf32>
    %select_n3A = arith.select %gt3A_7, %dot_general3A_5, %mul3A_9 : vector<2250x10xi1>, vector<2250x10xf32>
    %swap3A = arith.constant 0 : index
    %swap3A_10 = arith.constant 0 : index
    %swap3A_11 = vector.load %arg2[%swap3A, %swap3A_10] : memref<2250x10xf32, #tpu.memory_space<vmem>>, vector<2250x10xf32>
    tpu.vector_store %arg2[%swap3A, %swap3A_10], %select_n3A {strides = array<i32>} : memref<2250x10xf32, #tpu.memory_space<vmem>>, vector<2250x10xf32>,
    return
  }
}

module attributes {stable_mosaic.version = 14 : i64} {
  func.func @_k_maxlead(%arg0: memref<9x490x10xf32, #tpu.memory_space<vmem>>, %arg1: memref<490x10xf32, #tpu.memory_space<vmem>>) attributes {dimension_semantics = [], scalar_prefetch = 0 : i64, scratch_operands = 0 : i64, tpu.core_type = #tpu.core_type<tc>} {
    %get3A = arith.constant 0 : index
    %get3A_0 = arith.constant 0 : index
    %get3A_1 = arith.constant 0 : index
    %get3A_2 = vector.load %arg0[%get3A, %get3A_0, %get3A_1] : memref<9x490x10xf32, #tpu.memory_space<vmem>>, vector<9x490x10xf32>
    %reduce_max3A = arith.constant dense<0xFF800000> : vector<490x10xf32>
    %reduce_max3A_3 = vector.multi_reduction <maximumf>, %get3A_2, %reduce_max3A [0] : vector<9x490x10xf32> to vector<490x10xf32>
    %swap3A = arith.constant 0 : index
    %swap3A_4 = arith.constant 0 : index
    %swap3A_5 = vector.load %arg1[%swap3A, %swap3A_4] : memref<490x10xf32, #tpu.memory_space<vmem>>, vector<490x10xf32>
    tpu.vector_store %arg1[%swap3A, %swap3A_4], %reduce_max3A_3 {strides = array<i32>} : memref<490x10xf32, #tpu.memory_space<vmem>>, vector<490x10xf32>,
    return
  }
}

module attributes {stable_mosaic.version = 14 : i64} {
  func.func @_k_mm_bias_leaky(%arg0: memref<160x250xf32, #tpu.memory_space<vmem>>, %arg1: memref<250x16xf32, #tpu.memory_space<vmem>>, %arg2: memref<1x16xf32, #tpu.memory_space<vmem>>, %arg3: memref<160x16xf32, #tpu.memory_space<vmem>>) attributes {dimension_semantics = [], scalar_prefetch = 0 : i64, scratch_operands = 0 : i64, tpu.core_type = #tpu.core_type<tc>} {
    %get3A = arith.constant 0 : index
    %get3A_0 = arith.constant 0 : index
    %get3A_1 = vector.load %arg0[%get3A, %get3A_0] : memref<160x250xf32, #tpu.memory_space<vmem>>, vector<160x250xf32>
    %get3A_2 = arith.constant 0 : index
    %get3A_3 = arith.constant 0 : index
    %get3A_4 = vector.load %arg1[%get3A_2, %get3A_3] : memref<250x16xf32, #tpu.memory_space<vmem>>, vector<250x16xf32>
    %dot_general3A = arith.constant dense<0.000000e+00> : vector<160x16xf32>
    %dot_general3A_5 = tpu.matmul %get3A_1, %get3A_4, %dot_general3A {dimension_numbers = #tpu.dot_dimension_numbers<[1], [0], [0], [1], [0, 0, 1, 1], [], []>, transpose_lhs_hint = false} : vector<160x250xf32>, vector<250x16xf32>, vector<160x16xf32> -> vector<160x16xf32>
    %get3A_6 = arith.constant 0 : index
    %get3A_7 = arith.constant 0 : index
    %get3A_8 = vector.load %arg2[%get3A_6, %get3A_7] : memref<1x16xf32, #tpu.memory_space<vmem>>, vector<1x16xf32>
    %add3A = vector.broadcast %get3A_8 : vector<1x16xf32> to vector<160x16xf32>
    %add3A_9 = arith.addf %dot_general3A_5, %add3A : vector<160x16xf32>
    %gt3A = arith.constant 0.000000e+00 : f32
    %gt3A_10 = vector.broadcast %gt3A : f32 to vector<160x16xf32>
    %gt3A_11 = arith.cmpf ogt, %add3A_9, %gt3A_10 : vector<160x16xf32>
    %mul3A = arith.constant 0.00999999977 : f32
    %mul3A_12 = vector.broadcast %mul3A : f32 to vector<160x16xf32>
    %mul3A_13 = arith.mulf %mul3A_12, %add3A_9 : vector<160x16xf32>
    %select_n3A = arith.select %gt3A_11, %add3A_9, %mul3A_13 : vector<160x16xi1>, vector<160x16xf32>
    %swap3A = arith.constant 0 : index
    %swap3A_14 = arith.constant 0 : index
    %swap3A_15 = vector.load %arg3[%swap3A, %swap3A_14] : memref<160x16xf32, #tpu.memory_space<vmem>>, vector<160x16xf32>
    tpu.vector_store %arg3[%swap3A, %swap3A_14], %select_n3A {strides = array<i32>} : memref<160x16xf32, #tpu.memory_space<vmem>>, vector<160x16xf32>,
    return
  }
}

module attributes {stable_mosaic.version = 14 : i64} {
  func.func @_k_head(%arg0: memref<4x10x64xf32, #tpu.memory_space<vmem>>, %arg1: memref<64x2xf32, #tpu.memory_space<vmem>>, %arg2: memref<1x2xf32, #tpu.memory_space<vmem>>, %arg3: memref<10x2xf32, #tpu.memory_space<vmem>>) attributes {dimension_semantics = [], scalar_prefetch = 0 : i64, scratch_operands = 0 : i64, tpu.core_type = #tpu.core_type<tc>} {
    %get3A = arith.constant 0 : index
    %get3A_0 = arith.constant 0 : index
    %get3A_1 = arith.constant 0 : index
    %get3A_2 = vector.load %arg0[%get3A, %get3A_0, %get3A_1] : memref<4x10x64xf32, #tpu.memory_space<vmem>>, vector<4x10x64xf32>
    %reduce_max3A = arith.constant dense<0xFF800000> : vector<10x64xf32>
    %reduce_max3A_3 = vector.multi_reduction <maximumf>, %get3A_2, %reduce_max3A [0] : vector<4x10x64xf32> to vector<10x64xf32>
    %get3A_4 = arith.constant 0 : index
    %get3A_5 = arith.constant 0 : index
    %get3A_6 = vector.load %arg1[%get3A_4, %get3A_5] : memref<64x2xf32, #tpu.memory_space<vmem>>, vector<64x2xf32>
    %dot_general3A = arith.constant dense<0.000000e+00> : vector<10x2xf32>
    %dot_general3A_7 = tpu.matmul %reduce_max3A_3, %get3A_6, %dot_general3A {dimension_numbers = #tpu.dot_dimension_numbers<[1], [0], [0], [1], [0, 0, 1, 1], [], []>, transpose_lhs_hint = false} : vector<10x64xf32>, vector<64x2xf32>, vector<10x2xf32> -> vector<10x2xf32>
    %get3A_8 = arith.constant 0 : index
    %get3A_9 = arith.constant 0 : index
    %get3A_10 = vector.load %arg2[%get3A_8, %get3A_9] : memref<1x2xf32, #tpu.memory_space<vmem>>, vector<1x2xf32>
    %add3A = vector.broadcast %get3A_10 : vector<1x2xf32> to vector<10x2xf32>
    %add3A_11 = arith.addf %dot_general3A_7, %add3A : vector<10x2xf32>
    %logistic3A = arith.negf %add3A_11 : vector<10x2xf32>
    %logistic3A_12 = math.exp %logistic3A : vector<10x2xf32>
    %logistic3A_13 = arith.constant 1.000000e+00 : f32
    %logistic3A_14 = vector.broadcast %logistic3A_13 : f32 to vector<10x2xf32>
    %logistic3A_15 = arith.addf %logistic3A_14, %logistic3A_12 : vector<10x2xf32>
    %logistic3A_16 = arith.divf %logistic3A_14, %logistic3A_15 : vector<10x2xf32>
    %swap3A = arith.constant 0 : index
    %swap3A_17 = arith.constant 0 : index
    %swap3A_18 = vector.load %arg3[%swap3A, %swap3A_17] : memref<10x2xf32, #tpu.memory_space<vmem>>, vector<10x2xf32>
    tpu.vector_store %arg3[%swap3A, %swap3A_17], %logistic3A_16 {strides = array<i32>} : memref<10x2xf32, #tpu.memory_space<vmem>>, vector<10x2xf32>,
    return
  }
}

module attributes {stable_mosaic.version = 14 : i64} {
  func.func @_k_norm1(%arg0: memref<782x128xf32, #tpu.memory_space<vmem>>, %arg1: memref<782x128xf32, #tpu.memory_space<vmem>>, %arg2: memref<782x128xf32, #tpu.memory_space<vmem>>, %arg3: memref<782x128xf32, #tpu.memory_space<vmem>>, %arg4: memref<782x128xf32, #tpu.memory_space<vmem>>, %arg5: memref<782x128xf32, #tpu.memory_space<vmem>>, %arg6: memref<782x128xf32, #tpu.memory_space<vmem>>, %arg7: memref<782x128xf32, #tpu.memory_space<vmem>>, %arg8: memref<782x128xf32, #tpu.memory_space<vmem>>, %arg9: memref<782x128xf32, #tpu.memory_space<vmem>>, %arg10: memref<782x128xf32, #tpu.memory_space<vmem>>, %arg11: memref<782x128xf32, #tpu.memory_space<vmem>>) attributes {dimension_semantics = [], scalar_prefetch = 0 : i64, scratch_operands = 0 : i64, tpu.core_type = #tpu.core_type<tc>} {
    %get3A = arith.constant 0 : index
    %get3A_0 = arith.constant 0 : index
    %get3A_1 = vector.load %arg0[%get3A, %get3A_0] : memref<782x128xf32, #tpu.memory_space<vmem>>, vector<782x128xf32>
    %get3A_2 = arith.constant 0 : index
    %get3A_3 = arith.constant 0 : index
    %get3A_4 = vector.load %arg1[%get3A_2, %get3A_3] : memref<782x128xf32, #tpu.memory_space<vmem>>, vector<782x128xf32>
    %add3A = arith.addf %get3A_1, %get3A_4 : vector<782x128xf32>
    %add3A_5 = arith.constant 1.000000e+00 : f32
    %add3A_6 = vector.broadcast %add3A_5 : f32 to vector<782x128xf32>
    %add3A_7 = arith.addf %add3A, %add3A_6 : vector<782x128xf32>
    %rsqrt3A = math.rsqrt %add3A_7 : vector<782x128xf32>
    %swap3A = arith.constant 0 : index
    %swap3A_8 = arith.constant 0 : index
    %swap3A_9 = vector.load %arg6[%swap3A, %swap3A_8] : memref<782x128xf32, #tpu.memory_space<vmem>>, vector<782x128xf32>
    tpu.vector_store %arg6[%swap3A, %swap3A_8], %add3A {strides = array<i32>} : memref<782x128xf32, #tpu.memory_space<vmem>>, vector<782x128xf32>,
    %swap3A_10 = arith.constant 0 : index
    %swap3A_11 = arith.constant 0 : index
    %swap3A_12 = vector.load %arg7[%swap3A_10, %swap3A_11] : memref<782x128xf32, #tpu.memory_space<vmem>>, vector<782x128xf32>
    tpu.vector_store %arg7[%swap3A_10, %swap3A_11], %rsqrt3A {strides = array<i32>} : memref<782x128xf32, #tpu.memory_space<vmem>>, vector<782x128xf32>,
    %get3A_13 = arith.constant 0 : index
    %get3A_14 = arith.constant 0 : index
    %get3A_15 = vector.load %arg2[%get3A_13, %get3A_14] : memref<782x128xf32, #tpu.memory_space<vmem>>, vector<782x128xf32>
    %mul3A = arith.mulf %rsqrt3A, %get3A_15 : vector<782x128xf32>
    %swap3A_16 = arith.constant 0 : index
    %swap3A_17 = arith.constant 0 : index
    %swap3A_18 = vector.load %arg8[%swap3A_16, %swap3A_17] : memref<782x128xf32, #tpu.memory_space<vmem>>, vector<782x128xf32>
    tpu.vector_store %arg8[%swap3A_16, %swap3A_17], %mul3A {strides = array<i32>} : memref<782x128xf32, #tpu.memory_space<vmem>>, vector<782x128xf32>,
    %get3A_19 = arith.constant 0 : index
    %get3A_20 = arith.constant 0 : index
    %get3A_21 = vector.load %arg3[%get3A_19, %get3A_20] : memref<782x128xf32, #tpu.memory_space<vmem>>, vector<782x128xf32>
    %mul3A_22 = arith.mulf %rsqrt3A, %get3A_21 : vector<782x128xf32>
    %swap3A_23 = arith.constant 0 : index
    %swap3A_24 = arith.constant 0 : index
    %swap3A_25 = vector.load %arg9[%swap3A_23, %swap3A_24] : memref<782x128xf32, #tpu.memory_space<vmem>>, vector<782x128xf32>
    tpu.vector_store %arg9[%swap3A_23, %swap3A_24], %mul3A_22 {strides = array<i32>} : memref<782x128xf32, #tpu.memory_space<vmem>>, vector<782x128xf32>,
    %get3A_26 = arith.constant 0 : index
    %get3A_27 = arith.constant 0 : index
    %get3A_28 = vector.load %arg4[%get3A_26, %get3A_27] : memref<782x128xf32, #tpu.memory_space<vmem>>, vector<782x128xf32>
    %mul3A_29 = arith.mulf %rsqrt3A, %get3A_28 : vector<782x128xf32>
    %swap3A_30 = arith.constant 0 : index
    %swap3A_31 = arith.constant 0 : index
    %swap3A_32 = vector.load %arg10[%swap3A_30, %swap3A_31] : memref<782x128xf32, #tpu.memory_space<vmem>>, vector<782x128xf32>
    tpu.vector_store %arg10[%swap3A_30, %swap3A_31], %mul3A_29 {strides = array<i32>} : memref<782x128xf32, #tpu.memory_space<vmem>>, vector<782x128xf32>,
    %get3A_33 = arith.constant 0 : index
    %get3A_34 = arith.constant 0 : index
    %get3A_35 = vector.load %arg5[%get3A_33, %get3A_34] : memref<782x128xf32, #tpu.memory_space<vmem>>, vector<782x128xf32>
    %mul3A_36 = arith.mulf %rsqrt3A, %get3A_35 : vector<782x128xf32>
    %swap3A_37 = arith.constant 0 : index
    %swap3A_38 = arith.constant 0 : index
    %swap3A_39 = vector.load %arg11[%swap3A_37, %swap3A_38] : memref<782x128xf32, #tpu.memory_space<vmem>>, vector<782x128xf32>
    tpu.vector_store %arg11[%swap3A_37, %swap3A_38], %mul3A_36 {strides = array<i32>} : memref<782x128xf32, #tpu.memory_space<vmem>>, vector<782x128xf32>,
    return
  }
}

module attributes {stable_mosaic.version = 14 : i64} {
  func.func @_k_mid(%arg0: memref<782x128xf32, #tpu.memory_space<vmem>>, %arg1: memref<782x128xf32, #tpu.memory_space<vmem>>, %arg2: memref<782x128xf32, #tpu.memory_space<vmem>>, %arg3: memref<782x128xf32, #tpu.memory_space<vmem>>, %arg4: memref<782x128xf32, #tpu.memory_space<vmem>>, %arg5: memref<782x128xf32, #tpu.memory_space<vmem>>, %arg6: memref<782x128xf32, #tpu.memory_space<vmem>>, %arg7: memref<782x128xf32, #tpu.memory_space<vmem>>, %arg8: memref<782x128xf32, #tpu.memory_space<vmem>>, %arg9: memref<782x128xf32, #tpu.memory_space<vmem>>, %arg10: memref<782x128xf32, #tpu.memory_space<vmem>>, %arg11: memref<782x128xf32, #tpu.memory_space<vmem>>, %arg12: memref<782x128xf32, #tpu.memory_space<vmem>>, %arg13: memref<782x128xf32, #tpu.memory_space<vmem>>, %arg14: memref<4x8xf32, #tpu.memory_space<smem>>, %arg15: memref<1x8xf32, #tpu.memory_space<smem>>, %arg16: memref<8x1xf32, #tpu.memory_space<smem>>, %arg17: memref<782x128xf32, #tpu.memory_space<vmem>>, %arg18: memref<782x128xf32, #tpu.memory_space<vmem>>) attributes {dimension_semantics = [], scalar_prefetch = 0 : i64, scratch_operands = 0 : i64, tpu.core_type = #tpu.core_type<tc>} {
    %get3A = arith.constant 0 : index
    %get3A_0 = arith.constant 0 : index
    %get3A_1 = vector.load %arg12[%get3A, %get3A_0] : memref<782x128xf32, #tpu.memory_space<vmem>>, vector<782x128xf32>
    %get3A_2 = arith.constant 0 : index
    %get3A_3 = arith.constant 0 : index
    %get3A_4 = vector.load %arg13[%get3A_2, %get3A_3] : memref<782x128xf32, #tpu.memory_space<vmem>>, vector<782x128xf32>
    %add3A = arith.constant 1.000000e+00 : f32
    %add3A_5 = vector.broadcast %add3A : f32 to vector<782x128xf32>
    %add3A_6 = arith.addf %get3A_1, %add3A_5 : vector<782x128xf32>
    %get3A_7 = arith.constant 0 : index
    %get3A_8 = arith.constant 0 : index
    %get3A_9 = vector.load %arg8[%get3A_7, %get3A_8] : memref<782x128xf32, #tpu.memory_space<vmem>>, vector<782x128xf32>
    %get3A_10 = arith.constant 0 : index
    %get3A_11 = arith.constant 0 : index
    %get3A_12 = vector.load %arg9[%get3A_10, %get3A_11] : memref<782x128xf32, #tpu.memory_space<vmem>>, vector<782x128xf32>
    %get3A_13 = arith.constant 0 : index
    %get3A_14 = arith.constant 0 : index
    %get3A_15 = vector.load %arg10[%get3A_13, %get3A_14] : memref<782x128xf32, #tpu.memory_space<vmem>>, vector<782x128xf32>
    %get3A_16 = arith.constant 0 : index
    %get3A_17 = arith.constant 0 : index
    %get3A_18 = vector.load %arg11[%get3A_16, %get3A_17] : memref<782x128xf32, #tpu.memory_space<vmem>>, vector<782x128xf32>
    %get3A_19 = arith.constant 0 : index
    %get3A_20 = arith.constant 0 : index
    %get3A_21 = vector.load %arg0[%get3A_19, %get3A_20] : memref<782x128xf32, #tpu.memory_space<vmem>>, vector<782x128xf32>
    %get3A_22 = arith.constant 0 : index
    %get3A_23 = arith.constant 0 : index
    %get3A_24 = vector.load %arg4[%get3A_22, %get3A_23] : memref<782x128xf32, #tpu.memory_space<vmem>>, vector<782x128xf32>
    %add3A_25 = arith.addf %get3A_21, %get3A_24 : vector<782x128xf32>
    %get3A_26 = arith.constant 0 : index
    %get3A_27 = arith.constant 0 : index
    %get3A_28 = vector.load %arg1[%get3A_26, %get3A_27] : memref<782x128xf32, #tpu.memory_space<vmem>>, vector<782x128xf32>
    %get3A_29 = arith.constant 0 : index
    %get3A_30 = arith.constant 0 : index
    %get3A_31 = vector.load %arg5[%get3A_29, %get3A_30] : memref<782x128xf32, #tpu.memory_space<vmem>>, vector<782x128xf32>
    %add3A_32 = arith.addf %get3A_28, %get3A_31 : vector<782x128xf32>
    %get3A_33 = arith.constant 0 : index
    %get3A_34 = arith.constant 0 : index
    %get3A_35 = vector.load %arg2[%get3A_33, %get3A_34] : memref<782x128xf32, #tpu.memory_space<vmem>>, vector<782x128xf32>
    %get3A_36 = arith.constant 0 : index
    %get3A_37 = arith.constant 0 : index
    %get3A_38 = vector.load %arg6[%get3A_36, %get3A_37] : memref<782x128xf32, #tpu.memory_space<vmem>>, vector<782x128xf32>
    %add3A_39 = arith.addf %get3A_35, %get3A_38 : vector<782x128xf32>
    %get3A_40 = arith.constant 0 : index
    %get3A_41 = arith.constant 0 : index
    %get3A_42 = vector.load %arg3[%get3A_40, %get3A_41] : memref<782x128xf32, #tpu.memory_space<vmem>>, vector<782x128xf32>
    %get3A_43 = arith.constant 0 : index
    %get3A_44 = arith.constant 0 : index
    %get3A_45 = vector.load %arg7[%get3A_43, %get3A_44] : memref<782x128xf32, #tpu.memory_space<vmem>>, vector<782x128xf32>
    %add3A_46 = arith.addf %get3A_42, %get3A_45 : vector<782x128xf32>
    %mul3A = arith.mulf %get3A_4, %add3A_25 : vector<782x128xf32>
    %mul3A_47 = arith.mulf %get3A_4, %get3A_4 : vector<782x128xf32>
    %mul3A_48 = arith.mulf %mul3A_47, %get3A_9 : vector<782x128xf32>
    %add3A_49 = arith.addf %mul3A, %mul3A_48 : vector<782x128xf32>
    %mul3A_50 = arith.mulf %get3A_4, %add3A_32 : vector<782x128xf32>
    %mul3A_51 = arith.mulf %get3A_4, %get3A_4 : vector<782x128xf32>
    %mul3A_52 = arith.mulf %mul3A_51, %get3A_12 : vector<782x128xf32>
    %add3A_53 = arith.addf %mul3A_50, %mul3A_52 : vector<782x128xf32>
    %mul3A_54 = arith.mulf %get3A_4, %add3A_39 : vector<782x128xf32>
    %mul3A_55 = arith.mulf %get3A_4, %get3A_4 : vector<782x128xf32>
    %mul3A_56 = arith.mulf %mul3A_55, %get3A_15 : vector<782x128xf32>
    %add3A_57 = arith.addf %mul3A_54, %mul3A_56 : vector<782x128xf32>
    %mul3A_58 = arith.mulf %get3A_4, %add3A_46 : vector<782x128xf32>
    %mul3A_59 = arith.mulf %get3A_4, %get3A_4 : vector<782x128xf32>
    %mul3A_60 = arith.mulf %mul3A_59, %get3A_18 : vector<782x128xf32>
    %add3A_61 = arith.addf %mul3A_58, %mul3A_60 : vector<782x128xf32>
    %broadcast_in_dim3A = arith.constant 0.000000e+00 : f32
    %broadcast_in_dim3A_62 = vector.broadcast %broadcast_in_dim3A : f32 to vector<782x128xf32>
    %get3A_63 = arith.constant 0 : index
    %get3A_64 = arith.constant 0 : index
    %get3A_65 = memref.load %arg14[%get3A_63, %get3A_64] : memref<4x8xf32, #tpu.memory_space<smem>>
    %mul3A_66 = vector.broadcast %get3A_65 : f32 to vector<782x128xf32>
    %mul3A_67 = arith.mulf %add3A_49, %mul3A_66 : vector<782x128xf32>
    %get3A_68 = arith.constant 1 : index
    %get3A_69 = arith.constant 0 : index
    %get3A_70 = memref.load %arg14[%get3A_68, %get3A_69] : memref<4x8xf32, #tpu.memory_space<smem>>
    %mul3A_71 = vector.broadcast %get3A_70 : f32 to vector<782x128xf32>
    %mul3A_72 = arith.mulf %add3A_53, %mul3A_71 : vector<782x128xf32>
    %add3A_73 = arith.addf %mul3A_67, %mul3A_72 : vector<782x128xf32>
    %get3A_74 = arith.constant 2 : index
    %get3A_75 = arith.constant 0 : index
    %get3A_76 = memref.load %arg14[%get3A_74, %get3A_75] : memref<4x8xf32, #tpu.memory_space<smem>>
    %mul3A_77 = vector.broadcast %get3A_76 : f32 to vector<782x128xf32>
    %mul3A_78 = arith.mulf %add3A_57, %mul3A_77 : vector<782x128xf32>
    %add3A_79 = arith.addf %add3A_73, %mul3A_78 : vector<782x128xf32>
    %get3A_80 = arith.constant 3 : index
    %get3A_81 = arith.constant 0 : index
    %get3A_82 = memref.load %arg14[%get3A_80, %get3A_81] : memref<4x8xf32, #tpu.memory_space<smem>>
    %mul3A_83 = vector.broadcast %get3A_82 : f32 to vector<782x128xf32>
    %mul3A_84 = arith.mulf %add3A_61, %mul3A_83 : vector<782x128xf32>
    %add3A_85 = arith.addf %add3A_79, %mul3A_84 : vector<782x128xf32>
    %div3A = arith.divf %add3A_85, %add3A_6 : vector<782x128xf32>
    %get3A_86 = arith.constant 0 : index
    %get3A_87 = arith.constant 0 : index
    %get3A_88 = memref.load %arg15[%get3A_86, %get3A_87] : memref<1x8xf32, #tpu.memory_space<smem>>
    %add3A_89 = vector.broadcast %get3A_88 : f32 to vector<782x128xf32>
    %add3A_90 = arith.addf %div3A, %add3A_89 : vector<782x128xf32>
    %gt3A = arith.constant 0.000000e+00 : f32
    %gt3A_91 = vector.broadcast %gt3A : f32 to vector<782x128xf32>
    %gt3A_92 = arith.cmpf ogt, %add3A_90, %gt3A_91 : vector<782x128xf32>
    %mul3A_93 = arith.constant 0.00999999977 : f32
    %mul3A_94 = vector.broadcast %mul3A_93 : f32 to vector<782x128xf32>
    %mul3A_95 = arith.mulf %mul3A_94, %add3A_90 : vector<782x128xf32>
    %select_n3A = arith.select %gt3A_92, %add3A_90, %mul3A_95 : vector<782x128xi1>, vector<782x128xf32>
    %get3A_96 = arith.constant 0 : index
    %get3A_97 = arith.constant 0 : index
    %get3A_98 = memref.load %arg16[%get3A_96, %get3A_97] : memref<8x1xf32, #tpu.memory_space<smem>>
    %mul3A_99 = vector.broadcast %get3A_98 : f32 to vector<782x128xf32>
    %mul3A_100 = arith.mulf %select_n3A, %mul3A_99 : vector<782x128xf32>
    %add3A_101 = arith.addf %broadcast_in_dim3A_62, %mul3A_100 : vector<782x128xf32>
    %get3A_102 = arith.constant 0 : index
    %get3A_103 = arith.constant 1 : index
    %get3A_104 = memref.load %arg14[%get3A_102, %get3A_103] : memref<4x8xf32, #tpu.memory_space<smem>>
    %mul3A_105 = vector.broadcast %get3A_104 : f32 to vector<782x128xf32>
    %mul3A_106 = arith.mulf %add3A_49, %mul3A_105 : vector<782x128xf32>
    %get3A_107 = arith.constant 1 : index
    %get3A_108 = arith.constant 1 : index
    %get3A_109 = memref.load %arg14[%get3A_107, %get3A_108] : memref<4x8xf32, #tpu.memory_space<smem>>
    %mul3A_110 = vector.broadcast %get3A_109 : f32 to vector<782x128xf32>
    %mul3A_111 = arith.mulf %add3A_53, %mul3A_110 : vector<782x128xf32>
    %add3A_112 = arith.addf %mul3A_106, %mul3A_111 : vector<782x128xf32>
    %get3A_113 = arith.constant 2 : index
    %get3A_114 = arith.constant 1 : index
    %get3A_115 = memref.load %arg14[%get3A_113, %get3A_114] : memref<4x8xf32, #tpu.memory_space<smem>>
    %mul3A_116 = vector.broadcast %get3A_115 : f32 to vector<782x128xf32>
    %mul3A_117 = arith.mulf %add3A_57, %mul3A_116 : vector<782x128xf32>
    %add3A_118 = arith.addf %add3A_112, %mul3A_117 : vector<782x128xf32>
    %get3A_119 = arith.constant 3 : index
    %get3A_120 = arith.constant 1 : index
    %get3A_121 = memref.load %arg14[%get3A_119, %get3A_120] : memref<4x8xf32, #tpu.memory_space<smem>>
    %mul3A_122 = vector.broadcast %get3A_121 : f32 to vector<782x128xf32>
    %mul3A_123 = arith.mulf %add3A_61, %mul3A_122 : vector<782x128xf32>
    %add3A_124 = arith.addf %add3A_118, %mul3A_123 : vector<782x128xf32>
    %div3A_125 = arith.divf %add3A_124, %add3A_6 : vector<782x128xf32>
    %get3A_126 = arith.constant 0 : index
    %get3A_127 = arith.constant 1 : index
    %get3A_128 = memref.load %arg15[%get3A_126, %get3A_127] : memref<1x8xf32, #tpu.memory_space<smem>>
    %add3A_129 = vector.broadcast %get3A_128 : f32 to vector<782x128xf32>
    %add3A_130 = arith.addf %div3A_125, %add3A_129 : vector<782x128xf32>
    %gt3A_131 = arith.constant 0.000000e+00 : f32
    %gt3A_132 = vector.broadcast %gt3A_131 : f32 to vector<782x128xf32>
    %gt3A_133 = arith.cmpf ogt, %add3A_130, %gt3A_132 : vector<782x128xf32>
    %mul3A_134 = arith.constant 0.00999999977 : f32
    %mul3A_135 = vector.broadcast %mul3A_134 : f32 to vector<782x128xf32>
    %mul3A_136 = arith.mulf %mul3A_135, %add3A_130 : vector<782x128xf32>
    %select_n3A_137 = arith.select %gt3A_133, %add3A_130, %mul3A_136 : vector<782x128xi1>, vector<782x128xf32>
    %get3A_138 = arith.constant 1 : index
    %get3A_139 = arith.constant 0 : index
    %get3A_140 = memref.load %arg16[%get3A_138, %get3A_139] : memref<8x1xf32, #tpu.memory_space<smem>>
    %mul3A_141 = vector.broadcast %get3A_140 : f32 to vector<782x128xf32>
    %mul3A_142 = arith.mulf %select_n3A_137, %mul3A_141 : vector<782x128xf32>
    %add3A_143 = arith.addf %add3A_101, %mul3A_142 : vector<782x128xf32>
    %get3A_144 = arith.constant 0 : index
    %get3A_145 = arith.constant 2 : index
    %get3A_146 = memref.load %arg14[%get3A_144, %get3A_145] : memref<4x8xf32, #tpu.memory_space<smem>>
    %mul3A_147 = vector.broadcast %get3A_146 : f32 to vector<782x128xf32>
    %mul3A_148 = arith.mulf %add3A_49, %mul3A_147 : vector<782x128xf32>
    %get3A_149 = arith.constant 1 : index
    %get3A_150 = arith.constant 2 : index
    %get3A_151 = memref.load %arg14[%get3A_149, %get3A_150] : memref<4x8xf32, #tpu.memory_space<smem>>
    %mul3A_152 = vector.broadcast %get3A_151 : f32 to vector<782x128xf32>
    %mul3A_153 = arith.mulf %add3A_53, %mul3A_152 : vector<782x128xf32>
    %add3A_154 = arith.addf %mul3A_148, %mul3A_153 : vector<782x128xf32>
    %get3A_155 = arith.constant 2 : index
    %get3A_156 = arith.constant 2 : index
    %get3A_157 = memref.load %arg14[%get3A_155, %get3A_156] : memref<4x8xf32, #tpu.memory_space<smem>>
    %mul3A_158 = vector.broadcast %get3A_157 : f32 to vector<782x128xf32>
    %mul3A_159 = arith.mulf %add3A_57, %mul3A_158 : vector<782x128xf32>
    %add3A_160 = arith.addf %add3A_154, %mul3A_159 : vector<782x128xf32>
    %get3A_161 = arith.constant 3 : index
    %get3A_162 = arith.constant 2 : index
    %get3A_163 = memref.load %arg14[%get3A_161, %get3A_162] : memref<4x8xf32, #tpu.memory_space<smem>>
    %mul3A_164 = vector.broadcast %get3A_163 : f32 to vector<782x128xf32>
    %mul3A_165 = arith.mulf %add3A_61, %mul3A_164 : vector<782x128xf32>
    %add3A_166 = arith.addf %add3A_160, %mul3A_165 : vector<782x128xf32>
    %div3A_167 = arith.divf %add3A_166, %add3A_6 : vector<782x128xf32>
    %get3A_168 = arith.constant 0 : index
    %get3A_169 = arith.constant 2 : index
    %get3A_170 = memref.load %arg15[%get3A_168, %get3A_169] : memref<1x8xf32, #tpu.memory_space<smem>>
    %add3A_171 = vector.broadcast %get3A_170 : f32 to vector<782x128xf32>
    %add3A_172 = arith.addf %div3A_167, %add3A_171 : vector<782x128xf32>
    %gt3A_173 = arith.constant 0.000000e+00 : f32
    %gt3A_174 = vector.broadcast %gt3A_173 : f32 to vector<782x128xf32>
    %gt3A_175 = arith.cmpf ogt, %add3A_172, %gt3A_174 : vector<782x128xf32>
    %mul3A_176 = arith.constant 0.00999999977 : f32
    %mul3A_177 = vector.broadcast %mul3A_176 : f32 to vector<782x128xf32>
    %mul3A_178 = arith.mulf %mul3A_177, %add3A_172 : vector<782x128xf32>
    %select_n3A_179 = arith.select %gt3A_175, %add3A_172, %mul3A_178 : vector<782x128xi1>, vector<782x128xf32>
    %get3A_180 = arith.constant 2 : index
    %get3A_181 = arith.constant 0 : index
    %get3A_182 = memref.load %arg16[%get3A_180, %get3A_181] : memref<8x1xf32, #tpu.memory_space<smem>>
    %mul3A_183 = vector.broadcast %get3A_182 : f32 to vector<782x128xf32>
    %mul3A_184 = arith.mulf %select_n3A_179, %mul3A_183 : vector<782x128xf32>
    %add3A_185 = arith.addf %add3A_143, %mul3A_184 : vector<782x128xf32>
    %get3A_186 = arith.constant 0 : index
    %get3A_187 = arith.constant 3 : index
    %get3A_188 = memref.load %arg14[%get3A_186, %get3A_187] : memref<4x8xf32, #tpu.memory_space<smem>>
    %mul3A_189 = vector.broadcast %get3A_188 : f32 to vector<782x128xf32>
    %mul3A_190 = arith.mulf %add3A_49, %mul3A_189 : vector<782x128xf32>
    %get3A_191 = arith.constant 1 : index
    %get3A_192 = arith.constant 3 : index
    %get3A_193 = memref.load %arg14[%get3A_191, %get3A_192] : memref<4x8xf32, #tpu.memory_space<smem>>
    %mul3A_194 = vector.broadcast %get3A_193 : f32 to vector<782x128xf32>
    %mul3A_195 = arith.mulf %add3A_53, %mul3A_194 : vector<782x128xf32>
    %add3A_196 = arith.addf %mul3A_190, %mul3A_195 : vector<782x128xf32>
    %get3A_197 = arith.constant 2 : index
    %get3A_198 = arith.constant 3 : index
    %get3A_199 = memref.load %arg14[%get3A_197, %get3A_198] : memref<4x8xf32, #tpu.memory_space<smem>>
    %mul3A_200 = vector.broadcast %get3A_199 : f32 to vector<782x128xf32>
    %mul3A_201 = arith.mulf %add3A_57, %mul3A_200 : vector<782x128xf32>
    %add3A_202 = arith.addf %add3A_196, %mul3A_201 : vector<782x128xf32>
    %get3A_203 = arith.constant 3 : index
    %get3A_204 = arith.constant 3 : index
    %get3A_205 = memref.load %arg14[%get3A_203, %get3A_204] : memref<4x8xf32, #tpu.memory_space<smem>>
    %mul3A_206 = vector.broadcast %get3A_205 : f32 to vector<782x128xf32>
    %mul3A_207 = arith.mulf %add3A_61, %mul3A_206 : vector<782x128xf32>
    %add3A_208 = arith.addf %add3A_202, %mul3A_207 : vector<782x128xf32>
    %div3A_209 = arith.divf %add3A_208, %add3A_6 : vector<782x128xf32>
    %get3A_210 = arith.constant 0 : index
    %get3A_211 = arith.constant 3 : index
    %get3A_212 = memref.load %arg15[%get3A_210, %get3A_211] : memref<1x8xf32, #tpu.memory_space<smem>>
    %add3A_213 = vector.broadcast %get3A_212 : f32 to vector<782x128xf32>
    %add3A_214 = arith.addf %div3A_209, %add3A_213 : vector<782x128xf32>
    %gt3A_215 = arith.constant 0.000000e+00 : f32
    %gt3A_216 = vector.broadcast %gt3A_215 : f32 to vector<782x128xf32>
    %gt3A_217 = arith.cmpf ogt, %add3A_214, %gt3A_216 : vector<782x128xf32>
    %mul3A_218 = arith.constant 0.00999999977 : f32
    %mul3A_219 = vector.broadcast %mul3A_218 : f32 to vector<782x128xf32>
    %mul3A_220 = arith.mulf %mul3A_219, %add3A_214 : vector<782x128xf32>
    %select_n3A_221 = arith.select %gt3A_217, %add3A_214, %mul3A_220 : vector<782x128xi1>, vector<782x128xf32>
    %get3A_222 = arith.constant 3 : index
    %get3A_223 = arith.constant 0 : index
    %get3A_224 = memref.load %arg16[%get3A_222, %get3A_223] : memref<8x1xf32, #tpu.memory_space<smem>>
    %mul3A_225 = vector.broadcast %get3A_224 : f32 to vector<782x128xf32>
    %mul3A_226 = arith.mulf %select_n3A_221, %mul3A_225 : vector<782x128xf32>
    %add3A_227 = arith.addf %add3A_185, %mul3A_226 : vector<782x128xf32>
    %get3A_228 = arith.constant 0 : index
    %get3A_229 = arith.constant 4 : index
    %get3A_230 = memref.load %arg14[%get3A_228, %get3A_229] : memref<4x8xf32, #tpu.memory_space<smem>>
    %mul3A_231 = vector.broadcast %get3A_230 : f32 to vector<782x128xf32>
    %mul3A_232 = arith.mulf %add3A_49, %mul3A_231 : vector<782x128xf32>
    %get3A_233 = arith.constant 1 : index
    %get3A_234 = arith.constant 4 : index
    %get3A_235 = memref.load %arg14[%get3A_233, %get3A_234] : memref<4x8xf32, #tpu.memory_space<smem>>
    %mul3A_236 = vector.broadcast %get3A_235 : f32 to vector<782x128xf32>
    %mul3A_237 = arith.mulf %add3A_53, %mul3A_236 : vector<782x128xf32>
    %add3A_238 = arith.addf %mul3A_232, %mul3A_237 : vector<782x128xf32>
    %get3A_239 = arith.constant 2 : index
    %get3A_240 = arith.constant 4 : index
    %get3A_241 = memref.load %arg14[%get3A_239, %get3A_240] : memref<4x8xf32, #tpu.memory_space<smem>>
    %mul3A_242 = vector.broadcast %get3A_241 : f32 to vector<782x128xf32>
    %mul3A_243 = arith.mulf %add3A_57, %mul3A_242 : vector<782x128xf32>
    %add3A_244 = arith.addf %add3A_238, %mul3A_243 : vector<782x128xf32>
    %get3A_245 = arith.constant 3 : index
    %get3A_246 = arith.constant 4 : index
    %get3A_247 = memref.load %arg14[%get3A_245, %get3A_246] : memref<4x8xf32, #tpu.memory_space<smem>>
    %mul3A_248 = vector.broadcast %get3A_247 : f32 to vector<782x128xf32>
    %mul3A_249 = arith.mulf %add3A_61, %mul3A_248 : vector<782x128xf32>
    %add3A_250 = arith.addf %add3A_244, %mul3A_249 : vector<782x128xf32>
    %div3A_251 = arith.divf %add3A_250, %add3A_6 : vector<782x128xf32>
    %get3A_252 = arith.constant 0 : index
    %get3A_253 = arith.constant 4 : index
    %get3A_254 = memref.load %arg15[%get3A_252, %get3A_253] : memref<1x8xf32, #tpu.memory_space<smem>>
    %add3A_255 = vector.broadcast %get3A_254 : f32 to vector<782x128xf32>
    %add3A_256 = arith.addf %div3A_251, %add3A_255 : vector<782x128xf32>
    %gt3A_257 = arith.constant 0.000000e+00 : f32
    %gt3A_258 = vector.broadcast %gt3A_257 : f32 to vector<782x128xf32>
    %gt3A_259 = arith.cmpf ogt, %add3A_256, %gt3A_258 : vector<782x128xf32>
    %mul3A_260 = arith.constant 0.00999999977 : f32
    %mul3A_261 = vector.broadcast %mul3A_260 : f32 to vector<782x128xf32>
    %mul3A_262 = arith.mulf %mul3A_261, %add3A_256 : vector<782x128xf32>
    %select_n3A_263 = arith.select %gt3A_259, %add3A_256, %mul3A_262 : vector<782x128xi1>, vector<782x128xf32>
    %get3A_264 = arith.constant 4 : index
    %get3A_265 = arith.constant 0 : index
    %get3A_266 = memref.load %arg16[%get3A_264, %get3A_265] : memref<8x1xf32, #tpu.memory_space<smem>>
    %mul3A_267 = vector.broadcast %get3A_266 : f32 to vector<782x128xf32>
    %mul3A_268 = arith.mulf %select_n3A_263, %mul3A_267 : vector<782x128xf32>
    %add3A_269 = arith.addf %add3A_227, %mul3A_268 : vector<782x128xf32>
    %get3A_270 = arith.constant 0 : index
    %get3A_271 = arith.constant 5 : index
    %get3A_272 = memref.load %arg14[%get3A_270, %get3A_271] : memref<4x8xf32, #tpu.memory_space<smem>>
    %mul3A_273 = vector.broadcast %get3A_272 : f32 to vector<782x128xf32>
    %mul3A_274 = arith.mulf %add3A_49, %mul3A_273 : vector<782x128xf32>
    %get3A_275 = arith.constant 1 : index
    %get3A_276 = arith.constant 5 : index
    %get3A_277 = memref.load %arg14[%get3A_275, %get3A_276] : memref<4x8xf32, #tpu.memory_space<smem>>
    %mul3A_278 = vector.broadcast %get3A_277 : f32 to vector<782x128xf32>
    %mul3A_279 = arith.mulf %add3A_53, %mul3A_278 : vector<782x128xf32>
    %add3A_280 = arith.addf %mul3A_274, %mul3A_279 : vector<782x128xf32>
    %get3A_281 = arith.constant 2 : index
    %get3A_282 = arith.constant 5 : index
    %get3A_283 = memref.load %arg14[%get3A_281, %get3A_282] : memref<4x8xf32, #tpu.memory_space<smem>>
    %mul3A_284 = vector.broadcast %get3A_283 : f32 to vector<782x128xf32>
    %mul3A_285 = arith.mulf %add3A_57, %mul3A_284 : vector<782x128xf32>
    %add3A_286 = arith.addf %add3A_280, %mul3A_285 : vector<782x128xf32>
    %get3A_287 = arith.constant 3 : index
    %get3A_288 = arith.constant 5 : index
    %get3A_289 = memref.load %arg14[%get3A_287, %get3A_288] : memref<4x8xf32, #tpu.memory_space<smem>>
    %mul3A_290 = vector.broadcast %get3A_289 : f32 to vector<782x128xf32>
    %mul3A_291 = arith.mulf %add3A_61, %mul3A_290 : vector<782x128xf32>
    %add3A_292 = arith.addf %add3A_286, %mul3A_291 : vector<782x128xf32>
    %div3A_293 = arith.divf %add3A_292, %add3A_6 : vector<782x128xf32>
    %get3A_294 = arith.constant 0 : index
    %get3A_295 = arith.constant 5 : index
    %get3A_296 = memref.load %arg15[%get3A_294, %get3A_295] : memref<1x8xf32, #tpu.memory_space<smem>>
    %add3A_297 = vector.broadcast %get3A_296 : f32 to vector<782x128xf32>
    %add3A_298 = arith.addf %div3A_293, %add3A_297 : vector<782x128xf32>
    %gt3A_299 = arith.constant 0.000000e+00 : f32
    %gt3A_300 = vector.broadcast %gt3A_299 : f32 to vector<782x128xf32>
    %gt3A_301 = arith.cmpf ogt, %add3A_298, %gt3A_300 : vector<782x128xf32>
    %mul3A_302 = arith.constant 0.00999999977 : f32
    %mul3A_303 = vector.broadcast %mul3A_302 : f32 to vector<782x128xf32>
    %mul3A_304 = arith.mulf %mul3A_303, %add3A_298 : vector<782x128xf32>
    %select_n3A_305 = arith.select %gt3A_301, %add3A_298, %mul3A_304 : vector<782x128xi1>, vector<782x128xf32>
    %get3A_306 = arith.constant 5 : index
    %get3A_307 = arith.constant 0 : index
    %get3A_308 = memref.load %arg16[%get3A_306, %get3A_307] : memref<8x1xf32, #tpu.memory_space<smem>>
    %mul3A_309 = vector.broadcast %get3A_308 : f32 to vector<782x128xf32>
    %mul3A_310 = arith.mulf %select_n3A_305, %mul3A_309 : vector<782x128xf32>
    %add3A_311 = arith.addf %add3A_269, %mul3A_310 : vector<782x128xf32>
    %get3A_312 = arith.constant 0 : index
    %get3A_313 = arith.constant 6 : index
    %get3A_314 = memref.load %arg14[%get3A_312, %get3A_313] : memref<4x8xf32, #tpu.memory_space<smem>>
    %mul3A_315 = vector.broadcast %get3A_314 : f32 to vector<782x128xf32>
    %mul3A_316 = arith.mulf %add3A_49, %mul3A_315 : vector<782x128xf32>
    %get3A_317 = arith.constant 1 : index
    %get3A_318 = arith.constant 6 : index
    %get3A_319 = memref.load %arg14[%get3A_317, %get3A_318] : memref<4x8xf32, #tpu.memory_space<smem>>
    %mul3A_320 = vector.broadcast %get3A_319 : f32 to vector<782x128xf32>
    %mul3A_321 = arith.mulf %add3A_53, %mul3A_320 : vector<782x128xf32>
    %add3A_322 = arith.addf %mul3A_316, %mul3A_321 : vector<782x128xf32>
    %get3A_323 = arith.constant 2 : index
    %get3A_324 = arith.constant 6 : index
    %get3A_325 = memref.load %arg14[%get3A_323, %get3A_324] : memref<4x8xf32, #tpu.memory_space<smem>>
    %mul3A_326 = vector.broadcast %get3A_325 : f32 to vector<782x128xf32>
    %mul3A_327 = arith.mulf %add3A_57, %mul3A_326 : vector<782x128xf32>
    %add3A_328 = arith.addf %add3A_322, %mul3A_327 : vector<782x128xf32>
    %get3A_329 = arith.constant 3 : index
    %get3A_330 = arith.constant 6 : index
    %get3A_331 = memref.load %arg14[%get3A_329, %get3A_330] : memref<4x8xf32, #tpu.memory_space<smem>>
    %mul3A_332 = vector.broadcast %get3A_331 : f32 to vector<782x128xf32>
    %mul3A_333 = arith.mulf %add3A_61, %mul3A_332 : vector<782x128xf32>
    %add3A_334 = arith.addf %add3A_328, %mul3A_333 : vector<782x128xf32>
    %div3A_335 = arith.divf %add3A_334, %add3A_6 : vector<782x128xf32>
    %get3A_336 = arith.constant 0 : index
    %get3A_337 = arith.constant 6 : index
    %get3A_338 = memref.load %arg15[%get3A_336, %get3A_337] : memref<1x8xf32, #tpu.memory_space<smem>>
    %add3A_339 = vector.broadcast %get3A_338 : f32 to vector<782x128xf32>
    %add3A_340 = arith.addf %div3A_335, %add3A_339 : vector<782x128xf32>
    %gt3A_341 = arith.constant 0.000000e+00 : f32
    %gt3A_342 = vector.broadcast %gt3A_341 : f32 to vector<782x128xf32>
    %gt3A_343 = arith.cmpf ogt, %add3A_340, %gt3A_342 : vector<782x128xf32>
    %mul3A_344 = arith.constant 0.00999999977 : f32
    %mul3A_345 = vector.broadcast %mul3A_344 : f32 to vector<782x128xf32>
    %mul3A_346 = arith.mulf %mul3A_345, %add3A_340 : vector<782x128xf32>
    %select_n3A_347 = arith.select %gt3A_343, %add3A_340, %mul3A_346 : vector<782x128xi1>, vector<782x128xf32>
    %get3A_348 = arith.constant 6 : index
    %get3A_349 = arith.constant 0 : index
    %get3A_350 = memref.load %arg16[%get3A_348, %get3A_349] : memref<8x1xf32, #tpu.memory_space<smem>>
    %mul3A_351 = vector.broadcast %get3A_350 : f32 to vector<782x128xf32>
    %mul3A_352 = arith.mulf %select_n3A_347, %mul3A_351 : vector<782x128xf32>
    %add3A_353 = arith.addf %add3A_311, %mul3A_352 : vector<782x128xf32>
    %get3A_354 = arith.constant 0 : index
    %get3A_355 = arith.constant 7 : index
    %get3A_356 = memref.load %arg14[%get3A_354, %get3A_355] : memref<4x8xf32, #tpu.memory_space<smem>>
    %mul3A_357 = vector.broadcast %get3A_356 : f32 to vector<782x128xf32>
    %mul3A_358 = arith.mulf %add3A_49, %mul3A_357 : vector<782x128xf32>
    %get3A_359 = arith.constant 1 : index
    %get3A_360 = arith.constant 7 : index
    %get3A_361 = memref.load %arg14[%get3A_359, %get3A_360] : memref<4x8xf32, #tpu.memory_space<smem>>
    %mul3A_362 = vector.broadcast %get3A_361 : f32 to vector<782x128xf32>
    %mul3A_363 = arith.mulf %add3A_53, %mul3A_362 : vector<782x128xf32>
    %add3A_364 = arith.addf %mul3A_358, %mul3A_363 : vector<782x128xf32>
    %get3A_365 = arith.constant 2 : index
    %get3A_366 = arith.constant 7 : index
    %get3A_367 = memref.load %arg14[%get3A_365, %get3A_366] : memref<4x8xf32, #tpu.memory_space<smem>>
    %mul3A_368 = vector.broadcast %get3A_367 : f32 to vector<782x128xf32>
    %mul3A_369 = arith.mulf %add3A_57, %mul3A_368 : vector<782x128xf32>
    %add3A_370 = arith.addf %add3A_364, %mul3A_369 : vector<782x128xf32>
    %get3A_371 = arith.constant 3 : index
    %get3A_372 = arith.constant 7 : index
    %get3A_373 = memref.load %arg14[%get3A_371, %get3A_372] : memref<4x8xf32, #tpu.memory_space<smem>>
    %mul3A_374 = vector.broadcast %get3A_373 : f32 to vector<782x128xf32>
    %mul3A_375 = arith.mulf %add3A_61, %mul3A_374 : vector<782x128xf32>
    %add3A_376 = arith.addf %add3A_370, %mul3A_375 : vector<782x128xf32>
    %div3A_377 = arith.divf %add3A_376, %add3A_6 : vector<782x128xf32>
    %get3A_378 = arith.constant 0 : index
    %get3A_379 = arith.constant 7 : index
    %get3A_380 = memref.load %arg15[%get3A_378, %get3A_379] : memref<1x8xf32, #tpu.memory_space<smem>>
    %add3A_381 = vector.broadcast %get3A_380 : f32 to vector<782x128xf32>
    %add3A_382 = arith.addf %div3A_377, %add3A_381 : vector<782x128xf32>
    %gt3A_383 = arith.constant 0.000000e+00 : f32
    %gt3A_384 = vector.broadcast %gt3A_383 : f32 to vector<782x128xf32>
    %gt3A_385 = arith.cmpf ogt, %add3A_382, %gt3A_384 : vector<782x128xf32>
    %mul3A_386 = arith.constant 0.00999999977 : f32
    %mul3A_387 = vector.broadcast %mul3A_386 : f32 to vector<782x128xf32>
    %mul3A_388 = arith.mulf %mul3A_387, %add3A_382 : vector<782x128xf32>
    %select_n3A_389 = arith.select %gt3A_385, %add3A_382, %mul3A_388 : vector<782x128xi1>, vector<782x128xf32>
    %get3A_390 = arith.constant 7 : index
    %get3A_391 = arith.constant 0 : index
    %get3A_392 = memref.load %arg16[%get3A_390, %get3A_391] : memref<8x1xf32, #tpu.memory_space<smem>>
    %mul3A_393 = vector.broadcast %get3A_392 : f32 to vector<782x128xf32>
    %mul3A_394 = arith.mulf %select_n3A_389, %mul3A_393 : vector<782x128xf32>
    %add3A_395 = arith.addf %add3A_353, %mul3A_394 : vector<782x128xf32>
    %add3A_396 = arith.constant 2.000000e+00 : f32
    %add3A_397 = vector.broadcast %add3A_396 : f32 to vector<782x128xf32>
    %add3A_398 = arith.addf %get3A_1, %add3A_397 : vector<782x128xf32>
    %rsqrt3A = math.rsqrt %add3A_398 : vector<782x128xf32>
    %mul3A_399 = arith.mulf %rsqrt3A, %add3A_395 : vector<782x128xf32>
    %swap3A = arith.constant 0 : index
    %swap3A_400 = arith.constant 0 : index
    %swap3A_401 = vector.load %arg17[%swap3A, %swap3A_400] : memref<782x128xf32, #tpu.memory_space<vmem>>, vector<782x128xf32>
    tpu.vector_store %arg17[%swap3A, %swap3A_400], %mul3A_399 {strides = array<i32>} : memref<782x128xf32, #tpu.memory_space<vmem>>, vector<782x128xf32>,
    %swap3A_402 = arith.constant 0 : index
    %swap3A_403 = arith.constant 0 : index
    %swap3A_404 = vector.load %arg18[%swap3A_402, %swap3A_403] : memref<782x128xf32, #tpu.memory_space<vmem>>, vector<782x128xf32>
    tpu.vector_store %arg18[%swap3A_402, %swap3A_403], %rsqrt3A {strides = array<i32>} : memref<782x128xf32, #tpu.memory_space<vmem>>, vector<782x128xf32>,
    return
  }
}

module attributes {stable_mosaic.version = 14 : i64} {
  func.func @_k_fin(%arg0: memref<32x10x10000xf32, #tpu.memory_space<vmem>>, %arg1: memref<10x10000xf32, #tpu.memory_space<vmem>>, %arg2: memref<10x10000xf32, #tpu.memory_space<vmem>>, %arg3: memref<1x1xf32, #tpu.memory_space<smem>>, %arg4: memref<10x10000xf32, #tpu.memory_space<vmem>>) attributes {dimension_semantics = [], scalar_prefetch = 0 : i64, scratch_operands = 0 : i64, tpu.core_type = #tpu.core_type<tc>} {
    %get3A = arith.constant 0 : index
    %get3A_0 = arith.constant 0 : index
    %get3A_1 = vector.load %arg2[%get3A, %get3A_0] : memref<10x10000xf32, #tpu.memory_space<vmem>>, vector<10x10000xf32>
    %get3A_2 = arith.constant 0 : index
    %get3A_3 = arith.constant 0 : index
    %get3A_4 = arith.constant 0 : index
    %get3A_5 = vector.load %arg0[%get3A_2, %get3A_3, %get3A_4] : memref<32x10x10000xf32, #tpu.memory_space<vmem>>, vector<32x10x10000xf32>
    %reduce_max3A = arith.constant dense<0xFF800000> : vector<10x10000xf32>
    %reduce_max3A_6 = vector.multi_reduction <maximumf>, %get3A_5, %reduce_max3A [0] : vector<32x10x10000xf32> to vector<10x10000xf32>
    %get3A_7 = arith.constant 0 : index
    %get3A_8 = arith.constant 0 : index
    %get3A_9 = vector.load %arg1[%get3A_7, %get3A_8] : memref<10x10000xf32, #tpu.memory_space<vmem>>, vector<10x10000xf32>
    %mul3A = arith.constant 2.000000e+00 : f32
    %mul3A_10 = vector.broadcast %mul3A : f32 to vector<10x10000xf32>
    %mul3A_11 = arith.mulf %mul3A_10, %get3A_9 : vector<10x10000xf32>
    %max3A = arith.maximumf %reduce_max3A_6, %mul3A_11 : vector<10x10000xf32>
    %mul3A_12 = arith.mulf %get3A_1, %max3A : vector<10x10000xf32>
    %get3A_13 = arith.constant 0 : index
    %get3A_14 = arith.constant 0 : index
    %get3A_15 = memref.load %arg3[%get3A_13, %get3A_14] : memref<1x1xf32, #tpu.memory_space<smem>>
    %add3A = vector.broadcast %get3A_15 : f32 to vector<10x10000xf32>
    %add3A_16 = arith.addf %mul3A_12, %add3A : vector<10x10000xf32>
    %reduce_max3A_17 = arith.constant dense<0xFF800000> : vector<10xf32>
    %reduce_max3A_18 = vector.multi_reduction <maximumf>, %add3A_16, %reduce_max3A_17 [1] : vector<10x10000xf32> to vector<10xf32>
    %broadcast_in_dim3A = vector.shape_cast %reduce_max3A_18 : vector<10xf32> to vector<10x1xf32>
    %sub3A = vector.broadcast %broadcast_in_dim3A : vector<10x1xf32> to vector<10x10000xf32>
    %sub3A_19 = arith.subf %add3A_16, %sub3A : vector<10x10000xf32>
    %exp3A = math.exp %sub3A_19 : vector<10x10000xf32>
    %reduce_sum3A = arith.constant dense<0.000000e+00> : vector<10xf32>
    %reduce_sum3A_20 = vector.multi_reduction <add>, %exp3A, %reduce_sum3A [1] : vector<10x10000xf32> to vector<10xf32>
    %broadcast_in_dim3A_21 = vector.shape_cast %reduce_sum3A_20 : vector<10xf32> to vector<10x1xf32>
    %div3A = vector.broadcast %broadcast_in_dim3A_21 : vector<10x1xf32> to vector<10x10000xf32>
    %div3A_22 = arith.divf %exp3A, %div3A : vector<10x10000xf32>
    %swap3A = arith.constant 0 : index
    %swap3A_23 = arith.constant 0 : index
    %swap3A_24 = vector.load %arg4[%swap3A, %swap3A_23] : memref<10x10000xf32, #tpu.memory_space<vmem>>, vector<10x10000xf32>
    tpu.vector_store %arg4[%swap3A, %swap3A_23], %div3A_22 {strides = array<i32>} : memref<10x10000xf32, #tpu.memory_space<vmem>>, vector<10x10000xf32>,
    return
  }
}

</mosaic_0001>

<sc_bundles>
// kernel: kernel.12.cloned.1.call-start
scs
__scs_entry_jumppad:
0x0: {  	(pc) =	sbr.rel $0x88, $3  }
0x1: {  	(tag) =	ssettag $0x0;
	lr =	simm.s32 $0x1  }
0x2: {  	[smem:$0x3F94] =	sst lr;
	_ =	strace $0xD0000000  }
0x3: {  	_ = 	snop  }
0x4: {  	_ = 	snop  }
0x5: {  	_ = 	snop  }
0x6: {  	_ = 	snop  }
0x7: {  	_ = 	snop  }
__scs_overlays_trampoline_lowered:
0x8: {  	[smem:$0x3FA3] =	sst s0  }
0x9: {  	[smem:$0x3FA4] =	sst s1  }
0xa: {  	[smem:$0x3FA5] =	sst s2  }
0xb: {  	[smem:$0x3FA6] =	sst s3  }
0xc: {  	[smem:$0x3FA7] =	sst s4  }
0xd: {  	[smem:$0x3FA8] =	sst s5  }
0xe: {  	[smem:$0x3FA9] =	sst s6  }
0xf: {  	[smem:$0x3FAA] =	sst s7  }
0x10: {  	[smem:$0x3FAB] =	sst s8  }
0x11: {  	[smem:$0x3FAC] =	sst s9;
	s0 =	simm.s32 @!p0 $0x0  }
0x12: {  	s1 =	sld [smem:$0x3F92];
	s0 =	simm.s32 @p0 $0x1  }
0x13: {  	[smem:$0x3FAD] =	sst s0;
	s0 =	simm.s32 @!p1 $0x0  }
0x14: {  	s2 =	sld [smem:$0x3F91];
	s0 =	simm.s32 @p1 $0x1  }
0x15: {  	[smem:$0x3FAE] =	sst s0;
	s0 =	simm.s32 @!p2 $0x0  }
0x16: {  	s3 =	sld [smem:$0x3FDB];
	s0 =	simm.s32 @p2 $0x1  }
0x17: {  	s4 =	simm.s32 $0x1BF5;
	[smem:$0x3FB0] =	sst s0  }
0x18: {  	s0 =	sld [smem:$0x3F93];
	_ =	swait.ge [sflag:s4], $0x0  }
0x19: {  	s7 =	sld [smem:$0x3F94]  }
0x1a: {  	s8 =	sadd.s32 $0xFFFFE003, lr  }
0x1b: {  	s9 =	sadd.s32 $0xFFFFFEF7, lr;
	s5 =	simm.s32 $0xFFFFFFFF;
	p2 =	slt.u32 s8, $0xFFFFF086  }
0x1c: {  	p1 =	slt.u32 s9, $0xF7A;
	s5 =	simm.s32 @!p2 $0x0  }
0x1d: {  	s5 =	simm.s32 @p1 $0x1;
	p0 =	seq.s32 s7, s2  }
0x1e: {  	s7 =	smul.u32 @!p0 $0xF7A, s2;
	p2 =	seq.s32 @!p0 s5, $0x0  }
0x1f: {  	s9 =	smul.u32 $0xF7A, s1;
	s8 =	simm.s32 @!p0 $0x1BF5;
	p2 =	por !p2, p0  }
0x20: {  	[sflag:s8] =	ssyncset.s32 @!p0 $0xFFFFF086;
	s6 =	sadd.s32 @!p0 s3, s7;
	s7 =	simm.s32 @!p0 $0x108  }
0x21: {  	s3 =	sadd.s32 s3, s9;
	s6 =	sadd.s32 @!p0 $0x88, s6;
	s7 =	simm.s32 @p2 $0x1082  }
0x22: {  	[simem:s7], [sflag:s8] =	dma.local @!p0 [hbm:s6], $0xF7A  }
0x23: {  	s9 =	sor.u32 $0xD0000000, s2;
	s6 =	simm.s32 $0x108;
	_ =	swait.ge @!p0 [sflag:s8], $0x0  }
0x24: {  	s3 =	sadd.s32 $0x88, s3;
	s6 =	simm.s32 @!p1 $0x1082;
	[sflag:s4] =	ssyncset.s32 $0xFFFFF086  }
0x25: {  	[simem:s6], [sflag:s4] =	dma.local [hbm:s3], $0xF7A  }
0x26: {  	[smem:$0x3F94] =	sst s1;
	(tag) =	ssettag s2;
	_ =	strace s9  }
0x27: {  	s1 =	sld [smem:$0x3FA4]  }
0x28: {  	s2 =	sld [smem:$0x3FA5]  }
0x29: {  	s4 =	sld [smem:$0x3FA7]  }
0x2a: {  	p0 =	seq.s32 s5, $0x0;
	s5 =	sld [smem:$0x3FA8]  }
0x2b: {  	s6 =	sld [smem:$0x3FA9]  }
0x2c: {  	s7 =	sld [smem:$0x3FAA]  }
0x2d: {  	s3 =	simm.s32 $0x108;
	s8 =	sld [smem:$0x3FAB]  }
0x2e: {  	s3 =	simm.s32 @!p0 $0x1082;
	s9 =	sld [smem:$0x3FAC]  }
0x2f: {  	lr =	sadd.s32 s0, s3;
	s0 =	sld [smem:$0x3FA3]  }
0x30: {  	s3 =	sld [smem:$0x3FA6]  }
0x31: {  	[smem:$0x3FAF] =	sst s10  }
0x32: {  	s10 =	sld [smem:$0x3FAD];
	_ =	sdelay $0x3  }
0x33: {  	p0 =	seq.s32 s10, $0x1;
	s10 =	sld [smem:$0x3FAF];
	_ =	sdelay $0x3  }
0x34: {  	[smem:$0x3FAF] =	sst s10  }
0x35: {  	s10 =	sld [smem:$0x3FAE];
	_ =	sdelay $0x3  }
0x36: {  	p1 =	seq.s32 s10, $0x1;
	s10 =	sld [smem:$0x3FAF];
	_ =	sdelay $0x3  }
0x37: {  	[smem:$0x3FAF] =	sst s10  }
0x38: {  	s10 =	sld [smem:$0x3FB0]  }
0x39: {  	_ = 	snop;
	(pc) =	sbr.ind lr, $3  }
0x3a: {  	_ = 	snop  }
0x3b: {  	_ = 	snop  }
0x3c: {  	p2 =	seq.s32 s10, $0x1;
	s10 =	sld [smem:$0x3FAF]  }
0x3d: {  	_ =	shalt  }
0x3e: {  	_ =	shalt  }
0x3f: {  	_ =	shalt  }
0x40: {  	_ =	shalt  }
0x41: {  	_ =	shalt  }
0x42: {  	_ =	shalt  }
0x43: {  	_ =	shalt  }
0x44: {  	_ =	shalt  }
0x45: {  	_ =	shalt  }
0x46: {  	_ =	shalt  }
0x47: {  	_ =	shalt  }
0x48: {  	_ =	shalt  }
0x49: {  	_ =	shalt  }
0x4a: {  	_ =	shalt  }
0x4b: {  	_ =	shalt  }
0x4c: {  	_ =	shalt  }
0x4d: {  	_ =	shalt  }
0x4e: {  	_ =	shalt  }
0x4f: {  	_ =	shalt  }
0x50: {  	_ =	shalt  }
0x51: {  	_ =	shalt  }
0x52: {  	_ =	shalt  }
0x53: {  	_ =	shalt  }
0x54: {  	_ =	shalt  }
0x55: {  	_ =	shalt  }
0x56: {  	_ =	shalt  }
0x57: {  	_ =	shalt  }
0x58: {  	_ =	shalt  }
0x59: {  	_ =	shalt  }
0x5a: {  	_ =	shalt  }
0x5b: {  	_ =	shalt  }
0x5c: {  	_ =	shalt  }
0x5d: {  	_ =	shalt  }
0x5e: {  	_ =	shalt  }
0x5f: {  	_ =	shalt  }
0x60: {  	_ =	shalt  }
0x61: {  	_ =	shalt  }
0x62: {  	_ =	shalt  }
0x63: {  	_ =	shalt  }
0x64: {  	_ =	shalt  }
0x65: {  	_ =	shalt  }
0x66: {  	_ =	shalt  }
0x67: {  	_ =	shalt  }
0x68: {  	_ =	shalt  }
0x69: {  	_ =	shalt  }
0x6a: {  	_ =	shalt  }
0x6b: {  	_ =	shalt  }
0x6c: {  	_ =	shalt  }
0x6d: {  	_ =	shalt  }
0x6e: {  	_ =	shalt  }
0x6f: {  	_ =	shalt  }
0x70: {  	_ =	shalt  }
0x71: {  	_ =	shalt  }
0x72: {  	_ =	shalt  }
0x73: {  	_ =	shalt  }
0x74: {  	_ =	shalt  }
0x75: {  	_ =	shalt  }
0x76: {  	_ =	shalt  }
0x77: {  	_ =	shalt  }
0x78: {  	_ =	shalt  }
0x79: {  	_ =	shalt  }
0x7a: {  	_ =	shalt  }
0x7b: {  	_ =	shalt  }
0x7c: {  	_ =	shalt  }
0x7d: {  	_ =	shalt  }
0x7e: {  	_ =	shalt  }
0x7f: {  	_ =	shalt  }
0x80: {  	_ =	shalt  }
0x81: {  	_ =	shalt  }
0x82: {  	_ =	shalt  }
0x83: {  	_ =	shalt  }
0x84: {  	_ =	shalt  }
0x85: {  	_ =	shalt  }
0x86: {  	_ =	shalt  }
0x87: {  	_ =	shalt  }
.Lfunc_end0:
.L_simem_size_0:
called_computation_lowered:
.L_overlay_start_0:
0x88: {  	s2 =	sld [smem:$0x3FD9]  }
0x89: {  	s3 =	sld [smem:$0x3FFE];
	_ =	sdelay $0x1  }
0x8a: {  	s1 =	srdreg.scid  }
0x8b: {  	s0 =	sand.u32 $0x1, s1  }
0x8c: {  	s14 =	sshll.u32 s0, $0xA;
	s2 =	sadd.s32 s3, s2  }
0x8d: {  	s2 =	sadd.s32 s2, s14  }
0x8e: {  	[smem:$0x3FBB] =	sst s2  }
0x8f: {  	_ = 	snop  }
0x90: {  	s2 =	sld [smem:$0x3FD0];
	_ =	sdelay $0x2  }
0x91: {  	s15 =	simm.s32 $0xA;
	s4 =	simm.s32 $0x10  }
0x92: {  	[smem:s4], [sflag:s15] =	dma.local [hbm:s2], $0x1  }
0x93: {  	_ =	swait.eq [sflag:s15], $0x1  }
0x94: {  	[sflag:s15] =	ssyncset.done $0x0  }
0x95: {  	[sflag:s15] =	ssyncadd.s32 $0xFFFFFFFF  }
0x96: {  	s16 =	sld [smem:$0x10];
	(tm) =	ssettm $0x1  }
0x97: {  	s17 =	sld [smem:$0x3FFB];
	_ =	sdelay $0x3  }
0x98: {  	_ =	strace s17  }
0x99: {  	s3 =	sld [smem:$0x3FFC];
	_ =	sdelay $0x3  }
0x9a: {  	_ =	strace s3  }
0x9b: {  	s3 =	sld [smem:$0x3FFD];
	_ =	sdelay $0x3  }
0x9c: {  	_ =	strace s3  }
0x9d: {  	_ =	strace $0x8FFFFFFF  }
0x9e: {  	s18 =	sld [smem:$0x3FDB];
	_ =	sdelay $0x1  }
0x9f: {  	s19 =	simm.s32 $_scs_section_size  }
0xa0: {  	s5 =	simm.s32 $_size__tile_overlayer_lowered;
	s6 =	simm.s32 $_tile_overlayer_lowered  }
0xa1: {  	s22 =	simm.s32 $0x1BFF;
	s21 =	sshll.u32 s6, $0x1;
	s3 =	sadd.s32 s19, s18  }
0xa2: {  	s7 =	simm.s32 $0x0;
	s20 =	sshll.u32 s5, $0x1;
	s5 =	sadd.s32 s21, s3  }
0xa3: {  	[timem:s7], [sflag:s22] =	dma.local [hbm:s5], s20  }
0xa4: {  	_ =	swait.ge [sflag:s22], s20  }
0xa5: {  	s4 =	ssub.s32 $0x0, s20;
	[sflag:s22] =	ssyncset.done $0x0  }
0xa6: {  	[sflag:s22] =	ssyncadd.s32 s4;
	_ =	sdelay $0x1  }
0xa7: {  	s23 =	simm.s32 $0x1B8B  }
0xa8: {  	_ =	swait.ge [sflag:s23], $0x1  }
0xa9: {  	[sflag:s23] =	ssyncset.done $0x0  }
0xaa: {  	s25 =	simm.s32 $0x1B8E;
	s24 =	sld [smem:$0x3FFE];
	[sflag:s23] =	ssyncadd.s32 $0xFFFFFFFF  }
0xab: {  	s26 =	simm.s32 $execute0_lowered;
	[smem:$0x3FD2] =	sst s25  }
0xac: {  	s5 =	sshll.u32 s26, $0x1;
	_ =	strace $0x80000046;
	[dreg:$0x1] =	wrdreg $0xFFFFFFFF  }
0xad: {  	s28 =	simm.s32 $_size_execute0_lowered;
	s3 =	sadd.s32 s3, s5;
	[dreg:$0x0] =	wrdreg $0x0  }
0xae: {  	s5 =	sshll.u32 s28, $0x1;
	[dreg:$0x2] =	wrdreg s3  }
0xaf: {  	[dreg:$0x3] =	wrdreg s5  }
0xb0: {  	[dreg:$0x4] =	wrdreg $0xC0  }
0xb1: {  	_ =	task [dreg:s7], $0x5FFFF  }
0xb2: {  	[dreg:$0x1] =	wrdreg $0xFFFFFFFF  }
0xb3: {  	[dreg:$0x0] =	wrdreg $0x60  }
0xb4: {  	[dreg:$0x2] =	wrdreg s24  }
0xb5: {  	[dreg:$0x3] =	wrdreg s16  }
0xb6: {  	[dreg:$0x4] =	wrdreg $0x38800  }
0xb7: {  	[dreg:$0x5] =	wrdreg $0x9  }
0xb8: {  	_ =	task.clear_ibuf [dreg:s7], $0x6FFFF;
	_ =	strace $0x90000046  }
0xb9: {  	s29 =	simm.s32 $0x9;
	_ =	strace $0x80000048  }
0xba: {  	_ =	swait.ge [sflag:s29], $0x1  }
0xbb: {  	[sflag:s29] =	ssyncadd.s32 $0xFFFFFFFF  }
0xbc: {  	_ =	strace $0x90000048  }
0xbd: {  	_ =	sfence  }
0xbe: {  	s30 =	sld [smem:$0x0];
	_ =	sdelay $0x2  }
0xbf: {  	s31 =	sshll.u32 s1, $0xD;
	s1 =	sshrl.u32 s1, $0x2  }
0xc0: {  	s3 =	sand.u32 $0x4000, s31;
	s1 =	sadd.s32 s1, s30  }
0xc1: {  	s0 =	sor.u32 s3, s0;
	s1 =	sshll.u32 s1, $0x11  }
0xc2: {  	s0 =	sor.u32 s1, s0  }
0xc3: {  	s0 =	sadd.s32 $0x8F2B, s0  }
0xc4: {  	[sflag:s0] =	ssyncadd.remote.s32 $0x1  }
0xc5: {  	_ =	sfence.sel $0xFFFF  }
0xc6: {  	[dreg:$0x0] =	wrdreg $0xFFFFFFFF;
	(pc) =	sbr.abs _section_cstart, $3  }
0xc7: {  	[dreg:$0x1] =	wrdreg $0xFFFFFFFF  }
0xc8: {  	_ =	task.clear_ibuf [dreg:s7], $0x2FFFF;
	_ =	strace $0x9FFFFFFF  }
0xc9: {  	(tm) =	ssettm $0x7FFFFFFF  }
tec
execute0_lowered:
.L_overlay_start_1:
0x0: {  	(tag) =	ssettag $0x1  }
0x1: {  	s9 =	rddreg [dreg:$0x0]  }
0x2: {  	s5 =	rddreg [dreg:$0x1]  }
0x3: {  	s2 =	rddreg [dreg:$0x2]  }
0x4: {  	s0 =	rddreg [dreg:$0x3]  }
0x5: {  	s4 =	srdreg.scid;
	s1 =	stileid.u32;
	s3 =	simm.s32 $0x0  }
0x6: {  	s14 =	simm.s32 $0x0;
	s6 =	sand.u32 $0x1, s4;
	s7 =	smul.u32 $0x1870, s1  }
0x7: {  	[smem:$0x7FF] =	sst s3;
	s4 =	sadd.s32 $0xC3800, s9;
	s11 =	smul.u32 $0x30D40, s1  }
0x8: {  	s8 =	smul.u32 $0x18700, s6;
	_ =	strace $0x80000047;
	s10 =	ssub.s32 $0x2, s6  }
0x9: {  	s13 =	smul.u32 $0x186A0, s6;
	s12 =	sshrl.u32 s10, $0x1;
	s30 =	sshrl.u32 s7, $0x3  }
0xa: {  	s6 =	sadd.s32 s7, s2;
	s8 =	sadd.s32 s7, s8;
	s10 =	ssub.s32 s10, s12  }
0xb: {  	s5 =	sadd.s32 s5, s30;
	s11 =	sadd.s32 s13, s11;
	s12 =	simm.s32 $0x1000  }
0xc: {  	s13 =	simm.s32 $0xFA0;
	s8 =	sshrl.u32 s8, $0x3;
	s31 =	sshrl.u32 s11, $0x3  }
0xd: {  	s11 =	simm.s32 $0x1;
	s8 =	sadd.s32 s8, s9;
	s9 =	sadd.s32 s31, s9  }
0xe: {  	s7 =	sadd.s32 $0xC3A00, s8;
	s8 =	smax.u32 s10, $0x1;
	s10 =	simm.s32 $0x2000  }
.LBB2_1:
0xf: {  	[tilespmem:s10], [sflag:$0x1] =	stream.linear.gather [hbm4b:s5+s3], $0x1870, $0x38;
	[tilespmem:$0x50F0] =	vst v63  }
0x10: {  	_ =	swait.ge [sflag:s11], $0x1870  }
0x11: {  	[sflag:s11] =	ssyncset.done $0x0  }
0x12: {  	[sflag:s11] =	ssyncadd.s32 $0xFFFFE790  }
0x13: {  	[spmem:s6] =	stream.linear.scatter [tilespmem:s10], [sflag:$0x1], $0x1870, $0x38;
	[tilespmem:$0x50F0] =	vst v63  }
0x14: {  	_ =	swait.ge [sflag:s11], $0x1870  }
0x15: {  	[sflag:s11] =	ssyncset.done $0x0  }
0x16: {  	[sflag:s11] =	ssyncadd.s32 $0xFFFFE790  }
0x17: {  	[tilespmem:s12], [sflag:$0x1] =	stream.linear.gather [hbm4b:s4+s3], $0x1000, $0x38;
	[tilespmem:$0x50F0] =	vst v63  }
0x18: {  	_ =	swait.ge [sflag:s11], $0x1000  }
0x19: {  	[sflag:s11] =	ssyncset.done $0x0  }
0x1a: {  	[sflag:s11] =	ssyncadd.s32 $0xFFFFF000  }
0x1b: {  	s15 =	sadd.s32 $0x0, s9;
	[bflag:$0x0] =	sbarrier.arrive $0xFFFF  }
0x1c: {  	[tilespmem:s3], [sflag:$0x1] =	stream.linear.gather [hbm4b:s15+s3], $0xFA0, $0x38;
	[tilespmem:$0x50F0] =	vst v63  }
0x1d: {  	_ =	swait.ge [sflag:s11], $0xFA0  }
0x1e: {  	[sflag:s11] =	ssyncset.done $0x0  }
0x1f: {  	[sflag:s11] =	ssyncadd.s32 $0xFFFFF060  }
0x20: {  	[spmem:s2] =	stream.indirect.scatter.add.f32 [tilespmem:s12], [sflag:$0x1], $0x1, s3, s13, $0xb8;
	[tilespmem:$0x50F0] =	vst v63  }
0x21: {  	_ =	swait.ge [sflag:s11], $0xFA0  }
0x22: {  	s16 =	simm.s32 $0x3E8;
	s15 =	simm.s32 $0x1F4;
	[sflag:s11] =	ssyncset.done $0x0  }
.LBB2_2:
0x23: {  	s17 =	sadd.s32 s15, s9  }
0x24: {  	[sflag:s11] =	ssyncadd.s32 $0xFFFFF060;
	s15 =	smov.u32 s16;
	s18 =	sadd.s32 $0x1F4, s16  }
0x25: {  	[tilespmem:s3], [sflag:$0x1] =	stream.linear.gather [hbm4b:s17+s3], $0xFA0, $0x38;
	[tilespmem:$0x50F0] =	vst v63  }
0x26: {  	p0 =	sne.s32 s16, $0x2EE0;
	_ =	swait.ge [sflag:s11], $0xFA0  }
.Ltmp0:
0x27: {  	[sflag:s11] =	ssyncset.done $0x0;
	(pc) =	sbr.rel @p0 .LBB2_2-.Ltmp0, $4  }
0x28: {  	[sflag:s11] =	ssyncadd.s32 $0xFFFFF060  }
0x29: {  	[spmem:s2] =	stream.indirect.scatter.add.f32 [tilespmem:s12], [sflag:$0x1], $0x1, s3, s13, $0xb8;
	[tilespmem:$0x50F0] =	vst v63  }
0x2a: {  	_ =	swait.ge [sflag:s11], $0xFA0  }
0x2b: {  	s16 =	smov.u32 s18;
	[sflag:s11] =	ssyncset.done $0x0  }
0x2c: {  	s15 =	sadd.s32 s15, s9;
	[sflag:s11] =	ssyncadd.s32 $0xFFFFF060  }
0x2d: {  	[tilespmem:s3], [sflag:$0x1] =	stream.linear.gather [hbm4b:s15+s3], $0xFA0, $0x38;
	[tilespmem:$0x50F0] =	vst v63  }
0x2e: {  	_ =	swait.ge [sflag:s11], $0xFA0  }
0x2f: {  	[sflag:s11] =	ssyncset.done $0x0  }
0x30: {  	[sflag:s11] =	ssyncadd.s32 $0xFFFFF060  }
0x31: {  	[spmem:s2] =	stream.indirect.scatter.add.f32 [tilespmem:s12], [sflag:$0x1], $0x1, s3, s13, $0xb8;
	[tilespmem:$0x50F0] =	vst v63  }
0x32: {  	_ =	swait.ge [sflag:s11], $0xFA0  }
0x33: {  	[sflag:s11] =	ssyncset.done $0x0  }
0x34: {  	[sflag:s11] =	ssyncadd.s32 $0xFFFFF060  }
0x35: {  	[bflag:$0x0] =	sbarrier.arrive $0xFFFF  }
0x36: {  	[tilespmem:s10], [sflag:$0x1] =	stream.linear.gather [spmem:s6], $0x1870, $0x38;
	[tilespmem:$0x50F0] =	vst v63  }
0x37: {  	s14 =	sadd.s32 $0x1, s14;
	_ =	swait.ge [sflag:s11], $0x1870  }
0x38: {  	p0 =	sne.s32 s14, s8;
	[sflag:s11] =	ssyncset.done $0x0  }
.Ltmp1:
0x39: {  	[sflag:s11] =	ssyncadd.s32 $0xFFFFE790;
	(pc) =	sbr.rel @p0 .LBB2_1-.Ltmp1, $4  }
0x3a: {  	[hbm4b:s7+s3] =	stream.linear.scatter [tilespmem:s10], [sflag:$0x1], $0x1870, $0x38;
	[tilespmem:$0x50F0] =	vst v63  }
0x3b: {  	_ =	swait.ge [sflag:s11], $0x1870  }
0x3c: {  	[sflag:s11] =	ssyncset.done $0x0  }
0x3d: {  	[sflag:s11] =	ssyncadd.s32 $0xFFFFE790  }
0x3e: {  	_ =	sfence.sel $0x180000  }
0x3f: {  	[bflag:$0x0] =	sbarrier.arrive $0xFFFF  }
0x40: {  	p0 =	sne.s32 s1, $0x0;
	_ =	strace $0x90000047  }
0x41: {  	s0 =	sadd.s32 @!p0 $0x100000, s0;
	[bflag:$0x2] =	sbarrier.arrive $0xFFFF  }
0x42: {  	[sflag:s0] =	ssyncadd.tile.s32 @!p0 $0x1;
	_ =	shalt  }
.Lfunc_end2:
_tile_overlayer_lowered:
.L_overlay_start_2:
0x43: {  	(tag) =	ssettag $0x2  }
0x44: {  	s0 =	rddreg [dreg:$0x0];
	s2 =	stileid.u32  }
0x45: {  	s1 =	rddreg [dreg:$0x1];
	p0 =	sne.s32 s2, $0x0  }
0x46: {  	s3 =	rddreg [dreg:$0x2];
	[bflag:$0x3] =	sbarrier.arrive $0xFFFF;
	s2 =	simm.s32 @!p0 $0x1C01  }
0x47: {  	[timem:s3], [sflag:s2] =	dma.local @!p0 [hbm:s0], s1  }
0x48: {  	s0 =	simm.s32 @!p0 $0x1  }
0x49: {  	_ =	swait.ge @!p0 [sflag:s0], s1  }
0x4a: {  	s1 =	ssub.s32 @!p0 $0x0, s1;
	[sflag:s0] =	ssyncset.done @!p0 $0x0  }
0x4b: {  	[sflag:s0] =	ssyncadd.s32 @!p0 s1  }
0x4c: {  	[bflag:$0x3] =	sbarrier.arrive $0xFFFF  }
0x4d: {  	_ =	shalt  }

// kernel: kernel.15.cloned.1.call-start
scs
__scs_entry_jumppad:
0x0: {  	(pc) =	sbr.rel $0x88, $3  }
0x1: {  	(tag) =	ssettag $0x0;
	lr =	simm.s32 $0x1  }
0x2: {  	[smem:$0x3F94] =	sst lr;
	_ =	strace $0xD0000000  }
0x3: {  	_ = 	snop  }
0x4: {  	_ = 	snop  }
0x5: {  	_ = 	snop  }
0x6: {  	_ = 	snop  }
0x7: {  	_ = 	snop  }
__scs_overlays_trampoline_lowered:
0x8: {  	[smem:$0x3FA3] =	sst s0  }
0x9: {  	[smem:$0x3FA4] =	sst s1  }
0xa: {  	[smem:$0x3FA5] =	sst s2  }
0xb: {  	[smem:$0x3FA6] =	sst s3  }
0xc: {  	[smem:$0x3FA7] =	sst s4  }
0xd: {  	[smem:$0x3FA8] =	sst s5  }
0xe: {  	[smem:$0x3FA9] =	sst s6  }
0xf: {  	[smem:$0x3FAA] =	sst s7  }
0x10: {  	[smem:$0x3FAB] =	sst s8  }
0x11: {  	[smem:$0x3FAC] =	sst s9;
	s0 =	simm.s32 @!p0 $0x0  }
0x12: {  	s1 =	sld [smem:$0x3F92];
	s0 =	simm.s32 @p0 $0x1  }
0x13: {  	[smem:$0x3FAD] =	sst s0;
	s0 =	simm.s32 @!p1 $0x0  }
0x14: {  	s2 =	sld [smem:$0x3F91];
	s0 =	simm.s32 @p1 $0x1  }
0x15: {  	[smem:$0x3FAE] =	sst s0;
	s0 =	simm.s32 @!p2 $0x0  }
0x16: {  	s3 =	sld [smem:$0x3FDB];
	s0 =	simm.s32 @p2 $0x1  }
0x17: {  	s4 =	simm.s32 $0x1BF5;
	[smem:$0x3FB0] =	sst s0  }
0x18: {  	s0 =	sld [smem:$0x3F93];
	_ =	swait.ge [sflag:s4], $0x0  }
0x19: {  	s7 =	sld [smem:$0x3F94]  }
0x1a: {  	s8 =	sadd.s32 $0xFFFFE003, lr  }
0x1b: {  	s9 =	sadd.s32 $0xFFFFFEF7, lr;
	s5 =	simm.s32 $0xFFFFFFFF;
	p2 =	slt.u32 s8, $0xFFFFF086  }
0x1c: {  	p1 =	slt.u32 s9, $0xF7A;
	s5 =	simm.s32 @!p2 $0x0  }
0x1d: {  	s5 =	simm.s32 @p1 $0x1;
	p0 =	seq.s32 s7, s2  }
0x1e: {  	s7 =	smul.u32 @!p0 $0xF7A, s2;
	p2 =	seq.s32 @!p0 s5, $0x0  }
0x1f: {  	s9 =	smul.u32 $0xF7A, s1;
	s8 =	simm.s32 @!p0 $0x1BF5;
	p2 =	por !p2, p0  }
0x20: {  	[sflag:s8] =	ssyncset.s32 @!p0 $0xFFFFF086;
	s6 =	sadd.s32 @!p0 s3, s7;
	s7 =	simm.s32 @!p0 $0x108  }
0x21: {  	s3 =	sadd.s32 s3, s9;
	s6 =	sadd.s32 @!p0 $0x88, s6;
	s7 =	simm.s32 @p2 $0x1082  }
0x22: {  	[simem:s7], [sflag:s8] =	dma.local @!p0 [hbm:s6], $0xF7A  }
0x23: {  	s9 =	sor.u32 $0xD0000000, s2;
	s6 =	simm.s32 $0x108;
	_ =	swait.ge @!p0 [sflag:s8], $0x0  }
0x24: {  	s3 =	sadd.s32 $0x88, s3;
	s6 =	simm.s32 @!p1 $0x1082;
	[sflag:s4] =	ssyncset.s32 $0xFFFFF086  }
0x25: {  	[simem:s6], [sflag:s4] =	dma.local [hbm:s3], $0xF7A  }
0x26: {  	[smem:$0x3F94] =	sst s1;
	(tag) =	ssettag s2;
	_ =	strace s9  }
0x27: {  	s1 =	sld [smem:$0x3FA4]  }
0x28: {  	s2 =	sld [smem:$0x3FA5]  }
0x29: {  	s4 =	sld [smem:$0x3FA7]  }
0x2a: {  	p0 =	seq.s32 s5, $0x0;
	s5 =	sld [smem:$0x3FA8]  }
0x2b: {  	s6 =	sld [smem:$0x3FA9]  }
0x2c: {  	s7 =	sld [smem:$0x3FAA]  }
0x2d: {  	s3 =	simm.s32 $0x108;
	s8 =	sld [smem:$0x3FAB]  }
0x2e: {  	s3 =	simm.s32 @!p0 $0x1082;
	s9 =	sld [smem:$0x3FAC]  }
0x2f: {  	lr =	sadd.s32 s0, s3;
	s0 =	sld [smem:$0x3FA3]  }
0x30: {  	s3 =	sld [smem:$0x3FA6]  }
0x31: {  	[smem:$0x3FAF] =	sst s10  }
0x32: {  	s10 =	sld [smem:$0x3FAD];
	_ =	sdelay $0x3  }
0x33: {  	p0 =	seq.s32 s10, $0x1;
	s10 =	sld [smem:$0x3FAF];
	_ =	sdelay $0x3  }
0x34: {  	[smem:$0x3FAF] =	sst s10  }
0x35: {  	s10 =	sld [smem:$0x3FAE];
	_ =	sdelay $0x3  }
0x36: {  	p1 =	seq.s32 s10, $0x1;
	s10 =	sld [smem:$0x3FAF];
	_ =	sdelay $0x3  }
0x37: {  	[smem:$0x3FAF] =	sst s10  }
0x38: {  	s10 =	sld [smem:$0x3FB0]  }
0x39: {  	_ = 	snop;
	(pc) =	sbr.ind lr, $3  }
0x3a: {  	_ = 	snop  }
0x3b: {  	_ = 	snop  }
0x3c: {  	p2 =	seq.s32 s10, $0x1;
	s10 =	sld [smem:$0x3FAF]  }
0x3d: {  	_ =	shalt  }
0x3e: {  	_ =	shalt  }
0x3f: {  	_ =	shalt  }
0x40: {  	_ =	shalt  }
0x41: {  	_ =	shalt  }
0x42: {  	_ =	shalt  }
0x43: {  	_ =	shalt  }
0x44: {  	_ =	shalt  }
0x45: {  	_ =	shalt  }
0x46: {  	_ =	shalt  }
0x47: {  	_ =	shalt  }
0x48: {  	_ =	shalt  }
0x49: {  	_ =	shalt  }
0x4a: {  	_ =	shalt  }
0x4b: {  	_ =	shalt  }
0x4c: {  	_ =	shalt  }
0x4d: {  	_ =	shalt  }
0x4e: {  	_ =	shalt  }
0x4f: {  	_ =	shalt  }
0x50: {  	_ =	shalt  }
0x51: {  	_ =	shalt  }
0x52: {  	_ =	shalt  }
0x53: {  	_ =	shalt  }
0x54: {  	_ =	shalt  }
0x55: {  	_ =	shalt  }
0x56: {  	_ =	shalt  }
0x57: {  	_ =	shalt  }
0x58: {  	_ =	shalt  }
0x59: {  	_ =	shalt  }
0x5a: {  	_ =	shalt  }
0x5b: {  	_ =	shalt  }
0x5c: {  	_ =	shalt  }
0x5d: {  	_ =	shalt  }
0x5e: {  	_ =	shalt  }
0x5f: {  	_ =	shalt  }
0x60: {  	_ =	shalt  }
0x61: {  	_ =	shalt  }
0x62: {  	_ =	shalt  }
0x63: {  	_ =	shalt  }
0x64: {  	_ =	shalt  }
0x65: {  	_ =	shalt  }
0x66: {  	_ =	shalt  }
0x67: {  	_ =	shalt  }
0x68: {  	_ =	shalt  }
0x69: {  	_ =	shalt  }
0x6a: {  	_ =	shalt  }
0x6b: {  	_ =	shalt  }
0x6c: {  	_ =	shalt  }
0x6d: {  	_ =	shalt  }
0x6e: {  	_ =	shalt  }
0x6f: {  	_ =	shalt  }
0x70: {  	_ =	shalt  }
0x71: {  	_ =	shalt  }
0x72: {  	_ =	shalt  }
0x73: {  	_ =	shalt  }
0x74: {  	_ =	shalt  }
0x75: {  	_ =	shalt  }
0x76: {  	_ =	shalt  }
0x77: {  	_ =	shalt  }
0x78: {  	_ =	shalt  }
0x79: {  	_ =	shalt  }
0x7a: {  	_ =	shalt  }
0x7b: {  	_ =	shalt  }
0x7c: {  	_ =	shalt  }
0x7d: {  	_ =	shalt  }
0x7e: {  	_ =	shalt  }
0x7f: {  	_ =	shalt  }
0x80: {  	_ =	shalt  }
0x81: {  	_ =	shalt  }
0x82: {  	_ =	shalt  }
0x83: {  	_ =	shalt  }
0x84: {  	_ =	shalt  }
0x85: {  	_ =	shalt  }
0x86: {  	_ =	shalt  }
0x87: {  	_ =	shalt  }
.Lfunc_end0:
.L_simem_size_0:
called_computation.1_lowered:
.L_overlay_start_0:
0x88: {  	s2 =	sld [smem:$0x3FD9]  }
0x89: {  	s3 =	sld [smem:$0x3FFE];
	_ =	sdelay $0x1  }
0x8a: {  	s1 =	srdreg.scid  }
0x8b: {  	s0 =	sand.u32 $0x1, s1  }
0x8c: {  	s14 =	sshll.u32 s0, $0xA;
	s2 =	sadd.s32 s3, s2  }
0x8d: {  	s2 =	sadd.s32 s2, s14  }
0x8e: {  	[smem:$0x3FBB] =	sst s2  }
0x8f: {  	_ = 	snop  }
0x90: {  	s2 =	sld [smem:$0x3FD0];
	_ =	sdelay $0x2  }
0x91: {  	s15 =	simm.s32 $0xA;
	s4 =	simm.s32 $0x10  }
0x92: {  	[smem:s4], [sflag:s15] =	dma.local [hbm:s2], $0x1  }
0x93: {  	_ =	swait.eq [sflag:s15], $0x1  }
0x94: {  	[sflag:s15] =	ssyncset.done $0x0  }
0x95: {  	[sflag:s15] =	ssyncadd.s32 $0xFFFFFFFF  }
0x96: {  	s16 =	sld [smem:$0x10];
	(tm) =	ssettm $0x1  }
0x97: {  	s17 =	sld [smem:$0x3FFB];
	_ =	sdelay $0x3  }
0x98: {  	_ =	strace s17  }
0x99: {  	s3 =	sld [smem:$0x3FFC];
	_ =	sdelay $0x3  }
0x9a: {  	_ =	strace s3  }
0x9b: {  	s3 =	sld [smem:$0x3FFD];
	_ =	sdelay $0x3  }
0x9c: {  	_ =	strace s3  }
0x9d: {  	_ =	strace $0x8FFFFFFF  }
0x9e: {  	s18 =	sld [smem:$0x3FDB];
	_ =	sdelay $0x1  }
0x9f: {  	s19 =	simm.s32 $_scs_section_size  }
0xa0: {  	s5 =	simm.s32 $_size__tile_overlayer_lowered;
	s6 =	simm.s32 $_tile_overlayer_lowered  }
0xa1: {  	s22 =	simm.s32 $0x1BFF;
	s21 =	sshll.u32 s6, $0x1;
	s3 =	sadd.s32 s19, s18  }
0xa2: {  	s7 =	simm.s32 $0x0;
	s20 =	sshll.u32 s5, $0x1;
	s5 =	sadd.s32 s21, s3  }
0xa3: {  	[timem:s7], [sflag:s22] =	dma.local [hbm:s5], s20  }
0xa4: {  	_ =	swait.ge [sflag:s22], s20  }
0xa5: {  	s4 =	ssub.s32 $0x0, s20;
	[sflag:s22] =	ssyncset.done $0x0  }
0xa6: {  	[sflag:s22] =	ssyncadd.s32 s4;
	_ =	sdelay $0x1  }
0xa7: {  	s23 =	simm.s32 $0x1B8B  }
0xa8: {  	_ =	swait.ge [sflag:s23], $0x1  }
0xa9: {  	[sflag:s23] =	ssyncset.done $0x0  }
0xaa: {  	s25 =	simm.s32 $0x1B8E;
	s24 =	sld [smem:$0x3FFE];
	[sflag:s23] =	ssyncadd.s32 $0xFFFFFFFF  }
0xab: {  	s26 =	simm.s32 $execute0_lowered;
	[smem:$0x3FD2] =	sst s25  }
0xac: {  	s5 =	sshll.u32 s26, $0x1;
	_ =	strace $0x80000049;
	[dreg:$0x1] =	wrdreg $0xFFFFFFFF  }
0xad: {  	s28 =	simm.s32 $_size_execute0_lowered;
	s3 =	sadd.s32 s3, s5;
	[dreg:$0x0] =	wrdreg $0x0  }
0xae: {  	s5 =	sshll.u32 s28, $0x1;
	[dreg:$0x2] =	wrdreg s3  }
0xaf: {  	[dreg:$0x3] =	wrdreg s5  }
0xb0: {  	[dreg:$0x4] =	wrdreg $0xC0  }
0xb1: {  	_ =	task [dreg:s7], $0x5FFFF  }
0xb2: {  	[dreg:$0x1] =	wrdreg $0xFFFFFFFF  }
0xb3: {  	[dreg:$0x0] =	wrdreg $0x60  }
0xb4: {  	[dreg:$0x2] =	wrdreg s24  }
0xb5: {  	[dreg:$0x3] =	wrdreg s16  }
0xb6: {  	[dreg:$0x4] =	wrdreg $0x78800  }
0xb7: {  	[dreg:$0x5] =	wrdreg $0x90F00  }
0xb8: {  	[dreg:$0x6] =	wrdreg $0xA9600  }
0xb9: {  	[dreg:$0x7] =	wrdreg $0xC1D00  }
0xba: {  	[dreg:$0x8] =	wrdreg $0xDA400  }
0xbb: {  	[dreg:$0x9] =	wrdreg $0xF2B00  }
0xbc: {  	[dreg:$0xa] =	wrdreg $0x10B200  }
0xbd: {  	[dreg:$0xb] =	wrdreg $0x123900  }
0xbe: {  	[dreg:$0xc] =	wrdreg $0x9  }
0xbf: {  	_ =	task.clear_ibuf [dreg:s7], $0xDFFFF;
	_ =	strace $0x90000049  }
0xc0: {  	s29 =	simm.s32 $0x9;
	_ =	strace $0x8000004B  }
0xc1: {  	_ =	swait.ge [sflag:s29], $0x1  }
0xc2: {  	[sflag:s29] =	ssyncadd.s32 $0xFFFFFFFF  }
0xc3: {  	_ =	strace $0x9000004B  }
0xc4: {  	_ =	sfence  }
0xc5: {  	s30 =	sld [smem:$0x0];
	_ =	sdelay $0x2  }
0xc6: {  	s31 =	sshll.u32 s1, $0xD;
	s1 =	sshrl.u32 s1, $0x2  }
0xc7: {  	s3 =	sand.u32 $0x4000, s31;
	s1 =	sadd.s32 s1, s30  }
0xc8: {  	s0 =	sor.u32 s3, s0;
	s1 =	sshll.u32 s1, $0x11  }
0xc9: {  	s0 =	sor.u32 s1, s0  }
0xca: {  	s0 =	sadd.s32 $0x8F2B, s0  }
0xcb: {  	[sflag:s0] =	ssyncadd.remote.s32 $0x1  }
0xcc: {  	_ =	sfence.sel $0xFFFF  }
0xcd: {  	[dreg:$0x0] =	wrdreg $0xFFFFFFFF;
	(pc) =	sbr.abs _section_cstart, $3  }
0xce: {  	[dreg:$0x1] =	wrdreg $0xFFFFFFFF  }
0xcf: {  	_ =	task.clear_ibuf [dreg:s7], $0x2FFFF;
	_ =	strace $0x9FFFFFFF  }
0xd0: {  	(tm) =	ssettm $0x7FFFFFFF  }
0xd1: {  	_ =	shalt  }
tec
execute0_lowered:
.L_overlay_start_1:
0x0: {  	(tag) =	ssettag $0x1  }
0x1: {  	s2 =	rddreg [dreg:$0x0]  }
0x2: {  	s6 =	rddreg [dreg:$0x1]  }
0x3: {  	s0 =	rddreg [dreg:$0x2]  }
0x4: {  	s1 =	rddreg [dreg:$0x3]  }
0x5: {  	s3 =	rddreg [dreg:$0x4]  }
0x6: {  	s4 =	rddreg [dreg:$0x5]  }
0x7: {  	s5 =	rddreg [dreg:$0x6]  }
0x8: {  	s7 =	rddreg [dreg:$0x7]  }
0x9: {  	s8 =	rddreg [dreg:$0x8]  }
0xa: {  	s9 =	rddreg [dreg:$0x9];
	s18 =	stileid.u32  }
0xb: {  	s11 =	srdreg.scid;
	s12 =	smul.u32 $0x1870, s18  }
0xc: {  	s10 =	simm.s32 $0x0;
	s11 =	sand.u32 $0x1, s11;
	s26 =	smul.u32 $0x30D40, s18  }
0xd: {  	[smem:$0x7FF] =	sst s10;
	s18 =	simm.s32 $0x0;
	s13 =	smul.u32 $0x18700, s11  }
0xe: {  	_ =	strace $0x8000004A;
	s15 =	ssub.s32 $0x2, s11;
	s11 =	smul.u32 $0x186A0, s11  }
0xf: {  	s14 =	sshrl.u32 s12, $0x3;
	s17 =	sshrl.u32 s15, $0x1;
	s29 =	sadd.s32 s12, s0  }
0x10: {  	s20 =	sadd.s32 s12, s1;
	s22 =	sadd.s32 s12, s3;
	[dreg:$0xc] =	wrdreg s29  }
0x11: {  	s23 =	sadd.s32 s12, s4;
	s13 =	sadd.s32 s12, s13;
	[dreg:$0xe] =	wrdreg s20  }
0x12: {  	s16 =	sadd.s32 s14, s2;
	s15 =	ssub.s32 s15, s17;
	[dreg:$0x10] =	wrdreg s22  }
0x13: {  	s11 =	sadd.s32 s11, s26;
	[dreg:$0x12] =	wrdreg s23;
	s6 =	sadd.s32 s6, s14  }
0x14: {  	s20 =	sadd.s32 s12, s5;
	s22 =	sadd.s32 s12, s7;
	s23 =	sadd.s32 s12, s8  }
0x15: {  	s14 =	simm.s32 $0x3000;
	s17 =	simm.s32 $0x1;
	s13 =	sshrl.u32 s13, $0x3  }
0x16: {  	s28 =	sadd.s32 $0xC3800, s16;
	s19 =	sadd.s32 $0xC6A00, s16;
	[dreg:$0x13] =	wrdreg s6  }
0x17: {  	s21 =	sadd.s32 $0xC9C00, s16;
	s16 =	sadd.s32 $0xCCE00, s16;
	[dreg:$0xb] =	wrdreg s28  }
0x18: {  	s24 =	sshrl.u32 s11, $0x3;
	s30 =	smax.u32 s15, $0x1;
	[dreg:$0xd] =	wrdreg s19  }
0x19: {  	s6 =	simm.s32 $0x2;
	s11 =	simm.s32 $0x1000;
	[dreg:$0xf] =	wrdreg s21  }
0x1a: {  	s15 =	simm.s32 $0x4000;
	s13 =	sadd.s32 s13, s2;
	[dreg:$0x11] =	wrdreg s16  }
0x1b: {  	s21 =	sadd.s32 s24, s2;
	s24 =	sadd.s32 s12, s9;
	s25 =	sadd.s32 $0xE2600, s13  }
0x1c: {  	s2 =	simm.s32 $0x6000;
	s26 =	sadd.s32 $0xDC400, s13;
	[dreg:$0x14] =	wrdreg s25  }
0x1d: {  	s12 =	simm.s32 $0xFA0;
	s28 =	sadd.s32 $0xD6200, s13;
	[dreg:$0x15] =	wrdreg s26  }
0x1e: {  	s16 =	simm.s32 $0x5000;
	s29 =	sadd.s32 $0xD0000, s13;
	[dreg:$0x16] =	wrdreg s28  }
0x1f: {  	s31 =	sadd.s32 $0x61C00, s21;
	s13 =	simm.s32 $0x2000;
	[dreg:$0x17] =	wrdreg s29  }
.LBB2_1:
0x20: {  	s19 =	rddreg [dreg:$0xb]  }
0x21: {  	[tilespmem:s2], [sflag:$0x2] =	stream.linear.gather [hbm4b:s19+s10], $0x1870, $0x38;
	[tilespmem:$0x13C00] =	vst v63  }
0x22: {  	_ =	swait.ge [sflag:s6], $0x1870  }
0x23: {  	[sflag:s6] =	ssyncset.done $0x0  }
0x24: {  	s28 =	rddreg [dreg:$0xc];
	[sflag:s6] =	ssyncadd.s32 $0xFFFFE790  }
0x25: {  	[spmem:s28] =	stream.linear.scatter [tilespmem:s2], [sflag:$0x2], $0x1870, $0x38;
	[tilespmem:$0x13C00] =	vst v63  }
0x26: {  	_ =	swait.ge [sflag:s6], $0x1870  }
0x27: {  	[sflag:s6] =	ssyncset.done $0x0  }
0x28: {  	s29 =	rddreg [dreg:$0xd];
	[sflag:s6] =	ssyncadd.s32 $0xFFFFE790  }
0x29: {  	[tilespmem:s2], [sflag:$0x2] =	stream.linear.gather [hbm4b:s29+s10], $0x1870, $0x38;
	[tilespmem:$0x13C00] =	vst v63  }
0x2a: {  	_ =	swait.ge [sflag:s6], $0x1870  }
0x2b: {  	[sflag:s6] =	ssyncset.done $0x0  }
0x2c: {  	s25 =	rddreg [dreg:$0xe];
	[sflag:s6] =	ssyncadd.s32 $0xFFFFE790  }
0x2d: {  	[spmem:s25] =	stream.linear.scatter [tilespmem:s2], [sflag:$0x2], $0x1870, $0x38;
	[tilespmem:$0x13C00] =	vst v63  }
0x2e: {  	_ =	swait.ge [sflag:s6], $0x1870  }
0x2f: {  	[sflag:s6] =	ssyncset.done $0x0  }
0x30: {  	s26 =	rddreg [dreg:$0xf];
	[sflag:s6] =	ssyncadd.s32 $0xFFFFE790  }
0x31: {  	[tilespmem:s2], [sflag:$0x2] =	stream.linear.gather [hbm4b:s26+s10], $0x1870, $0x38;
	[tilespmem:$0x13C00] =	vst v63  }
0x32: {  	_ =	swait.ge [sflag:s6], $0x1870  }
0x33: {  	[sflag:s6] =	ssyncset.done $0x0  }
0x34: {  	s28 =	rddreg [dreg:$0x10];
	[sflag:s6] =	ssyncadd.s32 $0xFFFFE790  }
0x35: {  	[spmem:s28] =	stream.linear.scatter [tilespmem:s2], [sflag:$0x2], $0x1870, $0x38;
	[tilespmem:$0x13C00] =	vst v63  }
0x36: {  	_ =	swait.ge [sflag:s6], $0x1870  }
0x37: {  	[sflag:s6] =	ssyncset.done $0x0  }
0x38: {  	s29 =	rddreg [dreg:$0x11];
	[sflag:s6] =	ssyncadd.s32 $0xFFFFE790  }
0x39: {  	[tilespmem:s2], [sflag:$0x2] =	stream.linear.gather [hbm4b:s29+s10], $0x1870, $0x38;
	[tilespmem:$0x13C00] =	vst v63  }
0x3a: {  	_ =	swait.ge [sflag:s6], $0x1870  }
0x3b: {  	[sflag:s6] =	ssyncset.done $0x0  }
0x3c: {  	s25 =	rddreg [dreg:$0x12];
	[sflag:s6] =	ssyncadd.s32 $0xFFFFE790  }
0x3d: {  	[spmem:s25] =	stream.linear.scatter [tilespmem:s2], [sflag:$0x2], $0x1870, $0x38;
	[tilespmem:$0x13C00] =	vst v63  }
0x3e: {  	_ =	swait.ge [sflag:s6], $0x1870  }
0x3f: {  	[sflag:s6] =	ssyncset.done $0x0  }
0x40: {  	s26 =	rddreg [dreg:$0x13];
	[sflag:s6] =	ssyncadd.s32 $0xFFFFE790  }
0x41: {  	[tilespmem:s2], [sflag:$0x2] =	stream.linear.gather [hbm4b:s26+s10], $0x1870, $0x38;
	[tilespmem:$0x13C00] =	vst v63  }
0x42: {  	_ =	swait.ge [sflag:s6], $0x1870  }
0x43: {  	[sflag:s6] =	ssyncset.done $0x0  }
0x44: {  	[sflag:s6] =	ssyncadd.s32 $0xFFFFE790  }
0x45: {  	[spmem:s20] =	stream.linear.scatter [tilespmem:s2], [sflag:$0x2], $0x1870, $0x38;
	[tilespmem:$0x13C00] =	vst v63  }
0x46: {  	_ =	swait.ge [sflag:s6], $0x1870  }
0x47: {  	[sflag:s6] =	ssyncset.done $0x0  }
0x48: {  	[sflag:s6] =	ssyncadd.s32 $0xFFFFE790  }
0x49: {  	[spmem:s22] =	stream.linear.scatter [tilespmem:s2], [sflag:$0x2], $0x1870, $0x38;
	[tilespmem:$0x13C00] =	vst v63  }
0x4a: {  	_ =	swait.ge [sflag:s6], $0x1870  }
0x4b: {  	[sflag:s6] =	ssyncset.done $0x0  }
0x4c: {  	[sflag:s6] =	ssyncadd.s32 $0xFFFFE790  }
0x4d: {  	[spmem:s23] =	stream.linear.scatter [tilespmem:s2], [sflag:$0x2], $0x1870, $0x38;
	[tilespmem:$0x13C00] =	vst v63  }
0x4e: {  	_ =	swait.ge [sflag:s6], $0x1870  }
0x4f: {  	[sflag:s6] =	ssyncset.done $0x0  }
0x50: {  	[sflag:s6] =	ssyncadd.s32 $0xFFFFE790  }
0x51: {  	[spmem:s24] =	stream.linear.scatter [tilespmem:s2], [sflag:$0x2], $0x1870, $0x38;
	[tilespmem:$0x13C00] =	vst v63  }
0x52: {  	_ =	swait.ge [sflag:s6], $0x1870  }
0x53: {  	[sflag:s6] =	ssyncset.done $0x0  }
0x54: {  	[sflag:s6] =	ssyncadd.s32 $0xFFFFE790  }
0x55: {  	s28 =	sadd.s32 $0x0, s31;
	[bflag:$0x0] =	sbarrier.arrive $0xFFFF  }
0x56: {  	[tilespmem:s10], [sflag:$0x2] =	stream.linear.gather [hbm4b:s28+s10], $0xFA0, $0x38;
	[tilespmem:$0x13C00] =	vst v63  }
0x57: {  	_ =	swait.ge [sflag:s6], $0xFA0  }
0x58: {  	[sflag:s6] =	ssyncset.done $0x0  }
0x59: {  	s29 =	sadd.s32 $0x0, s21;
	[sflag:s6] =	ssyncadd.s32 $0xFFFFF060  }
0x5a: {  	[tilespmem:s11], [sflag:$0x2] =	stream.linear.gather [hbm4b:s29+s10], $0xFA0, $0x38;
	[tilespmem:$0x13C00] =	vst v63  }
0x5b: {  	_ =	swait.ge [sflag:s6], $0xFA0  }
0x5c: {  	[sflag:s6] =	ssyncset.done $0x0  }
0x5d: {  	[sflag:s6] =	ssyncadd.s32 $0xFFFFF060  }
0x5e: {  	[tilespmem:s13], [sflag:$0x1] =	stream.indirect.gather [spmem:s0], $0x1, s10, s12, $0xb8;
	[tilespmem:$0x13C00] =	vst v63  }
0x5f: {  	_ = 	snop  }
0x60: {  	[tilespmem:s14], [sflag:$0x1] =	stream.indirect.gather [spmem:s1], $0x1, s10, s12, $0xb8;
	[tilespmem:$0x13C00] =	vst v63  }
0x61: {  	_ = 	snop  }
0x62: {  	[tilespmem:s15], [sflag:$0x1] =	stream.indirect.gather [spmem:s3], $0x1, s10, s12, $0xb8;
	[tilespmem:$0x13C00] =	vst v63  }
0x63: {  	_ = 	snop  }
0x64: {  	[tilespmem:s16], [sflag:$0x1] =	stream.indirect.gather [spmem:s4], $0x1, s10, s12, $0xb8;
	[tilespmem:$0x13C00] =	vst v63  }
0x65: {  	_ =	swait.ge [sflag:s17], $0xFA0  }
0x66: {  	[sflag:s17] =	ssyncset.done $0x0  }
0x67: {  	[sflag:s17] =	ssyncadd.s32 $0xFFFFF060  }
0x68: {  	_ =	swait.ge [sflag:s17], $0xFA0  }
0x69: {  	[sflag:s17] =	ssyncset.done $0x0  }
0x6a: {  	[sflag:s17] =	ssyncadd.s32 $0xFFFFF060  }
0x6b: {  	_ =	swait.ge [sflag:s17], $0xFA0  }
0x6c: {  	[sflag:s17] =	ssyncset.done $0x0  }
0x6d: {  	[sflag:s17] =	ssyncadd.s32 $0xFFFFF060  }
0x6e: {  	_ =	swait.ge [sflag:s17], $0xFA0  }
0x6f: {  	[sflag:s17] =	ssyncset.done $0x0  }
0x70: {  	[sflag:s17] =	ssyncadd.s32 $0xFFFFF060  }
0x71: {  	[spmem:s5] =	stream.indirect.scatter.add.f32 [tilespmem:s13], [sflag:$0x1], $0x1, s11, s12, $0xb8;
	[tilespmem:$0x13C00] =	vst v63  }
0x72: {  	_ = 	snop  }
0x73: {  	[spmem:s7] =	stream.indirect.scatter.add.f32 [tilespmem:s14], [sflag:$0x1], $0x1, s11, s12, $0xb8;
	[tilespmem:$0x13C00] =	vst v63  }
0x74: {  	_ = 	snop  }
0x75: {  	[spmem:s8] =	stream.indirect.scatter.add.f32 [tilespmem:s15], [sflag:$0x1], $0x1, s11, s12, $0xb8;
	[tilespmem:$0x13C00] =	vst v63  }
0x76: {  	_ = 	snop  }
0x77: {  	[spmem:s9] =	stream.indirect.scatter.add.f32 [tilespmem:s16], [sflag:$0x1], $0x1, s11, s12, $0xb8;
	[tilespmem:$0x13C00] =	vst v63  }
0x78: {  	_ =	swait.ge [sflag:s17], $0xFA0  }
0x79: {  	[sflag:s17] =	ssyncset.done $0x0  }
0x7a: {  	[sflag:s17] =	ssyncadd.s32 $0xFFFFF060  }
0x7b: {  	_ =	swait.ge [sflag:s17], $0xFA0  }
0x7c: {  	[sflag:s17] =	ssyncset.done $0x0  }
0x7d: {  	[sflag:s17] =	ssyncadd.s32 $0xFFFFF060  }
0x7e: {  	_ =	swait.ge [sflag:s17], $0xFA0  }
0x7f: {  	[sflag:s17] =	ssyncset.done $0x0  }
0x80: {  	[sflag:s17] =	ssyncadd.s32 $0xFFFFF060  }
0x81: {  	_ =	swait.ge [sflag:s17], $0xFA0  }
0x82: {  	s19 =	simm.s32 $0x1F4;
	s25 =	simm.s32 $0x3E8;
	[sflag:s17] =	ssyncset.done $0x0  }
.LBB2_2:
0x83: {  	s28 =	sadd.s32 s19, s31  }
0x84: {  	[sflag:s17] =	ssyncadd.s32 $0xFFFFF060;
	s29 =	smov.u32 s25;
	s26 =	sadd.s32 $0x1F4, s25  }
0x85: {  	[tilespmem:s10], [sflag:$0x2] =	stream.linear.gather [hbm4b:s28+s10], $0xFA0, $0x38;
	[tilespmem:$0x13C00] =	vst v63  }
0x86: {  	p0 =	sne.s32 s25, $0x2EE0;
	_ =	swait.ge [sflag:s6], $0xFA0  }
0x87: {  	[sflag:s6] =	ssyncset.done $0x0  }
0x88: {  	s25 =	sadd.s32 s19, s21;
	s19 =	smov.u32 s29;
	[sflag:s6] =	ssyncadd.s32 $0xFFFFF060  }
0x89: {  	[tilespmem:s11], [sflag:$0x2] =	stream.linear.gather [hbm4b:s25+s10], $0xFA0, $0x38;
	[tilespmem:$0x13C00] =	vst v63  }
0x8a: {  	_ =	swait.ge [sflag:s6], $0xFA0  }
0x8b: {  	[sflag:s6] =	ssyncset.done $0x0  }
0x8c: {  	[sflag:s6] =	ssyncadd.s32 $0xFFFFF060  }
0x8d: {  	[tilespmem:s13], [sflag:$0x1] =	stream.indirect.gather [spmem:s0], $0x1, s10, s12, $0xb8;
	[tilespmem:$0x13C00] =	vst v63  }
0x8e: {  	_ = 	snop  }
0x8f: {  	[tilespmem:s14], [sflag:$0x1] =	stream.indirect.gather [spmem:s1], $0x1, s10, s12, $0xb8;
	[tilespmem:$0x13C00] =	vst v63  }
0x90: {  	_ = 	snop  }
0x91: {  	[tilespmem:s15], [sflag:$0x1] =	stream.indirect.gather [spmem:s3], $0x1, s10, s12, $0xb8;
	[tilespmem:$0x13C00] =	vst v63  }
0x92: {  	_ = 	snop  }
0x93: {  	[tilespmem:s16], [sflag:$0x1] =	stream.indirect.gather [spmem:s4], $0x1, s10, s12, $0xb8;
	[tilespmem:$0x13C00] =	vst v63  }
0x94: {  	_ =	swait.ge [sflag:s17], $0xFA0  }
0x95: {  	[sflag:s17] =	ssyncset.done $0x0  }
0x96: {  	[sflag:s17] =	ssyncadd.s32 $0xFFFFF060  }
0x97: {  	_ =	swait.ge [sflag:s17], $0xFA0  }
0x98: {  	[sflag:s17] =	ssyncset.done $0x0  }
0x99: {  	[sflag:s17] =	ssyncadd.s32 $0xFFFFF060  }
0x9a: {  	_ =	swait.ge [sflag:s17], $0xFA0  }
0x9b: {  	[sflag:s17] =	ssyncset.done $0x0  }
0x9c: {  	[sflag:s17] =	ssyncadd.s32 $0xFFFFF060  }
0x9d: {  	_ =	swait.ge [sflag:s17], $0xFA0  }
0x9e: {  	[sflag:s17] =	ssyncset.done $0x0  }
0x9f: {  	[sflag:s17] =	ssyncadd.s32 $0xFFFFF060  }
0xa0: {  	[spmem:s5] =	stream.indirect.scatter.add.f32 [tilespmem:s13], [sflag:$0x1], $0x1, s11, s12, $0xb8;
	[tilespmem:$0x13C00] =	vst v63  }
0xa1: {  	_ = 	snop  }
0xa2: {  	[spmem:s7] =	stream.indirect.scatter.add.f32 [tilespmem:s14], [sflag:$0x1], $0x1, s11, s12, $0xb8;
	[tilespmem:$0x13C00] =	vst v63  }
0xa3: {  	_ = 	snop  }
0xa4: {  	[spmem:s8] =	stream.indirect.scatter.add.f32 [tilespmem:s15], [sflag:$0x1], $0x1, s11, s12, $0xb8;
	[tilespmem:$0x13C00] =	vst v63  }
0xa5: {  	_ = 	snop  }
0xa6: {  	[spmem:s9] =	stream.indirect.scatter.add.f32 [tilespmem:s16], [sflag:$0x1], $0x1, s11, s12, $0xb8;
	[tilespmem:$0x13C00] =	vst v63  }
0xa7: {  	_ =	swait.ge [sflag:s17], $0xFA0  }
0xa8: {  	[sflag:s17] =	ssyncset.done $0x0  }
0xa9: {  	[sflag:s17] =	ssyncadd.s32 $0xFFFFF060  }
0xaa: {  	_ =	swait.ge [sflag:s17], $0xFA0  }
0xab: {  	[sflag:s17] =	ssyncset.done $0x0  }
0xac: {  	[sflag:s17] =	ssyncadd.s32 $0xFFFFF060  }
.Ltmp0:
0xad: {  	_ =	swait.ge [sflag:s17], $0xFA0;
	(pc) =	sbr.rel @p0 .LBB2_2-.Ltmp0, $4  }
0xae: {  	[sflag:s17] =	ssyncset.done $0x0  }
0xaf: {  	[sflag:s17] =	ssyncadd.s32 $0xFFFFF060  }
0xb0: {  	_ =	swait.ge [sflag:s17], $0xFA0  }
0xb1: {  	s25 =	smov.u32 s26;
	[sflag:s17] =	ssyncset.done $0x0  }
0xb2: {  	s25 =	sadd.s32 s19, s31;
	[sflag:s17] =	ssyncadd.s32 $0xFFFFF060  }
0xb3: {  	[tilespmem:s10], [sflag:$0x2] =	stream.linear.gather [hbm4b:s25+s10], $0xFA0, $0x38;
	[tilespmem:$0x13C00] =	vst v63  }
0xb4: {  	_ =	swait.ge [sflag:s6], $0xFA0  }
0xb5: {  	[sflag:s6] =	ssyncset.done $0x0  }
0xb6: {  	s29 =	sadd.s32 s19, s21;
	[sflag:s6] =	ssyncadd.s32 $0xFFFFF060  }
0xb7: {  	[tilespmem:s11], [sflag:$0x2] =	stream.linear.gather [hbm4b:s29+s10], $0xFA0, $0x38;
	[tilespmem:$0x13C00] =	vst v63  }
0xb8: {  	_ =	swait.ge [sflag:s6], $0xFA0  }
0xb9: {  	[sflag:s6] =	ssyncset.done $0x0  }
0xba: {  	[sflag:s6] =	ssyncadd.s32 $0xFFFFF060  }
0xbb: {  	[tilespmem:s13], [sflag:$0x1] =	stream.indirect.gather [spmem:s0], $0x1, s10, s12, $0xb8;
	[tilespmem:$0x13C00] =	vst v63  }
0xbc: {  	_ = 	snop  }
0xbd: {  	[tilespmem:s14], [sflag:$0x1] =	stream.indirect.gather [spmem:s1], $0x1, s10, s12, $0xb8;
	[tilespmem:$0x13C00] =	vst v63  }
0xbe: {  	_ = 	snop  }
0xbf: {  	[tilespmem:s15], [sflag:$0x1] =	stream.indirect.gather [spmem:s3], $0x1, s10, s12, $0xb8;
	[tilespmem:$0x13C00] =	vst v63  }
0xc0: {  	_ = 	snop  }
0xc1: {  	[tilespmem:s16], [sflag:$0x1] =	stream.indirect.gather [spmem:s4], $0x1, s10, s12, $0xb8;
	[tilespmem:$0x13C00] =	vst v63  }
0xc2: {  	_ =	swait.ge [sflag:s17], $0xFA0  }
0xc3: {  	[sflag:s17] =	ssyncset.done $0x0  }
0xc4: {  	[sflag:s17] =	ssyncadd.s32 $0xFFFFF060  }
0xc5: {  	_ =	swait.ge [sflag:s17], $0xFA0  }
0xc6: {  	[sflag:s17] =	ssyncset.done $0x0  }
0xc7: {  	[sflag:s17] =	ssyncadd.s32 $0xFFFFF060  }
0xc8: {  	_ =	swait.ge [sflag:s17], $0xFA0  }
0xc9: {  	[sflag:s17] =	ssyncset.done $0x0  }
0xca: {  	[sflag:s17] =	ssyncadd.s32 $0xFFFFF060  }
0xcb: {  	_ =	swait.ge [sflag:s17], $0xFA0  }
0xcc: {  	[sflag:s17] =	ssyncset.done $0x0  }
0xcd: {  	[sflag:s17] =	ssyncadd.s32 $0xFFFFF060  }
0xce: {  	[spmem:s5] =	stream.indirect.scatter.add.f32 [tilespmem:s13], [sflag:$0x1], $0x1, s11, s12, $0xb8;
	[tilespmem:$0x13C00] =	vst v63  }
0xcf: {  	_ = 	snop  }
0xd0: {  	[spmem:s7] =	stream.indirect.scatter.add.f32 [tilespmem:s14], [sflag:$0x1], $0x1, s11, s12, $0xb8;
	[tilespmem:$0x13C00] =	vst v63  }
0xd1: {  	_ = 	snop  }
0xd2: {  	[spmem:s8] =	stream.indirect.scatter.add.f32 [tilespmem:s15], [sflag:$0x1], $0x1, s11, s12, $0xb8;
	[tilespmem:$0x13C00] =	vst v63  }
0xd3: {  	_ = 	snop  }
0xd4: {  	[spmem:s9] =	stream.indirect.scatter.add.f32 [tilespmem:s16], [sflag:$0x1], $0x1, s11, s12, $0xb8;
	[tilespmem:$0x13C00] =	vst v63  }
0xd5: {  	_ =	swait.ge [sflag:s17], $0xFA0  }
0xd6: {  	[sflag:s17] =	ssyncset.done $0x0  }
0xd7: {  	[sflag:s17] =	ssyncadd.s32 $0xFFFFF060  }
0xd8: {  	_ =	swait.ge [sflag:s17], $0xFA0  }
0xd9: {  	[sflag:s17] =	ssyncset.done $0x0  }
0xda: {  	[sflag:s17] =	ssyncadd.s32 $0xFFFFF060  }
0xdb: {  	_ =	swait.ge [sflag:s17], $0xFA0  }
0xdc: {  	[sflag:s17] =	ssyncset.done $0x0  }
0xdd: {  	[sflag:s17] =	ssyncadd.s32 $0xFFFFF060  }
0xde: {  	_ =	swait.ge [sflag:s17], $0xFA0  }
0xdf: {  	[sflag:s17] =	ssyncset.done $0x0  }
0xe0: {  	[sflag:s17] =	ssyncadd.s32 $0xFFFFF060  }
0xe1: {  	[bflag:$0x0] =	sbarrier.arrive $0xFFFF  }
0xe2: {  	[tilespmem:s2], [sflag:$0x2] =	stream.linear.gather [spmem:s20], $0x1870, $0x38;
	[tilespmem:$0x13C00] =	vst v63  }
0xe3: {  	_ =	swait.ge [sflag:s6], $0x1870  }
0xe4: {  	[sflag:s6] =	ssyncset.done $0x0  }
0xe5: {  	s25 =	rddreg [dreg:$0x14];
	[sflag:s6] =	ssyncadd.s32 $0xFFFFE790  }
0xe6: {  	[hbm4b:s25+s10] =	stream.linear.scatter [tilespmem:s2], [sflag:$0x2], $0x1870, $0x38;
	[tilespmem:$0x13C00] =	vst v63  }
0xe7: {  	_ =	swait.ge [sflag:s6], $0x1870  }
0xe8: {  	[sflag:s6] =	ssyncset.done $0x0  }
0xe9: {  	[sflag:s6] =	ssyncadd.s32 $0xFFFFE790  }
0xea: {  	[tilespmem:s2], [sflag:$0x2] =	stream.linear.gather [spmem:s22], $0x1870, $0x38;
	[tilespmem:$0x13C00] =	vst v63  }
0xeb: {  	_ =	swait.ge [sflag:s6], $0x1870  }
0xec: {  	[sflag:s6] =	ssyncset.done $0x0  }
0xed: {  	s26 =	rddreg [dreg:$0x15];
	[sflag:s6] =	ssyncadd.s32 $0xFFFFE790  }
0xee: {  	[hbm4b:s26+s10] =	stream.linear.scatter [tilespmem:s2], [sflag:$0x2], $0x1870, $0x38;
	[tilespmem:$0x13C00] =	vst v63  }
0xef: {  	_ =	swait.ge [sflag:s6], $0x1870  }
0xf0: {  	[sflag:s6] =	ssyncset.done $0x0  }
0xf1: {  	[sflag:s6] =	ssyncadd.s32 $0xFFFFE790  }
0xf2: {  	[tilespmem:s2], [sflag:$0x2] =	stream.linear.gather [spmem:s23], $0x1870, $0x38;
	[tilespmem:$0x13C00] =	vst v63  }
0xf3: {  	_ =	swait.ge [sflag:s6], $0x1870  }
0xf4: {  	[sflag:s6] =	ssyncset.done $0x0  }
0xf5: {  	s28 =	rddreg [dreg:$0x16];
	[sflag:s6] =	ssyncadd.s32 $0xFFFFE790  }
0xf6: {  	[hbm4b:s28+s10] =	stream.linear.scatter [tilespmem:s2], [sflag:$0x2], $0x1870, $0x38;
	[tilespmem:$0x13C00] =	vst v63  }
0xf7: {  	_ =	swait.ge [sflag:s6], $0x1870  }
0xf8: {  	[sflag:s6] =	ssyncset.done $0x0  }
0xf9: {  	[sflag:s6] =	ssyncadd.s32 $0xFFFFE790  }
0xfa: {  	[tilespmem:s2], [sflag:$0x2] =	stream.linear.gather [spmem:s24], $0x1870, $0x38;
	[tilespmem:$0x13C00] =	vst v63  }
0xfb: {  	s18 =	sadd.s32 $0x1, s18;
	_ =	swait.ge [sflag:s6], $0x1870  }
0xfc: {  	p0 =	sne.s32 s18, s30;
	[sflag:s6] =	ssyncset.done $0x0  }
.Ltmp1:
0xfd: {  	s29 =	rddreg [dreg:$0x17];
	[sflag:s6] =	ssyncadd.s32 $0xFFFFE790;
	(pc) =	sbr.rel @p0 .LBB2_1-.Ltmp1, $4  }
0xfe: {  	[hbm4b:s29+s10] =	stream.linear.scatter [tilespmem:s2], [sflag:$0x2], $0x1870, $0x38;
	[tilespmem:$0x13C00] =	vst v63  }
0xff: {  	_ =	swait.ge [sflag:s6], $0x1870  }
0x100: {  	[sflag:s6] =	ssyncset.done $0x0  }
0x101: {  	[sflag:s6] =	ssyncadd.s32 $0xFFFFE790  }
0x102: {  	_ =	sfence.sel $0x180000  }
0x103: {  	[bflag:$0x0] =	sbarrier.arrive $0xFFFF  }
0x104: {  	_ =	strace $0x9000004A  }
0x105: {  	s0 =	stileid.u32;
	[bflag:$0x2] =	sbarrier.arrive $0xFFFF  }
0x106: {  	p0 =	sne.s32 s0, $0x0;
	s0 =	rddreg [dreg:$0xa]  }
0x107: {  	s0 =	sadd.s32 @!p0 $0x100000, s0  }
0x108: {  	[sflag:s0] =	ssyncadd.tile.s32 @!p0 $0x1;
	_ =	shalt  }
.Lfunc_end2:
_tile_overlayer_lowered:
.L_overlay_start_2:
0x109: {  	(tag) =	ssettag $0x2  }
0x10a: {  	s0 =	rddreg [dreg:$0x0];
	s2 =	stileid.u32  }
0x10b: {  	s1 =	rddreg [dreg:$0x1];
	p0 =	sne.s32 s2, $0x0  }
0x10c: {  	s3 =	rddreg [dreg:$0x2];
	[bflag:$0x3] =	sbarrier.arrive $0xFFFF;
	s2 =	simm.s32 @!p0 $0x1C02  }
0x10d: {  	[timem:s3], [sflag:s2] =	dma.local @!p0 [hbm:s0], s1  }
0x10e: {  	s0 =	simm.s32 @!p0 $0x2  }
0x10f: {  	_ =	swait.ge @!p0 [sflag:s0], s1  }
0x110: {  	s1 =	ssub.s32 @!p0 $0x0, s1;
	[sflag:s0] =	ssyncset.done @!p0 $0x0  }
0x111: {  	[sflag:s0] =	ssyncadd.s32 @!p0 s1  }
0x112: {  	[bflag:$0x3] =	sbarrier.arrive $0xFFFF  }
0x113: {  	_ =	shalt  }

// kernel: kernel.18.cloned.1.call-start
scs
__scs_entry_jumppad:
0x0: {  	(pc) =	sbr.rel $0x88, $3  }
0x1: {  	(tag) =	ssettag $0x0;
	lr =	simm.s32 $0x1  }
0x2: {  	[smem:$0x3F94] =	sst lr;
	_ =	strace $0xD0000000  }
0x3: {  	_ = 	snop  }
0x4: {  	_ = 	snop  }
0x5: {  	_ = 	snop  }
0x6: {  	_ = 	snop  }
0x7: {  	_ = 	snop  }
__scs_overlays_trampoline_lowered:
0x8: {  	[smem:$0x3FA3] =	sst s0  }
0x9: {  	[smem:$0x3FA4] =	sst s1  }
0xa: {  	[smem:$0x3FA5] =	sst s2  }
0xb: {  	[smem:$0x3FA6] =	sst s3  }
0xc: {  	[smem:$0x3FA7] =	sst s4  }
0xd: {  	[smem:$0x3FA8] =	sst s5  }
0xe: {  	[smem:$0x3FA9] =	sst s6  }
0xf: {  	[smem:$0x3FAA] =	sst s7  }
0x10: {  	[smem:$0x3FAB] =	sst s8  }
0x11: {  	[smem:$0x3FAC] =	sst s9;
	s0 =	simm.s32 @!p0 $0x0  }
0x12: {  	s1 =	sld [smem:$0x3F92];
	s0 =	simm.s32 @p0 $0x1  }
0x13: {  	[smem:$0x3FAD] =	sst s0;
	s0 =	simm.s32 @!p1 $0x0  }
0x14: {  	s2 =	sld [smem:$0x3F91];
	s0 =	simm.s32 @p1 $0x1  }
0x15: {  	[smem:$0x3FAE] =	sst s0;
	s0 =	simm.s32 @!p2 $0x0  }
0x16: {  	s3 =	sld [smem:$0x3FDB];
	s0 =	simm.s32 @p2 $0x1  }
0x17: {  	s4 =	simm.s32 $0x1BF5;
	[smem:$0x3FB0] =	sst s0  }
0x18: {  	s0 =	sld [smem:$0x3F93];
	_ =	swait.ge [sflag:s4], $0x0  }
0x19: {  	s7 =	sld [smem:$0x3F94]  }
0x1a: {  	s8 =	sadd.s32 $0xFFFFE003, lr  }
0x1b: {  	s9 =	sadd.s32 $0xFFFFFEF7, lr;
	s5 =	simm.s32 $0xFFFFFFFF;
	p2 =	slt.u32 s8, $0xFFFFF086  }
0x1c: {  	p1 =	slt.u32 s9, $0xF7A;
	s5 =	simm.s32 @!p2 $0x0  }
0x1d: {  	s5 =	simm.s32 @p1 $0x1;
	p0 =	seq.s32 s7, s2  }
0x1e: {  	s7 =	smul.u32 @!p0 $0xF7A, s2;
	p2 =	seq.s32 @!p0 s5, $0x0  }
0x1f: {  	s9 =	smul.u32 $0xF7A, s1;
	s8 =	simm.s32 @!p0 $0x1BF5;
	p2 =	por !p2, p0  }
0x20: {  	[sflag:s8] =	ssyncset.s32 @!p0 $0xFFFFF086;
	s6 =	sadd.s32 @!p0 s3, s7;
	s7 =	simm.s32 @!p0 $0x108  }
0x21: {  	s3 =	sadd.s32 s3, s9;
	s6 =	sadd.s32 @!p0 $0x88, s6;
	s7 =	simm.s32 @p2 $0x1082  }
0x22: {  	[simem:s7], [sflag:s8] =	dma.local @!p0 [hbm:s6], $0xF7A  }
0x23: {  	s9 =	sor.u32 $0xD0000000, s2;
	s6 =	simm.s32 $0x108;
	_ =	swait.ge @!p0 [sflag:s8], $0x0  }
0x24: {  	s3 =	sadd.s32 $0x88, s3;
	s6 =	simm.s32 @!p1 $0x1082;
	[sflag:s4] =	ssyncset.s32 $0xFFFFF086  }
0x25: {  	[simem:s6], [sflag:s4] =	dma.local [hbm:s3], $0xF7A  }
0x26: {  	[smem:$0x3F94] =	sst s1;
	(tag) =	ssettag s2;
	_ =	strace s9  }
0x27: {  	s1 =	sld [smem:$0x3FA4]  }
0x28: {  	s2 =	sld [smem:$0x3FA5]  }
0x29: {  	s4 =	sld [smem:$0x3FA7]  }
0x2a: {  	p0 =	seq.s32 s5, $0x0;
	s5 =	sld [smem:$0x3FA8]  }
0x2b: {  	s6 =	sld [smem:$0x3FA9]  }
0x2c: {  	s7 =	sld [smem:$0x3FAA]  }
0x2d: {  	s3 =	simm.s32 $0x108;
	s8 =	sld [smem:$0x3FAB]  }
0x2e: {  	s3 =	simm.s32 @!p0 $0x1082;
	s9 =	sld [smem:$0x3FAC]  }
0x2f: {  	lr =	sadd.s32 s0, s3;
	s0 =	sld [smem:$0x3FA3]  }
0x30: {  	s3 =	sld [smem:$0x3FA6]  }
0x31: {  	[smem:$0x3FAF] =	sst s10  }
0x32: {  	s10 =	sld [smem:$0x3FAD];
	_ =	sdelay $0x3  }
0x33: {  	p0 =	seq.s32 s10, $0x1;
	s10 =	sld [smem:$0x3FAF];
	_ =	sdelay $0x3  }
0x34: {  	[smem:$0x3FAF] =	sst s10  }
0x35: {  	s10 =	sld [smem:$0x3FAE];
	_ =	sdelay $0x3  }
0x36: {  	p1 =	seq.s32 s10, $0x1;
	s10 =	sld [smem:$0x3FAF];
	_ =	sdelay $0x3  }
0x37: {  	[smem:$0x3FAF] =	sst s10  }
0x38: {  	s10 =	sld [smem:$0x3FB0]  }
0x39: {  	_ = 	snop;
	(pc) =	sbr.ind lr, $3  }
0x3a: {  	_ = 	snop  }
0x3b: {  	_ = 	snop  }
0x3c: {  	p2 =	seq.s32 s10, $0x1;
	s10 =	sld [smem:$0x3FAF]  }
0x3d: {  	_ =	shalt  }
0x3e: {  	_ =	shalt  }
0x3f: {  	_ =	shalt  }
0x40: {  	_ =	shalt  }
0x41: {  	_ =	shalt  }
0x42: {  	_ =	shalt  }
0x43: {  	_ =	shalt  }
0x44: {  	_ =	shalt  }
0x45: {  	_ =	shalt  }
0x46: {  	_ =	shalt  }
0x47: {  	_ =	shalt  }
0x48: {  	_ =	shalt  }
0x49: {  	_ =	shalt  }
0x4a: {  	_ =	shalt  }
0x4b: {  	_ =	shalt  }
0x4c: {  	_ =	shalt  }
0x4d: {  	_ =	shalt  }
0x4e: {  	_ =	shalt  }
0x4f: {  	_ =	shalt  }
0x50: {  	_ =	shalt  }
0x51: {  	_ =	shalt  }
0x52: {  	_ =	shalt  }
0x53: {  	_ =	shalt  }
0x54: {  	_ =	shalt  }
0x55: {  	_ =	shalt  }
0x56: {  	_ =	shalt  }
0x57: {  	_ =	shalt  }
0x58: {  	_ =	shalt  }
0x59: {  	_ =	shalt  }
0x5a: {  	_ =	shalt  }
0x5b: {  	_ =	shalt  }
0x5c: {  	_ =	shalt  }
0x5d: {  	_ =	shalt  }
0x5e: {  	_ =	shalt  }
0x5f: {  	_ =	shalt  }
0x60: {  	_ =	shalt  }
0x61: {  	_ =	shalt  }
0x62: {  	_ =	shalt  }
0x63: {  	_ =	shalt  }
0x64: {  	_ =	shalt  }
0x65: {  	_ =	shalt  }
0x66: {  	_ =	shalt  }
0x67: {  	_ =	shalt  }
0x68: {  	_ =	shalt  }
0x69: {  	_ =	shalt  }
0x6a: {  	_ =	shalt  }
0x6b: {  	_ =	shalt  }
0x6c: {  	_ =	shalt  }
0x6d: {  	_ =	shalt  }
0x6e: {  	_ =	shalt  }
0x6f: {  	_ =	shalt  }
0x70: {  	_ =	shalt  }
0x71: {  	_ =	shalt  }
0x72: {  	_ =	shalt  }
0x73: {  	_ =	shalt  }
0x74: {  	_ =	shalt  }
0x75: {  	_ =	shalt  }
0x76: {  	_ =	shalt  }
0x77: {  	_ =	shalt  }
0x78: {  	_ =	shalt  }
0x79: {  	_ =	shalt  }
0x7a: {  	_ =	shalt  }
0x7b: {  	_ =	shalt  }
0x7c: {  	_ =	shalt  }
0x7d: {  	_ =	shalt  }
0x7e: {  	_ =	shalt  }
0x7f: {  	_ =	shalt  }
0x80: {  	_ =	shalt  }
0x81: {  	_ =	shalt  }
0x82: {  	_ =	shalt  }
0x83: {  	_ =	shalt  }
0x84: {  	_ =	shalt  }
0x85: {  	_ =	shalt  }
0x86: {  	_ =	shalt  }
0x87: {  	_ =	shalt  }
.Lfunc_end0:
.L_simem_size_0:
called_computation.2_lowered:
.L_overlay_start_0:
0x88: {  	s2 =	sld [smem:$0x3FD9]  }
0x89: {  	s3 =	sld [smem:$0x3FFE];
	_ =	sdelay $0x1  }
0x8a: {  	s1 =	srdreg.scid  }
0x8b: {  	s0 =	sand.u32 $0x1, s1  }
0x8c: {  	s14 =	sshll.u32 s0, $0xA;
	s2 =	sadd.s32 s3, s2  }
0x8d: {  	s2 =	sadd.s32 s2, s14  }
0x8e: {  	[smem:$0x3FBB] =	sst s2  }
0x8f: {  	_ = 	snop  }
0x90: {  	s2 =	sld [smem:$0x3FD0];
	_ =	sdelay $0x2  }
0x91: {  	s15 =	simm.s32 $0xA;
	s4 =	simm.s32 $0x10  }
0x92: {  	[smem:s4], [sflag:s15] =	dma.local [hbm:s2], $0x1  }
0x93: {  	_ =	swait.eq [sflag:s15], $0x1  }
0x94: {  	[sflag:s15] =	ssyncset.done $0x0  }
0x95: {  	[sflag:s15] =	ssyncadd.s32 $0xFFFFFFFF  }
0x96: {  	s16 =	sld [smem:$0x10];
	(tm) =	ssettm $0x1  }
0x97: {  	s17 =	sld [smem:$0x3FFB];
	_ =	sdelay $0x3  }
0x98: {  	_ =	strace s17  }
0x99: {  	s3 =	sld [smem:$0x3FFC];
	_ =	sdelay $0x3  }
0x9a: {  	_ =	strace s3  }
0x9b: {  	s3 =	sld [smem:$0x3FFD];
	_ =	sdelay $0x3  }
0x9c: {  	_ =	strace s3  }
0x9d: {  	_ =	strace $0x8FFFFFFF  }
0x9e: {  	s18 =	sld [smem:$0x3FDB];
	_ =	sdelay $0x1  }
0x9f: {  	s19 =	simm.s32 $_scs_section_size  }
0xa0: {  	s5 =	simm.s32 $_size__tile_overlayer_lowered;
	s6 =	simm.s32 $_tile_overlayer_lowered  }
0xa1: {  	s22 =	simm.s32 $0x1BFF;
	s21 =	sshll.u32 s6, $0x1;
	s3 =	sadd.s32 s19, s18  }
0xa2: {  	s7 =	simm.s32 $0x0;
	s20 =	sshll.u32 s5, $0x1;
	s5 =	sadd.s32 s21, s3  }
0xa3: {  	[timem:s7], [sflag:s22] =	dma.local [hbm:s5], s20  }
0xa4: {  	_ =	swait.ge [sflag:s22], s20  }
0xa5: {  	s4 =	ssub.s32 $0x0, s20;
	[sflag:s22] =	ssyncset.done $0x0  }
0xa6: {  	[sflag:s22] =	ssyncadd.s32 s4;
	_ =	sdelay $0x1  }
0xa7: {  	s23 =	simm.s32 $0x1B8B  }
0xa8: {  	_ =	swait.ge [sflag:s23], $0x1  }
0xa9: {  	[sflag:s23] =	ssyncset.done $0x0  }
0xaa: {  	s25 =	simm.s32 $0x1B8E;
	s24 =	sld [smem:$0x3FFE];
	[sflag:s23] =	ssyncadd.s32 $0xFFFFFFFF  }
0xab: {  	s26 =	simm.s32 $execute0_lowered;
	[smem:$0x3FD2] =	sst s25  }
0xac: {  	s5 =	sshll.u32 s26, $0x1;
	_ =	strace $0x8000004C;
	[dreg:$0x1] =	wrdreg $0xFFFFFFFF  }
0xad: {  	s28 =	simm.s32 $_size_execute0_lowered;
	s3 =	sadd.s32 s3, s5;
	[dreg:$0x0] =	wrdreg $0x0  }
0xae: {  	s5 =	sshll.u32 s28, $0x1;
	[dreg:$0x2] =	wrdreg s3  }
0xaf: {  	[dreg:$0x3] =	wrdreg s5  }
0xb0: {  	[dreg:$0x4] =	wrdreg $0xC0  }
0xb1: {  	_ =	task [dreg:s7], $0x5FFFF  }
0xb2: {  	[dreg:$0x1] =	wrdreg $0xFFFFFFFF  }
0xb3: {  	[dreg:$0x0] =	wrdreg $0x60  }
0xb4: {  	[dreg:$0x2] =	wrdreg s24  }
0xb5: {  	[dreg:$0x3] =	wrdreg s16  }
0xb6: {  	[dreg:$0x4] =	wrdreg $0x1D8000  }
0xb7: {  	[dreg:$0x5] =	wrdreg $0x9  }
0xb8: {  	_ =	task.clear_ibuf [dreg:s7], $0x6FFFF;
	_ =	strace $0x9000004C  }
0xb9: {  	s29 =	simm.s32 $0x9;
	_ =	strace $0x8000004E  }
0xba: {  	_ =	swait.ge [sflag:s29], $0x1  }
0xbb: {  	[sflag:s29] =	ssyncadd.s32 $0xFFFFFFFF  }
0xbc: {  	_ =	strace $0x9000004E  }
0xbd: {  	_ =	sfence  }
0xbe: {  	s30 =	sld [smem:$0x0];
	_ =	sdelay $0x2  }
0xbf: {  	s31 =	sshll.u32 s1, $0xD;
	s1 =	sshrl.u32 s1, $0x2  }
0xc0: {  	s3 =	sand.u32 $0x4000, s31;
	s1 =	sadd.s32 s1, s30  }
0xc1: {  	s0 =	sor.u32 s3, s0;
	s1 =	sshll.u32 s1, $0x11  }
0xc2: {  	s0 =	sor.u32 s1, s0  }
0xc3: {  	s0 =	sadd.s32 $0x8F2B, s0  }
0xc4: {  	[sflag:s0] =	ssyncadd.remote.s32 $0x1  }
0xc5: {  	_ =	sfence.sel $0xFFFF  }
0xc6: {  	[dreg:$0x0] =	wrdreg $0xFFFFFFFF;
	(pc) =	sbr.abs _section_cstart, $3  }
0xc7: {  	[dreg:$0x1] =	wrdreg $0xFFFFFFFF  }
0xc8: {  	_ =	task.clear_ibuf [dreg:s7], $0x2FFFF;
	_ =	strace $0x9FFFFFFF  }
0xc9: {  	(tm) =	ssettm $0x7FFFFFFF  }
tec
execute0_lowered:
.L_overlay_start_1:
0x0: {  	(tag) =	ssettag $0x1  }
0x1: {  	v0 =	vimm.f32 $1.500000000e+01;
	vm0 =	vcmask $0x300;
	vm14 =	vcmask $0x704  }
0x2: {  	vm15 =	vcmask $0xB08;
	vm4 =	vcmask $0xF0C;
	vm5 =	vcmask $0x1310  }
0x3: {  	vm6 =	vcmask $0x1714;
	vm7 =	vcmask $0x1B18;
	vm8 =	vcmask $0x1F1C  }
0x4: {  	vm9 =	vcmask $0x2320;
	vm10 =	vcmask $0x2724;
	vm11 =	vcmask $0x2B28  }
0x5: {  	vm12 =	vcmask $0x2F2C;
	vm13 =	vcmask $0x3330;
	v2 =	vimm.s32 $0xFEDCBA9  }
0x6: {  	v4 =	vimm.s32 $0x87654321;
	v5 =	vimm.s32 $0x98765432;
	v6 =	vimm.s32 $0x210FEDCB  }
0x7: {  	v7 =	vimm.s32 $0xA9876543;
	v17 =	vimm.s32 $0xCBA98765;
	v19 =	vimm.s32 $0x6543210F  }
0x8: {  	v20 =	vimm.s32 $0xEDCBA987;
	v21 =	vimm.s32 $0xFEDCBA98;
	v22 =	vimm.s32 $0x76543210  }
0x9: {  	v0 =	vsel vm0, $0x0, v0;
	v3 =	vunpack.c.l.s4.s8 v2;
	v2 =	vimm.f32 $0.0e+00  }
0xa: {  	v5 =	vunpack.c.l.s4.s8 v5;
	v6 =	vunpack.c.l.s4.s8 v6;
	v19 =	vunpack.c.l.s4.s8 v19  }
0xb: {  	v20 =	vunpack.c.l.s4.s8 v20;
	v21 =	vunpack.c.l.s4.s8 v21;
	v0 =	vsel vm14, $0x3F800000, v0  }
0xc: {  	vm14 =	vcmask $0x3734;
	v0 =	vsel vm15, $0x40000000, v0;
	vm15 =	vcmask $0x3B38  }
0xd: {  	v9 =	vunpack.c.0.s8.s32 v3;
	v3 =	vunpack.c.l.s4.s8 v4;
	v4 =	vimm.s32 $0x10FEDCBA  }
0xe: {  	v12 =	vunpack.c.0.s8.s32 v5;
	v13 =	vunpack.c.0.s8.s32 v6;
	v19 =	vunpack.c.0.s8.s32 v19  }
0xf: {  	v20 =	vunpack.c.0.s8.s32 v20;
	v21 =	vunpack.c.0.s8.s32 v21;
	v0 =	vsel vm4, $0x40400000, v0  }
0x10: {  	v4 =	vunpack.c.l.s4.s8 v4;
	v0 =	vsel vm5, $0x40800000, v0;
	v10 =	vunpack.c.0.s8.s32 v3  }
0x11: {  	v3 =	vunpack.c.l.s4.s8 v7;
	v25 =	vcombine.low v20, v19;
	v21 =	vand.u32 $0xF, v21  }
0x12: {  	v0 =	vsel vm6, $0x40A00000, v0;
	v11 =	vunpack.c.0.s8.s32 v4;
	v4 =	vimm.s32 $0x3210FEDC  }
0x13: {  	v0 =	vsel vm7, $0x40C00000, v0;
	v14 =	vunpack.c.0.s8.s32 v3;
	v3 =	vunpack.c.l.s4.s8 v4  }
0x14: {  	v4 =	vimm.s32 $0xBA987654;
	v5 =	vcombine.low v10, v9;
	v63 =	vcombine.low v9, v10  }
0x15: {  	v10 =	vand.u32 $0xF, v25;
	v0 =	vsel vm8, $0x40E00000, v0;
	v6 =	vcombine.low v12, v11  }
0x16: {  	v4 =	vunpack.c.l.s4.s8 v4;
	v12 =	vcombine.low v11, v12;
	v0 =	vsel vm9, $0x41000000, v0  }
0x17: {  	s0 =	rddreg [dreg:$0x0];
	v7 =	vcombine.low v14, v13;
	v15 =	vunpack.c.0.s8.s32 v3;
	v3 =	vimm.s32 $0x43210FED  }
0x18: {  	s9 =	rddreg [dreg:$0x1];
	s2 =	srdreg.scid;
	v13 =	vcombine.low v13, v14;
	v11 =	vand.u32 $0xF, v63;
	v0 =	vsel vm10, $0x41100000, v0  }
0x19: {  	s1 =	stileid.u32;
	s3 =	rddreg [dreg:$0x2];
	v16 =	vunpack.c.0.s8.s32 v4;
	v8 =	vunpack.c.l.s4.s8 v3;
	v3 =	vand.u32 $0xF, v5  }
0x1a: {  	s4 =	simm.s32 $0x0;
	s14 =	simm.s32 $0x2;
	s15 =	simm.s32 $0x1000;
	v4 =	vand.u32 $0xF, v6;
	v6 =	vunpack.c.l.s4.s8 v17;
	v12 =	vand.u32 $0xF, v12  }
0x1b: {  	s16 =	simm.s32 $0xFA0;
	s17 =	simm.s32 $0x2000;
	s18 =	simm.s32 $0x1;
	v1 =	vsel vm11, $0x41200000, v0;
	v0 =	vimm.f32 $-3.399999950e+38;
	v5 =	vand.u32 $0xF, v7  }
0x1c: {  	s19 =	simm.s32 $0x3100;
	s20 =	simm.s32 $0x3000;
	s21 =	simm.s32 $0x3080;
	v13 =	vand.u32 $0xF, v13;
	v1 =	vsel vm12, $0x41300000, v1;
	v7 =	vcombine.low v16, v15  }
0x1d: {  	s22 =	simm.s32 $0x5100;
	s5 =	sand.u32 $0x1, s2;
	s6 =	sshll.u32 s1, $0x1;
	v17 =	vunpack.c.0.s8.s32 v8;
	v18 =	vunpack.c.0.s8.s32 v6;
	v6 =	vimm.s32 $0x543210FE  }
0x1e: {  	s2 =	rddreg [dreg:$0x3];
	s11 =	smul.u32 $0x1870, s1;
	s6 =	sor.u32 s5, s6;
	v8 =	vimm.s32 $0xDCBA9876;
	v14 =	vcombine.low v15, v16;
	v1 =	vsel vm13, $0x41400000, v1  }
0x1f: {  	s23 =	simm.s32 $0x0;
	[smem:$0x7FF] =	sst s4;
	s7 =	smul.u32 $0x30E0, s6;
	v6 =	vunpack.c.l.s4.s8 v6;
	v8 =	vunpack.c.l.s4.s8 v8;
	v1 =	vsel vm14, $0x41500000, v1  }
0x20: {  	s8 =	ssub.s32 $0x2, s5;
	_ =	strace $0x8000004D;
	s6 =	smul.u32 $0x186A0, s6;
	v15 =	vcombine.low v17, v18;
	v14 =	vand.u32 $0xF, v14;
	v1 =	vsel vm15, $0x41600000, v1  }
.Ltmp0:
0x21: {  	s5 =	sadd.s32 $0x61C00, s0;
	s10 =	sshrl.u32 s8, $0x1;
	v23 =	vunpack.c.0.s8.s32 v6;
	v24 =	vunpack.c.0.s8.s32 v8;
	v8 =	vunpack.c.l.s4.s8 v22;
	(pc) =	sbr.rel .LBB2_1-.Ltmp0, $4  }
0x22: {  	s29 =	sshrl.u32 s11, $0x3;
	s30 =	sadd.s32 $0xC38, s11;
	s13 =	ssub.s32 s8, s10;
	v6 =	vand.u32 $0xF, v7;
	v7 =	vcombine.low v18, v17;
	v17 =	vcombine.low v19, v20  }
0x23: {  	s8 =	sadd.s32 s11, s3;
	s31 =	sshrl.u32 s30, $0x3;
	s10 =	sadd.s32 s30, s3;
	v8 =	vunpack.c.0.s8.s32 v8;
	v62 =	vcombine.low v24, v23;
	v16 =	vcombine.low v23, v24  }
0x24: {  	s12 =	sadd.s32 s7, s0;
	s7 =	sadd.s32 s9, s29;
	s9 =	sadd.s32 s9, s31;
	v15 =	vand.u32 $0xF, v15;
	v7 =	vand.u32 $0xF, v7;
	v17 =	vand.u32 $0xF, v17  }
0x25: {  	s11 =	sadd.s32 $0xC3800, s12;
	s12 =	smax.u32 s13, $0x1;
	s13 =	simm.s32 $0x1F070;
	v8 =	vcombine.low v21, v8;
	v9 =	vand.u32 $0xF, v62;
	v16 =	vand.u32 $0xF, v16  }
.LBB2_9:
0x26: {  	s23 =	sadd.s32 $0x1, s23  }
0x27: {  	p0 =	sne.s32 s23, s12  }
.Ltmp1:
0x28: {  	_ = 	snop;
	(pc) =	sbr.rel @!p0 .LBB2_10-.Ltmp1, $4  }
0x29: {  	[hbm4b:s11+s4] =	stream.linear.scatter [tilespmem:s22], [sflag:$0x2], $0x18700, $0x38;
	[tilespmem:$0x1FCF0] =	vst v63  }
0x2a: {  	_ =	swait.ge [sflag:s14], $0x18700  }
0x2b: {  	[sflag:s14] =	ssyncset.done $0x0  }
0x2c: {  	[sflag:s14] =	ssyncadd.s32 $0xFFFE7900  }
.LBB2_1:
0x2d: {  	[tilespmem:s13], [sflag:$0x2] =	stream.linear.gather [hbm4b:s7+s4], $0xC38, $0x38;
	[tilespmem:$0x1FCF0] =	vst v63  }
0x2e: {  	_ =	swait.ge [sflag:s14], $0xC38  }
0x2f: {  	[sflag:s14] =	ssyncset.done $0x0  }
0x30: {  	[sflag:s14] =	ssyncadd.s32 $0xFFFFF3C8  }
0x31: {  	[spmem:s8] =	stream.linear.scatter [tilespmem:s13], [sflag:$0x2], $0xC38, $0x38;
	[tilespmem:$0x1FCF0] =	vst v63  }
0x32: {  	_ =	swait.ge [sflag:s14], $0xC38  }
0x33: {  	[sflag:s14] =	ssyncset.done $0x0  }
0x34: {  	[sflag:s14] =	ssyncadd.s32 $0xFFFFF3C8  }
0x35: {  	[tilespmem:s13], [sflag:$0x2] =	stream.linear.gather [hbm4b:s9+s4], $0xC38, $0x38;
	[tilespmem:$0x1FCF0] =	vst v63  }
0x36: {  	_ =	swait.ge [sflag:s14], $0xC38  }
0x37: {  	[sflag:s14] =	ssyncset.done $0x0  }
0x38: {  	[sflag:s14] =	ssyncadd.s32 $0xFFFFF3C8  }
0x39: {  	[spmem:s10] =	stream.linear.scatter [tilespmem:s13], [sflag:$0x2], $0xC38, $0x38;
	[tilespmem:$0x1FCF0] =	vst v63  }
0x3a: {  	_ =	swait.ge [sflag:s14], $0xC38  }
0x3b: {  	[sflag:s14] =	ssyncset.done $0x0  }
0x3c: {  	[sflag:s14] =	ssyncadd.s32 $0xFFFFF3C8  }
0x3d: {  	s24 =	simm.s32 $0x40;
	s25 =	simm.s32 $0x0;
	[bflag:$0x0] =	sbarrier.arrive $0xFFFF  }
.LBB2_2:
0x3e: {  	p0 =	sne.s32 s24, $0x61BC0;
	[tilespmem:s25+$0x5100] =	vst v0;
	s25 =	smov.u32 s24;
	s24 =	sadd.s32 $0x40, s24  }
.Ltmp2:
0x3f: {  	(pc) =	sbr.rel @p0 .LBB2_2-.Ltmp2, $2  }
0x40: {  	_ =	sdelay $0x2  }
0x41: {  	s25 =	sshra.s32 s25, $0x2  }
.Ltmp3:
0x42: {  	(pc) =	sbr.rel .LBB2_4-.Ltmp3, $2  }
0x43: {  	_ =	sdelay $0x2  }
0x44: {  	[tilespmem:s25+$0x5100] =	vst v0;
	s24 =	simm.s32 $0x0;
	s25 =	simm.s32 $0x0  }
.LBB2_8:
0x45: {  	s25 =	sadd.s32 $0x1, s25  }
0x46: {  	p0 =	sne.s32 s25, $0x19  }
.Ltmp4:
0x47: {  	_ = 	snop;
	(pc) =	sbr.rel @!p0 .LBB2_9-.Ltmp4, $1  }
0x48: {  	_ =	sdelay $0x3  }
.LBB2_4:
0x49: {  	s26 =	smul.u32 $0xFA0, s25;
	_ =	sdelay $0x1  }
0x4a: {  	s26 =	sadd.s32 s6, s26  }
0x4b: {  	s26 =	sshrl.u32 s26, $0x3  }
0x4c: {  	s28 =	sadd.s32 s5, s26  }
0x4d: {  	[tilespmem:s24], [sflag:$0x2] =	stream.linear.gather [hbm4b:s28+s24], $0xFA0, $0x38;
	[tilespmem:$0x1FCF0] =	vst v63  }
0x4e: {  	_ =	swait.ge [sflag:s14], $0xFA0  }
0x4f: {  	[sflag:s14] =	ssyncset.done $0x0  }
0x50: {  	s26 =	sadd.s32 s0, s26;
	[sflag:s14] =	ssyncadd.s32 $0xFFFFF060  }
0x51: {  	[tilespmem:s15], [sflag:$0x2] =	stream.linear.gather [hbm4b:s26+s24], $0xFA0, $0x38;
	[tilespmem:$0x1FCF0] =	vst v63  }
0x52: {  	_ =	swait.ge [sflag:s14], $0xFA0  }
0x53: {  	[sflag:s14] =	ssyncset.done $0x0  }
.Ltmp5:
0x54: {  	[sflag:s14] =	ssyncadd.s32 $0xFFFFF060;
	(pc) =	sbr.rel .LBB2_5-.Ltmp5, $4  }
0x55: {  	[tilespmem:s17], [sflag:$0x1] =	stream.indirect.gather [spmem:s3], $0x1, s24, s16, $0xb8;
	[tilespmem:$0x1FCF0] =	vst v63  }
0x56: {  	_ =	swait.ge [sflag:s18], $0xFA0  }
0x57: {  	[sflag:s18] =	ssyncset.done $0x0  }
0x58: {  	s26 =	simm.s32 $0x0;
	[sflag:s18] =	ssyncadd.s32 $0xFFFFF060  }
.LBB2_7:
0x59: {  	_ =	sdelay $0x3  }
0x5a: {  	v20 =	vld.idx.msk [tilespmem:v18+s22+$0x0], $0xffff;
	s26 =	sadd.s32 $0x40, s26  }
0x5b: {  	p0 =	sne.s32 s26, $0x3E80  }
.Ltmp6:
0x5c: {  	_ = 	snop;
	(pc) =	sbr.rel @!p0 .LBB2_8-.Ltmp6, $3  }
0x5d: {  	_ =	sdelay $0x1  }
0x5e: {  	v19 =	vmax.f32 v20, v19  }
0x5f: {  	[tilespmem:v18+s22+$0x0] =	vst.idx.msk $0xffff, v19  }
.LBB2_5:
0x60: {  	s28 =	sshra.s32 s26, $0x2  }
0x61: {  	v18 =	vld [tilespmem:s28+$0x1000];
	_ =	sdelay $0x4  }
0x62: {  	v20 =	vand.u32 $0x1FFF, v18;
	_ =	sdelay $0x4  }
0x63: {  	v19 =	vld [tilespmem:s28+$0x2000];
	[tilespmem:v20+s19+$0x0] =	vst.idx.msk $0xffff, v1  }
0x64: {  	v20 =	vld.idx.msk [tilespmem:v20+s19+$0x0], $0xffff;
	_ =	sdelay $0x4  }
0x65: {  	vm0 =	vlt.f32 v20, v1;
	vm1 =	vgt.f32 v20, v1  }
0x66: {  	vm0 =	vmor vm1, vm0  }
0x67: {  	v20 =	vsel vm0, $0x3F800000, v2  }
0x68: {  	(xrf0) =	vmax.scan.msk.f32 $0xffff, v20;
	_ =	sdelay $0x5  }
0x69: {  	v20, _, _ =	vpop (xrf0)  }
0x6a: {  	(v2sf) =	vpush v20, $0xF;
	_ =	sdelay $0xe  }
0x6b: {  	s31 =	spop (v2sf)  }
0x6c: {  	p0 =	sgt.f32 s31, $0.0e+00  }
.Ltmp7:
0x6d: {  	_ = 	snop;
	(pc) =	sbr.rel @!p0 .LBB2_7-.Ltmp7, $1  }
0x6e: {  	_ =	sdelay $0x3  }
0x6f: {  	_ = 	snop  }
0x70: {  	v20 =	vcvt.s32.f32 v18  }
0x71: {  	[tilespmem:$0x3080] =	vst v19  }
0x72: {  	[tilespmem:$0x3000] =	vst v20  }
0x73: {  	v21 =	vld.idx.msk [tilespmem:v3+s20+$0x0], $0xffff  }
0x74: {  	v22 =	vld.idx.msk [tilespmem:v3+s21+$0x0], $0xffff  }
0x75: {  	v23 =	vld.idx.msk [tilespmem:v4+s20+$0x0], $0xffff  }
0x76: {  	v24 =	vld.idx.msk [tilespmem:v4+s21+$0x0], $0xffff  }
0x77: {  	v25 =	vld.idx.msk [tilespmem:v5+s20+$0x0], $0xffff  }
0x78: {  	v26 =	vld.idx.msk [tilespmem:v5+s21+$0x0], $0xffff  }
0x79: {  	v38 =	vld.idx.msk [tilespmem:v6+s20+$0x0], $0xffff;
	vm0 =	veq.f32 v21, v20;
	v37 =	vmax.f32 v19, v22  }
0x7a: {  	v39 =	vld.idx.msk [tilespmem:v6+s21+$0x0], $0xffff;
	v19 =	vsel vm0, v37, v19  }
0x7b: {  	v41 =	vld.idx.msk [tilespmem:v7+s20+$0x0], $0xffff;
	vm14 =	veq.f32 v23, v20;
	v40 =	vmax.f32 v19, v24  }
0x7c: {  	v42 =	vld.idx.msk [tilespmem:v7+s21+$0x0], $0xffff;
	v19 =	vsel vm14, v40, v19  }
0x7d: {  	v44 =	vld.idx.msk [tilespmem:v9+s20+$0x0], $0xffff;
	vm15 =	veq.f32 v25, v20;
	v43 =	vmax.f32 v19, v26  }
0x7e: {  	v45 =	vld.idx.msk [tilespmem:v9+s21+$0x0], $0xffff;
	v19 =	vsel vm15, v43, v19  }
0x7f: {  	v46 =	vld.idx.msk [tilespmem:v10+s20+$0x0], $0xffff;
	vm4 =	veq.f32 v38, v20;
	v21 =	vmax.f32 v19, v39  }
0x80: {  	v47 =	vld.idx.msk [tilespmem:v10+s21+$0x0], $0xffff;
	v19 =	vsel vm4, v21, v19  }
0x81: {  	v48 =	vld.idx.msk [tilespmem:v8+s20+$0x0], $0xffff;
	vm5 =	veq.f32 v41, v20;
	v23 =	vmax.f32 v19, v42  }
0x82: {  	v49 =	vld.idx.msk [tilespmem:v8+s21+$0x0], $0xffff;
	v19 =	vsel vm5, v23, v19  }
0x83: {  	v50 =	vld.idx.msk [tilespmem:v11+s20+$0x0], $0xffff;
	vm6 =	veq.f32 v44, v20;
	v25 =	vmax.f32 v19, v45  }
0x84: {  	v51 =	vld.idx.msk [tilespmem:v11+s21+$0x0], $0xffff;
	v19 =	vsel vm6, v25, v19  }
0x85: {  	v52 =	vld.idx.msk [tilespmem:v12+s20+$0x0], $0xffff;
	vm7 =	veq.f32 v46, v20;
	v21 =	vmax.f32 v19, v47  }
0x86: {  	v53 =	vld.idx.msk [tilespmem:v12+s21+$0x0], $0xffff;
	v19 =	vsel vm7, v21, v19  }
0x87: {  	v54 =	vld.idx.msk [tilespmem:v13+s20+$0x0], $0xffff;
	vm8 =	veq.f32 v48, v20;
	v23 =	vmax.f32 v19, v49  }
0x88: {  	v55 =	vld.idx.msk [tilespmem:v13+s21+$0x0], $0xffff;
	v19 =	vsel vm8, v23, v19  }
0x89: {  	v56 =	vld.idx.msk [tilespmem:v14+s20+$0x0], $0xffff;
	vm9 =	veq.f32 v50, v20;
	v25 =	vmax.f32 v19, v51  }
0x8a: {  	v57 =	vld.idx.msk [tilespmem:v14+s21+$0x0], $0xffff;
	v19 =	vsel vm9, v25, v19  }
0x8b: {  	v58 =	vld.idx.msk [tilespmem:v15+s20+$0x0], $0xffff;
	vm10 =	veq.f32 v52, v20;
	v21 =	vmax.f32 v19, v53  }
0x8c: {  	v59 =	vld.idx.msk [tilespmem:v15+s21+$0x0], $0xffff;
	v19 =	vsel vm10, v21, v19  }
0x8d: {  	v60 =	vld.idx.msk [tilespmem:v16+s20+$0x0], $0xffff;
	vm11 =	veq.f32 v54, v20;
	v23 =	vmax.f32 v19, v55  }
0x8e: {  	v61 =	vld.idx.msk [tilespmem:v16+s21+$0x0], $0xffff;
	v19 =	vsel vm11, v23, v19  }
0x8f: {  	v62 =	vld.idx.msk [tilespmem:v17+s20+$0x0], $0xffff;
	vm12 =	veq.f32 v56, v20;
	v25 =	vmax.f32 v19, v57  }
0x90: {  	v63 =	vld.idx.msk [tilespmem:v17+s21+$0x0], $0xffff;
	v19 =	vsel vm12, v25, v19  }
0x91: {  	vm13 =	veq.f32 v58, v20;
	v21 =	vmax.f32 v19, v59  }
.Ltmp8:
0x92: {  	v19 =	vsel vm13, v21, v19;
	(pc) =	sbr.rel .LBB2_7-.Ltmp8, $4  }
0x93: {  	vm14 =	veq.f32 v60, v20;
	v21 =	vmax.f32 v19, v61  }
0x94: {  	v19 =	vsel vm14, v21, v19  }
0x95: {  	vm15 =	veq.f32 v62, v20;
	v20 =	vmax.f32 v19, v63  }
0x96: {  	v19 =	vsel vm15, v20, v19  }
.LBB2_10:
0x97: {  	_ =	sfence.sel $0x180000  }
0x98: {  	[bflag:$0x0] =	sbarrier.arrive $0xFFFF  }
0x99: {  	p0 =	sne.s32 s1, $0x0;
	_ =	strace $0x9000004D  }
0x9a: {  	s0 =	sadd.s32 @!p0 $0x100000, s2;
	[bflag:$0x2] =	sbarrier.arrive $0xFFFF  }
0x9b: {  	[sflag:s0] =	ssyncadd.tile.s32 @!p0 $0x1;
	_ =	shalt  }
.Lfunc_end2:
_tile_overlayer_lowered:
.L_overlay_start_2:
0x9c: {  	(tag) =	ssettag $0x2  }
0x9d: {  	s0 =	rddreg [dreg:$0x0];
	s2 =	stileid.u32  }
0x9e: {  	s1 =	rddreg [dreg:$0x1];
	p0 =	sne.s32 s2, $0x0  }
0x9f: {  	s3 =	rddreg [dreg:$0x2];
	[bflag:$0x3] =	sbarrier.arrive $0xFFFF;
	s2 =	simm.s32 @!p0 $0x1C02  }
0xa0: {  	[timem:s3], [sflag:s2] =	dma.local @!p0 [hbm:s0], s1  }
0xa1: {  	s0 =	simm.s32 @!p0 $0x2  }
0xa2: {  	_ =	swait.ge @!p0 [sflag:s0], s1  }
0xa3: {  	s1 =	ssub.s32 @!p0 $0x0, s1;
	[sflag:s0] =	ssyncset.done @!p0 $0x0  }
0xa4: {  	[sflag:s0] =	ssyncadd.s32 @!p0 s1  }
0xa5: {  	[bflag:$0x3] =	sbarrier.arrive $0xFFFF  }
0xa6: {  	_ =	shalt  }

</sc_bundles>
